<compile_context>
chip_gen: v7x
topology: tpu7x:2x2x1
jax: 0.10.2.dev20260603
libtpu: 0.0.44.dev20260713+nightly
codegen_flags: <defaults>
</compile_context>

<pallas_src>
import jax
import jax.numpy as jnp
from jax import lax
from jax.experimental import pallas as pl
from jax.experimental.pallas import tpu as pltpu
from jax.experimental.pallas import tpu_sc as plsc

N_NODES = 10000
D = 256
E = 160000
MARGIN = 10.0

NC = 2
NS = 16
NW = NC * NS
L = 16

EPW = E // NW
C = 64
TRIPS = EPW // C
TAIL = EPW - TRIPS * C
TP = L + 1


def _sqrt16(x):
    i = plsc.bitcast(x, jnp.int32)
    i = (i >> 1) + 0x1FBD1DF5
    y = plsc.bitcast(i, jnp.float32)
    y = 0.5 * (y + x / y)
    y = 0.5 * (y + x / y)
    y = 0.5 * (y + x / y)
    return y


def _pass1(arows, nrows, trans, nedges):

    @plsc.parallel_loop(0, nedges, step=1, unroll=2)
    def eloop(e):
        accs = [jnp.zeros((L,), jnp.float32) for _ in range(4)]
        for j in range(D // (2 * L)):
            a = arows[e, pl.ds(j * 2 * L, 2 * L)]
            n = nrows[e, pl.ds(j * 2 * L, 2 * L)]
            df = a - n
            lo, hi = plsc.unpack(df, format=plsc.PackFormat.INTERLEAVED,
                                 preferred_element_type=jnp.float32)
            accs[(2 * j) % 4] = accs[(2 * j) % 4] + lo * lo
            accs[(2 * j + 1) % 4] = accs[(2 * j + 1) % 4] + hi * hi
        trans[e, pl.ds(0, L)] = (accs[0] + accs[1]) + (accs[2] + accs[3])


def _group_ssq(trans, lanes, g):
    rows = lanes + g * L
    ssq = jnp.zeros((L,), jnp.float32)
    for l in range(L):
        col = jnp.full((L,), l, jnp.int32)
        ssq = ssq + plsc.load_gather(trans, [rows, col])
    return ssq


def _chunk_loss(arows, nrows, trans, lanes, ngroups):
    _pass1(arows, nrows, trans, ngroups * L)
    chunk = jnp.zeros((L,), jnp.float32)
    for g in range(ngroups):
        dist = _sqrt16(_group_ssq(trans, lanes, g))
        chunk = chunk + jnp.maximum(MARGIN - dist, 0.0)
    return chunk


def _body(emb, eidx, out, table_sh, aidx_v, nidx_v,
          arows0, nrows0, arows1, nrows1, trans, loss_v,
          sem_a0, sem_n0, sem_a1, sem_n1):
    wid = lax.axis_index("s") * NC + lax.axis_index("c")
    sid = lax.axis_index("s")
    lanes = lax.iota(jnp.int32, L)
    ebase = wid * EPW

    rps = N_NODES // NS
    pltpu.sync_copy(emb.at[pl.ds(sid * rps, rps)],
                    table_sh.at[pl.ds(sid * rps, rps)])

    pltpu.sync_copy(eidx.at[0, pl.ds(ebase, EPW)], aidx_v)
    pltpu.sync_copy(eidx.at[1, pl.ds(ebase, EPW)], nidx_v)
    plsc.subcore_barrier()

    def issue(t, arows, nrows, sem_a, sem_n):
        base = t * C
        pltpu.async_copy(emb.at[aidx_v.at[pl.ds(base, C)]], arows, sem_a)
        pltpu.async_copy(table_sh.at[nidx_v.at[pl.ds(base, C)]], nrows, sem_n)

    def wait(arows, nrows, sem_a, sem_n):
        pltpu.make_async_copy(emb.at[aidx_v.at[pl.ds(0, C)]], arows, sem_a).wait()
        pltpu.make_async_copy(table_sh.at[nidx_v.at[pl.ds(0, C)]], nrows, sem_n).wait()

    issue(0, arows0, nrows0, sem_a0, sem_n0)

    def pair(i, loss):
        t0 = 2 * i
        issue(t0 + 1, arows1, nrows1, sem_a1, sem_n1)
        wait(arows0, nrows0, sem_a0, sem_n0)
        loss = loss + _chunk_loss(arows0, nrows0, trans, lanes, C // L)
        issue(jnp.minimum(t0 + 2, TRIPS - 1), arows0, nrows0, sem_a0, sem_n0)
        wait(arows1, nrows1, sem_a1, sem_n1)
        loss = loss + _chunk_loss(arows1, nrows1, trans, lanes, C // L)
        return loss

    loss = lax.fori_loop(0, TRIPS // 2, pair, jnp.zeros((L,), jnp.float32))
    wait(arows0, nrows0, sem_a0, sem_n0)

    cp_a = pltpu.async_copy(
        emb.at[aidx_v.at[pl.ds(TRIPS * C, TAIL)]], arows0.at[pl.ds(0, TAIL)],
        sem_a0)
    cp_n = pltpu.async_copy(
        table_sh.at[nidx_v.at[pl.ds(TRIPS * C, TAIL)]],
        nrows0.at[pl.ds(0, TAIL)], sem_n0)
    cp_a.wait()
    cp_n.wait()
    _pass1(arows0, nrows0, trans, TAIL)
    dist = _sqrt16(_group_ssq(trans, lanes, 0))
    tail = jnp.where(lanes < TAIL, jnp.maximum(MARGIN - dist, 0.0), 0.0)

    loss_v[...] = loss + tail
    pltpu.sync_copy(loss_v, out.at[wid])


@jax.jit
def kernel(embeddings, edge_index):
    emb_bf = embeddings.astype(jnp.bfloat16)
    partial = pl.kernel(
        _body,
        out_type=jax.ShapeDtypeStruct((NW, L), jnp.float32),
        mesh=plsc.VectorSubcoreMesh(core_axis_name="c", subcore_axis_name="s"),
        compiler_params=pltpu.CompilerParams(
            use_tc_tiling_on_sc=False, needs_layout_passes=False),
        scratch_types=[
            pltpu.VMEM_SHARED((N_NODES, D), jnp.bfloat16),
            pltpu.VMEM((EPW,), jnp.int32),
            pltpu.VMEM((EPW,), jnp.int32),
            pltpu.VMEM((C, D), jnp.bfloat16),
            pltpu.VMEM((C, D), jnp.bfloat16),
            pltpu.VMEM((C, D), jnp.bfloat16),
            pltpu.VMEM((C, D), jnp.bfloat16),
            pltpu.VMEM((C, TP), jnp.float32),
            pltpu.VMEM((L,), jnp.float32),
            pltpu.SemaphoreType.DMA,
            pltpu.SemaphoreType.DMA,
            pltpu.SemaphoreType.DMA,
            pltpu.SemaphoreType.DMA,
        ],
    )(emb_bf, edge_index)
    return jnp.sum(partial) / E

# --- scband reference (transcript-rebuilt; emitter-appended) ---
"""Pipeline reference for scband-contrastive-loss-27925877358911 (READ-ONLY COPY).

The authoritative reference and input builder live on the scoring server;
editing this copy changes nothing except your own understanding.
"""

import jax, jax.numpy as jnp
import numpy as np

N_NODES = 10000
D_FEAT = 256
N_EDGES = 160000
MARGIN = 10.0
EPS = 1e-6


def setup_inputs(seed: int = 0) -> dict:
    key = jax.random.key(seed)
    k1, k2 = jax.random.split(key)
    embeddings = jax.random.normal(k1, (N_NODES, D_FEAT), dtype=jnp.float32)
    edge_index = jax.random.randint(k2, (2, N_EDGES), 0, N_NODES, dtype=jnp.int32)
    return {"embeddings": embeddings, "edge_index": edge_index}


def reference(embeddings, edge_index):
    # anchor / negative gathers (SparseCore-friendly jnp.take)
    anchor = jnp.take(embeddings, edge_index[0], axis=0)
    negative = jnp.take(embeddings, edge_index[1], axis=0)
    # torch F.pairwise_distance(x1, x2, p=2, eps=1e-6) == ||x1 - x2 + eps||_2
    diff = anchor - negative + EPS
    negative_distance = jnp.sqrt(jnp.sum(diff * diff, axis=1))
    losses = jax.nn.relu(-negative_distance + MARGIN)
    return jnp.mean(losses)

if __name__ == "__main__":
    import jax
    _d = setup_inputs()
    print(jax.jit(kernel)(*tuple(_d.values())))

</pallas_src>

<mosaic_0001>
#map = affine_map<(d0, d1) -> (0, 0)>
module attributes {stable_mosaic.version = 14 : i64} {
  func.func @_body(%arg0: i32, %arg1: i32, %arg2: memref<10000x256xbf16, #tpu.memory_space<hbm>>, %arg3: memref<2x160000xi32, #tpu.memory_space<hbm>>, %arg4: memref<32x16xf32, #tpu.memory_space<hbm>>, %arg5: memref<10000x256xbf16, #tpu.memory_space<vmem_shared>>, %arg6: memref<5000xi32, #tpu.memory_space<vmem>>, %arg7: memref<5000xi32, #tpu.memory_space<vmem>>, %arg8: memref<64x256xbf16, #tpu.memory_space<vmem>>, %arg9: memref<64x256xbf16, #tpu.memory_space<vmem>>, %arg10: memref<64x256xbf16, #tpu.memory_space<vmem>>, %arg11: memref<64x256xbf16, #tpu.memory_space<vmem>>, %arg12: memref<64x17xf32, #tpu.memory_space<vmem>>, %arg13: memref<16xf32, #tpu.memory_space<vmem>>, %arg14: memref<!tpu.dma_semaphore, #tpu.memory_space<semaphore_mem>>, %arg15: memref<!tpu.dma_semaphore, #tpu.memory_space<semaphore_mem>>, %arg16: memref<!tpu.dma_semaphore, #tpu.memory_space<semaphore_mem>>, %arg17: memref<!tpu.dma_semaphore, #tpu.memory_space<semaphore_mem>>) attributes {dimension_semantics = [#tpu.dimension_semantics<core_parallel>, #tpu.dimension_semantics<subcore_parallel>], iteration_bounds = array<i64: 2, 16>, scalar_prefetch = 0 : i64, scratch_operands = 13 : i64, tpu.core_type = #tpu.core_type<sc_vector_subcore>, window_params = [{transform_indices = #map}, {transform_indices = #map}, {transform_indices = #map}]} {
    %mul3A = arith.constant 2 : i32
    %mul3A_0 = arith.muli %arg1, %mul3A : i32
    %add3A = arith.addi %mul3A_0, %arg0 : i32
    %iota3A = tpu.iota {dimensions = array<i32: 0>} : vector<16xi32>
    %mul3A_1 = arith.constant 5000 : i32
    %mul3A_2 = arith.muli %add3A, %mul3A_1 : i32
    %mul3A_3 = arith.constant 625 : i32
    %mul3A_4 = arith.muli %arg1, %mul3A_3 : i32
    %mul3A_5 = arith.constant 625 : i32
    %mul3A_6 = arith.muli %arg1, %mul3A_5 : i32
    "tpu.region"() ({
      %run_scoped3A_163 = tpu.sem_alloc : memref<!tpu.dma_semaphore, #tpu.memory_space<semaphore_mem>>
      %dma_start3A_164 = arith.constant 0 : i32
      %dma_start3A_165 = tpu.memref_slice %arg5[%mul3A_6, %dma_start3A_164] : memref<10000x256xbf16, #tpu.memory_space<vmem_shared>> -> memref<625x256xbf16, #tpu.memory_space<vmem_shared>>
      %dma_start3A_166 = arith.constant 0 : i32
      %dma_start3A_167 = tpu.memref_slice %arg2[%mul3A_4, %dma_start3A_166] : memref<10000x256xbf16, #tpu.memory_space<hbm>> -> memref<625x256xbf16, #tpu.memory_space<hbm>>
      tpu.enqueue_dma source(%dma_start3A_167 : memref<625x256xbf16, #tpu.memory_space<hbm>>) target(%dma_start3A_165 : memref<625x256xbf16, #tpu.memory_space<vmem_shared>>) target_semaphore(%run_scoped3A_163 : memref<!tpu.dma_semaphore, #tpu.memory_space<semaphore_mem>>)
      %dma_wait3A_168 = arith.constant 0 : i32
      %dma_wait3A_169 = tpu.memref_slice %arg5[%mul3A_6, %dma_wait3A_168] : memref<10000x256xbf16, #tpu.memory_space<vmem_shared>> -> memref<625x256xbf16, #tpu.memory_space<vmem_shared>>
      %dma_wait3A_170 = arith.constant 0 : i32
      %dma_wait3A_171 = tpu.memref_slice %arg2[%mul3A_4, %dma_wait3A_170] : memref<10000x256xbf16, #tpu.memory_space<hbm>> -> memref<625x256xbf16, #tpu.memory_space<hbm>>
      tpu.wait_dma2 semaphore(%run_scoped3A_163 : memref<!tpu.dma_semaphore, #tpu.memory_space<semaphore_mem>>) src(%dma_wait3A_171 : memref<625x256xbf16, #tpu.memory_space<hbm>>) dst(%dma_wait3A_169 : memref<625x256xbf16, #tpu.memory_space<vmem_shared>>)
      tpu.yield
    }) : () -> ()
    %run_scoped3A = arith.constant 0 : i32
    "tpu.region"() ({
      %run_scoped3A_163 = tpu.sem_alloc : memref<!tpu.dma_semaphore, #tpu.memory_space<semaphore_mem>>
      %dma_start3A_164 = tpu.memref_slice %arg3[%run_scoped3A, %mul3A_2] : memref<2x160000xi32, #tpu.memory_space<hbm>> -> memref<1x5000xi32, #tpu.memory_space<hbm>>
      %dma_start3A_165 = tpu.memref_squeeze %dma_start3A_164 : memref<1x5000xi32, #tpu.memory_space<hbm>> -> memref<5000xi32, #tpu.memory_space<hbm>>
      %dma_start3A_166 = tpu.memref_slice %arg3[%run_scoped3A, %mul3A_2] : memref<2x160000xi32, #tpu.memory_space<hbm>> -> memref<1x5000xi32, #tpu.memory_space<hbm>>
      %dma_start3A_167 = tpu.memref_squeeze %dma_start3A_166 : memref<1x5000xi32, #tpu.memory_space<hbm>> -> memref<5000xi32, #tpu.memory_space<hbm>>
      tpu.enqueue_dma source(%dma_start3A_167 : memref<5000xi32, #tpu.memory_space<hbm>>) target(%arg6 : memref<5000xi32, #tpu.memory_space<vmem>>) target_semaphore(%run_scoped3A_163 : memref<!tpu.dma_semaphore, #tpu.memory_space<semaphore_mem>>)
      %dma_wait3A_168 = tpu.memref_slice %arg3[%run_scoped3A, %mul3A_2] : memref<2x160000xi32, #tpu.memory_space<hbm>> -> memref<1x5000xi32, #tpu.memory_space<hbm>>
      %dma_wait3A_169 = tpu.memref_squeeze %dma_wait3A_168 : memref<1x5000xi32, #tpu.memory_space<hbm>> -> memref<5000xi32, #tpu.memory_space<hbm>>
      %dma_wait3A_170 = tpu.memref_slice %arg3[%run_scoped3A, %mul3A_2] : memref<2x160000xi32, #tpu.memory_space<hbm>> -> memref<1x5000xi32, #tpu.memory_space<hbm>>
      %dma_wait3A_171 = tpu.memref_squeeze %dma_wait3A_170 : memref<1x5000xi32, #tpu.memory_space<hbm>> -> memref<5000xi32, #tpu.memory_space<hbm>>
      tpu.wait_dma2 semaphore(%run_scoped3A_163 : memref<!tpu.dma_semaphore, #tpu.memory_space<semaphore_mem>>) src(%dma_wait3A_171 : memref<5000xi32, #tpu.memory_space<hbm>>) dst(%arg6 : memref<5000xi32, #tpu.memory_space<vmem>>)
      tpu.yield
    }) : () -> ()
    %run_scoped3A_7 = arith.constant 1 : i32
    "tpu.region"() ({
      %run_scoped3A_163 = tpu.sem_alloc : memref<!tpu.dma_semaphore, #tpu.memory_space<semaphore_mem>>
      %dma_start3A_164 = tpu.memref_slice %arg3[%run_scoped3A_7, %mul3A_2] : memref<2x160000xi32, #tpu.memory_space<hbm>> -> memref<1x5000xi32, #tpu.memory_space<hbm>>
      %dma_start3A_165 = tpu.memref_squeeze %dma_start3A_164 : memref<1x5000xi32, #tpu.memory_space<hbm>> -> memref<5000xi32, #tpu.memory_space<hbm>>
      %dma_start3A_166 = tpu.memref_slice %arg3[%run_scoped3A_7, %mul3A_2] : memref<2x160000xi32, #tpu.memory_space<hbm>> -> memref<1x5000xi32, #tpu.memory_space<hbm>>
      %dma_start3A_167 = tpu.memref_squeeze %dma_start3A_166 : memref<1x5000xi32, #tpu.memory_space<hbm>> -> memref<5000xi32, #tpu.memory_space<hbm>>
      tpu.enqueue_dma source(%dma_start3A_167 : memref<5000xi32, #tpu.memory_space<hbm>>) target(%arg7 : memref<5000xi32, #tpu.memory_space<vmem>>) target_semaphore(%run_scoped3A_163 : memref<!tpu.dma_semaphore, #tpu.memory_space<semaphore_mem>>)
      %dma_wait3A_168 = tpu.memref_slice %arg3[%run_scoped3A_7, %mul3A_2] : memref<2x160000xi32, #tpu.memory_space<hbm>> -> memref<1x5000xi32, #tpu.memory_space<hbm>>
      %dma_wait3A_169 = tpu.memref_squeeze %dma_wait3A_168 : memref<1x5000xi32, #tpu.memory_space<hbm>> -> memref<5000xi32, #tpu.memory_space<hbm>>
      %dma_wait3A_170 = tpu.memref_slice %arg3[%run_scoped3A_7, %mul3A_2] : memref<2x160000xi32, #tpu.memory_space<hbm>> -> memref<1x5000xi32, #tpu.memory_space<hbm>>
      %dma_wait3A_171 = tpu.memref_squeeze %dma_wait3A_170 : memref<1x5000xi32, #tpu.memory_space<hbm>> -> memref<5000xi32, #tpu.memory_space<hbm>>
      tpu.wait_dma2 semaphore(%run_scoped3A_163 : memref<!tpu.dma_semaphore, #tpu.memory_space<semaphore_mem>>) src(%dma_wait3A_171 : memref<5000xi32, #tpu.memory_space<hbm>>) dst(%arg7 : memref<5000xi32, #tpu.memory_space<vmem>>)
      tpu.yield
    }) : () -> ()
    %barrier3A = arith.constant 0 : index
    tpu.barrier barrier_id(%barrier3A)
    %dma_start3A = arith.constant 0 : i32
    %dma_start3A_8 = tpu.memref_slice %arg6[%dma_start3A] : memref<5000xi32, #tpu.memory_space<vmem>> -> memref<64xi32, #tpu.memory_space<vmem>>
    %dma_start3A_9 = arith.constant 0 : i32
    %dma_start3A_10 = arith.constant 0 : i32
    %dma_start3A_11 = tpu.memref_slice %arg2[%dma_start3A_9, %dma_start3A_10] : memref<10000x256xbf16, #tpu.memory_space<hbm>> -> memref<10000x256xbf16, #tpu.memory_space<hbm>>
    tpu.enqueue_indirect_dma source(%dma_start3A_11 : memref<10000x256xbf16, #tpu.memory_space<hbm>>) target(%arg8 : memref<64x256xbf16, #tpu.memory_space<vmem>>) offsets(%dma_start3A_8 : memref<64xi32, #tpu.memory_space<vmem>>) semaphore(%arg14 : memref<!tpu.dma_semaphore, #tpu.memory_space<semaphore_mem>>)
    %dma_start3A_12 = arith.constant 0 : i32
    %dma_start3A_13 = tpu.memref_slice %arg7[%dma_start3A_12] : memref<5000xi32, #tpu.memory_space<vmem>> -> memref<64xi32, #tpu.memory_space<vmem>>
    %dma_start3A_14 = arith.constant 0 : i32
    %dma_start3A_15 = arith.constant 0 : i32
    %dma_start3A_16 = tpu.memref_slice %arg5[%dma_start3A_14, %dma_start3A_15] : memref<10000x256xbf16, #tpu.memory_space<vmem_shared>> -> memref<10000x256xbf16, #tpu.memory_space<vmem_shared>>
    tpu.enqueue_indirect_dma source(%dma_start3A_16 : memref<10000x256xbf16, #tpu.memory_space<vmem_shared>>) target(%arg9 : memref<64x256xbf16, #tpu.memory_space<vmem>>) offsets(%dma_start3A_13 : memref<64xi32, #tpu.memory_space<vmem>>) semaphore(%arg15 : memref<!tpu.dma_semaphore, #tpu.memory_space<semaphore_mem>>)
    %broadcast_in_dim3A = arith.constant 0.000000e+00 : f32
    %broadcast_in_dim3A_17 = vector.broadcast %broadcast_in_dim3A : f32 to vector<16xf32>
    %scan3A = arith.constant 0 : i32
    %scan3A_18 = arith.constant 39 : i32
    %scan3A_19 = arith.addi %scan3A, %scan3A_18 : i32
    %scan3A_20 = arith.constant 1 : i32
    %scan3A_21 = scf.for %scan3A_163 = %scan3A to %scan3A_19 step %scan3A_20 iter_args(%scan3A_164 = %broadcast_in_dim3A_17) -> (vector<16xf32>)  : i32 {
      %mul3A_165 = arith.constant 2 : i32
      %mul3A_166 = arith.muli %mul3A_165, %scan3A_163 : i32
      %add3A_167 = arith.constant 1 : i32
      %add3A_168 = arith.addi %mul3A_166, %add3A_167 : i32
      %mul3A_169 = arith.constant 64 : i32
      %mul3A_170 = arith.muli %add3A_168, %mul3A_169 : i32
      %dma_start3A_171 = tpu.memref_slice %arg6[%mul3A_170] : memref<5000xi32, #tpu.memory_space<vmem>> -> memref<64xi32, #tpu.memory_space<vmem>>
      %dma_start3A_172 = arith.constant 0 : i32
      %dma_start3A_173 = arith.constant 0 : i32
      %dma_start3A_174 = tpu.memref_slice %arg2[%dma_start3A_172, %dma_start3A_173] : memref<10000x256xbf16, #tpu.memory_space<hbm>> -> memref<10000x256xbf16, #tpu.memory_space<hbm>>
      tpu.enqueue_indirect_dma source(%dma_start3A_174 : memref<10000x256xbf16, #tpu.memory_space<hbm>>) target(%arg10 : memref<64x256xbf16, #tpu.memory_space<vmem>>) offsets(%dma_start3A_171 : memref<64xi32, #tpu.memory_space<vmem>>) semaphore(%arg16 : memref<!tpu.dma_semaphore, #tpu.memory_space<semaphore_mem>>)
      %dma_start3A_175 = tpu.memref_slice %arg7[%mul3A_170] : memref<5000xi32, #tpu.memory_space<vmem>> -> memref<64xi32, #tpu.memory_space<vmem>>
      %dma_start3A_176 = arith.constant 0 : i32
      %dma_start3A_177 = arith.constant 0 : i32
      %dma_start3A_178 = tpu.memref_slice %arg5[%dma_start3A_176, %dma_start3A_177] : memref<10000x256xbf16, #tpu.memory_space<vmem_shared>> -> memref<10000x256xbf16, #tpu.memory_space<vmem_shared>>
      tpu.enqueue_indirect_dma source(%dma_start3A_178 : memref<10000x256xbf16, #tpu.memory_space<vmem_shared>>) target(%arg11 : memref<64x256xbf16, #tpu.memory_space<vmem>>) offsets(%dma_start3A_175 : memref<64xi32, #tpu.memory_space<vmem>>) semaphore(%arg17 : memref<!tpu.dma_semaphore, #tpu.memory_space<semaphore_mem>>)
      %dma_wait3A_179 = arith.constant 0 : i32
      %dma_wait3A_180 = tpu.memref_slice %arg6[%dma_wait3A_179] : memref<5000xi32, #tpu.memory_space<vmem>> -> memref<64xi32, #tpu.memory_space<vmem>>
      %dma_wait3A_181 = arith.constant 0 : i32
      %dma_wait3A_182 = arith.constant 0 : i32
      %dma_wait3A_183 = tpu.memref_slice %arg2[%dma_wait3A_181, %dma_wait3A_182] : memref<10000x256xbf16, #tpu.memory_space<hbm>> -> memref<10000x256xbf16, #tpu.memory_space<hbm>>
      tpu.wait_indirect_dma semaphore(%arg14 : memref<!tpu.dma_semaphore, #tpu.memory_space<semaphore_mem>>) src(%dma_wait3A_183 : memref<10000x256xbf16, #tpu.memory_space<hbm>>) dst(%arg8 : memref<64x256xbf16, #tpu.memory_space<vmem>>)
      %dma_wait3A_184 = arith.constant 0 : i32
      %dma_wait3A_185 = tpu.memref_slice %arg7[%dma_wait3A_184] : memref<5000xi32, #tpu.memory_space<vmem>> -> memref<64xi32, #tpu.memory_space<vmem>>
      %dma_wait3A_186 = arith.constant 0 : i32
      %dma_wait3A_187 = arith.constant 0 : i32
      %dma_wait3A_188 = tpu.memref_slice %arg5[%dma_wait3A_186, %dma_wait3A_187] : memref<10000x256xbf16, #tpu.memory_space<vmem_shared>> -> memref<10000x256xbf16, #tpu.memory_space<vmem_shared>>
      tpu.wait_indirect_dma semaphore(%arg15 : memref<!tpu.dma_semaphore, #tpu.memory_space<semaphore_mem>>) src(%dma_wait3A_188 : memref<10000x256xbf16, #tpu.memory_space<vmem_shared>>) dst(%arg9 : memref<64x256xbf16, #tpu.memory_space<vmem>>)
      %parallel_loop3A_189 = arith.constant 0 : i32
      %parallel_loop3A_190 = arith.constant 64 : i32
      %parallel_loop3A_191 = arith.constant 1 : i32
      scf.for %parallel_loop3A_1016 = %parallel_loop3A_189 to %parallel_loop3A_190 step %parallel_loop3A_191  : i32 {
        %parallel_loop3A_1017 = arith.constant 0.000000e+00 : f32
        %parallel_loop3A_1018 = vector.broadcast %parallel_loop3A_1017 : f32 to vector<16xf32>
        %parallel_loop3A_1019 = arith.constant 0.000000e+00 : f32
        %parallel_loop3A_1020 = vector.broadcast %parallel_loop3A_1019 : f32 to vector<16xf32>
        %parallel_loop3A_1021 = arith.constant 0.000000e+00 : f32
        %parallel_loop3A_1022 = vector.broadcast %parallel_loop3A_1021 : f32 to vector<16xf32>
        %parallel_loop3A_1023 = arith.constant 0.000000e+00 : f32
        %parallel_loop3A_1024 = vector.broadcast %parallel_loop3A_1023 : f32 to vector<16xf32>
        %parallel_loop3A_1025 = arith.index_cast %parallel_loop3A_1016 : i32 to index
        %parallel_loop3A_1026 = arith.constant 0 : index
        %parallel_loop3A_1027 = tpu.vector_load %arg8[%parallel_loop3A_1025, %parallel_loop3A_1026] {strides = array<i32>} : memref<64x256xbf16, #tpu.memory_space<vmem>>, vector<32xbf16>,
        %parallel_loop3A_1028 = arith.index_cast %parallel_loop3A_1016 : i32 to index
        %parallel_loop3A_1029 = arith.constant 0 : index
        %parallel_loop3A_1030 = tpu.vector_load %arg9[%parallel_loop3A_1028, %parallel_loop3A_1029] {strides = array<i32>} : memref<64x256xbf16, #tpu.memory_space<vmem>>, vector<32xbf16>,
        %parallel_loop3A_1031 = arith.subf %parallel_loop3A_1027, %parallel_loop3A_1030 : vector<32xbf16>
        %parallel_loop3A_1032 = tpu.unpack_subelements %parallel_loop3A_1031, 0 {pack_format = #tpu.pack_format<interleaved>} : vector<32xbf16> -> vector<16xf32>
        %parallel_loop3A_1033 = tpu.unpack_subelements %parallel_loop3A_1031, 1 {pack_format = #tpu.pack_format<interleaved>} : vector<32xbf16> -> vector<16xf32>
        %parallel_loop3A_1034 = arith.mulf %parallel_loop3A_1032, %parallel_loop3A_1032 : vector<16xf32>
        %parallel_loop3A_1035 = arith.addf %parallel_loop3A_1018, %parallel_loop3A_1034 : vector<16xf32>
        %parallel_loop3A_1036 = arith.mulf %parallel_loop3A_1033, %parallel_loop3A_1033 : vector<16xf32>
        %parallel_loop3A_1037 = arith.addf %parallel_loop3A_1020, %parallel_loop3A_1036 : vector<16xf32>
        %parallel_loop3A_1038 = arith.index_cast %parallel_loop3A_1016 : i32 to index
        %parallel_loop3A_1039 = arith.constant 32 : index
        %parallel_loop3A_1040 = tpu.vector_load %arg8[%parallel_loop3A_1038, %parallel_loop3A_1039] {strides = array<i32>} : memref<64x256xbf16, #tpu.memory_space<vmem>>, vector<32xbf16>,
        %parallel_loop3A_1041 = arith.index_cast %parallel_loop3A_1016 : i32 to index
        %parallel_loop3A_1042 = arith.constant 32 : index
        %parallel_loop3A_1043 = tpu.vector_load %arg9[%parallel_loop3A_1041, %parallel_loop3A_1042] {strides = array<i32>} : memref<64x256xbf16, #tpu.memory_space<vmem>>, vector<32xbf16>,
        %parallel_loop3A_1044 = arith.subf %parallel_loop3A_1040, %parallel_loop3A_1043 : vector<32xbf16>
        %parallel_loop3A_1045 = tpu.unpack_subelements %parallel_loop3A_1044, 0 {pack_format = #tpu.pack_format<interleaved>} : vector<32xbf16> -> vector<16xf32>
        %parallel_loop3A_1046 = tpu.unpack_subelements %parallel_loop3A_1044, 1 {pack_format = #tpu.pack_format<interleaved>} : vector<32xbf16> -> vector<16xf32>
        %parallel_loop3A_1047 = arith.mulf %parallel_loop3A_1045, %parallel_loop3A_1045 : vector<16xf32>
        %parallel_loop3A_1048 = arith.addf %parallel_loop3A_1022, %parallel_loop3A_1047 : vector<16xf32>
        %parallel_loop3A_1049 = arith.mulf %parallel_loop3A_1046, %parallel_loop3A_1046 : vector<16xf32>
        %parallel_loop3A_1050 = arith.addf %parallel_loop3A_1024, %parallel_loop3A_1049 : vector<16xf32>
        %parallel_loop3A_1051 = arith.index_cast %parallel_loop3A_1016 : i32 to index
        %parallel_loop3A_1052 = arith.constant 64 : index
        %parallel_loop3A_1053 = tpu.vector_load %arg8[%parallel_loop3A_1051, %parallel_loop3A_1052] {strides = array<i32>} : memref<64x256xbf16, #tpu.memory_space<vmem>>, vector<32xbf16>,
        %parallel_loop3A_1054 = arith.index_cast %parallel_loop3A_1016 : i32 to index
        %parallel_loop3A_1055 = arith.constant 64 : index
        %parallel_loop3A_1056 = tpu.vector_load %arg9[%parallel_loop3A_1054, %parallel_loop3A_1055] {strides = array<i32>} : memref<64x256xbf16, #tpu.memory_space<vmem>>, vector<32xbf16>,
        %parallel_loop3A_1057 = arith.subf %parallel_loop3A_1053, %parallel_loop3A_1056 : vector<32xbf16>
        %parallel_loop3A_1058 = tpu.unpack_subelements %parallel_loop3A_1057, 0 {pack_format = #tpu.pack_format<interleaved>} : vector<32xbf16> -> vector<16xf32>
        %parallel_loop3A_1059 = tpu.unpack_subelements %parallel_loop3A_1057, 1 {pack_format = #tpu.pack_format<interleaved>} : vector<32xbf16> -> vector<16xf32>
        %parallel_loop3A_1060 = arith.mulf %parallel_loop3A_1058, %parallel_loop3A_1058 : vector<16xf32>
        %parallel_loop3A_1061 = arith.addf %parallel_loop3A_1035, %parallel_loop3A_1060 : vector<16xf32>
        %parallel_loop3A_1062 = arith.mulf %parallel_loop3A_1059, %parallel_loop3A_1059 : vector<16xf32>
        %parallel_loop3A_1063 = arith.addf %parallel_loop3A_1037, %parallel_loop3A_1062 : vector<16xf32>
        %parallel_loop3A_1064 = arith.index_cast %parallel_loop3A_1016 : i32 to index
        %parallel_loop3A_1065 = arith.constant 96 : index
        %parallel_loop3A_1066 = tpu.vector_load %arg8[%parallel_loop3A_1064, %parallel_loop3A_1065] {strides = array<i32>} : memref<64x256xbf16, #tpu.memory_space<vmem>>, vector<32xbf16>,
        %parallel_loop3A_1067 = arith.index_cast %parallel_loop3A_1016 : i32 to index
        %parallel_loop3A_1068 = arith.constant 96 : index
        %parallel_loop3A_1069 = tpu.vector_load %arg9[%parallel_loop3A_1067, %parallel_loop3A_1068] {strides = array<i32>} : memref<64x256xbf16, #tpu.memory_space<vmem>>, vector<32xbf16>,
        %parallel_loop3A_1070 = arith.subf %parallel_loop3A_1066, %parallel_loop3A_1069 : vector<32xbf16>
        %parallel_loop3A_1071 = tpu.unpack_subelements %parallel_loop3A_1070, 0 {pack_format = #tpu.pack_format<interleaved>} : vector<32xbf16> -> vector<16xf32>
        %parallel_loop3A_1072 = tpu.unpack_subelements %parallel_loop3A_1070, 1 {pack_format = #tpu.pack_format<interleaved>} : vector<32xbf16> -> vector<16xf32>
        %parallel_loop3A_1073 = arith.mulf %parallel_loop3A_1071, %parallel_loop3A_1071 : vector<16xf32>
        %parallel_loop3A_1074 = arith.addf %parallel_loop3A_1048, %parallel_loop3A_1073 : vector<16xf32>
        %parallel_loop3A_1075 = arith.mulf %parallel_loop3A_1072, %parallel_loop3A_1072 : vector<16xf32>
        %parallel_loop3A_1076 = arith.addf %parallel_loop3A_1050, %parallel_loop3A_1075 : vector<16xf32>
        %parallel_loop3A_1077 = arith.index_cast %parallel_loop3A_1016 : i32 to index
        %parallel_loop3A_1078 = arith.constant 128 : index
        %parallel_loop3A_1079 = tpu.vector_load %arg8[%parallel_loop3A_1077, %parallel_loop3A_1078] {strides = array<i32>} : memref<64x256xbf16, #tpu.memory_space<vmem>>, vector<32xbf16>,
        %parallel_loop3A_1080 = arith.index_cast %parallel_loop3A_1016 : i32 to index
        %parallel_loop3A_1081 = arith.constant 128 : index
        %parallel_loop3A_1082 = tpu.vector_load %arg9[%parallel_loop3A_1080, %parallel_loop3A_1081] {strides = array<i32>} : memref<64x256xbf16, #tpu.memory_space<vmem>>, vector<32xbf16>,
        %parallel_loop3A_1083 = arith.subf %parallel_loop3A_1079, %parallel_loop3A_1082 : vector<32xbf16>
        %parallel_loop3A_1084 = tpu.unpack_subelements %parallel_loop3A_1083, 0 {pack_format = #tpu.pack_format<interleaved>} : vector<32xbf16> -> vector<16xf32>
        %parallel_loop3A_1085 = tpu.unpack_subelements %parallel_loop3A_1083, 1 {pack_format = #tpu.pack_format<interleaved>} : vector<32xbf16> -> vector<16xf32>
        %parallel_loop3A_1086 = arith.mulf %parallel_loop3A_1084, %parallel_loop3A_1084 : vector<16xf32>
        %parallel_loop3A_1087 = arith.addf %parallel_loop3A_1061, %parallel_loop3A_1086 : vector<16xf32>
        %parallel_loop3A_1088 = arith.mulf %parallel_loop3A_1085, %parallel_loop3A_1085 : vector<16xf32>
        %parallel_loop3A_1089 = arith.addf %parallel_loop3A_1063, %parallel_loop3A_1088 : vector<16xf32>
        %parallel_loop3A_1090 = arith.index_cast %parallel_loop3A_1016 : i32 to index
        %parallel_loop3A_1091 = arith.constant 160 : index
        %parallel_loop3A_1092 = tpu.vector_load %arg8[%parallel_loop3A_1090, %parallel_loop3A_1091] {strides = array<i32>} : memref<64x256xbf16, #tpu.memory_space<vmem>>, vector<32xbf16>,
        %parallel_loop3A_1093 = arith.index_cast %parallel_loop3A_1016 : i32 to index
        %parallel_loop3A_1094 = arith.constant 160 : index
        %parallel_loop3A_1095 = tpu.vector_load %arg9[%parallel_loop3A_1093, %parallel_loop3A_1094] {strides = array<i32>} : memref<64x256xbf16, #tpu.memory_space<vmem>>, vector<32xbf16>,
        %parallel_loop3A_1096 = arith.subf %parallel_loop3A_1092, %parallel_loop3A_1095 : vector<32xbf16>
        %parallel_loop3A_1097 = tpu.unpack_subelements %parallel_loop3A_1096, 0 {pack_format = #tpu.pack_format<interleaved>} : vector<32xbf16> -> vector<16xf32>
        %parallel_loop3A_1098 = tpu.unpack_subelements %parallel_loop3A_1096, 1 {pack_format = #tpu.pack_format<interleaved>} : vector<32xbf16> -> vector<16xf32>
        %parallel_loop3A_1099 = arith.mulf %parallel_loop3A_1097, %parallel_loop3A_1097 : vector<16xf32>
        %parallel_loop3A_1100 = arith.addf %parallel_loop3A_1074, %parallel_loop3A_1099 : vector<16xf32>
        %parallel_loop3A_1101 = arith.mulf %parallel_loop3A_1098, %parallel_loop3A_1098 : vector<16xf32>
        %parallel_loop3A_1102 = arith.addf %parallel_loop3A_1076, %parallel_loop3A_1101 : vector<16xf32>
        %parallel_loop3A_1103 = arith.index_cast %parallel_loop3A_1016 : i32 to index
        %parallel_loop3A_1104 = arith.constant 192 : index
        %parallel_loop3A_1105 = tpu.vector_load %arg8[%parallel_loop3A_1103, %parallel_loop3A_1104] {strides = array<i32>} : memref<64x256xbf16, #tpu.memory_space<vmem>>, vector<32xbf16>,
        %parallel_loop3A_1106 = arith.index_cast %parallel_loop3A_1016 : i32 to index
        %parallel_loop3A_1107 = arith.constant 192 : index
        %parallel_loop3A_1108 = tpu.vector_load %arg9[%parallel_loop3A_1106, %parallel_loop3A_1107] {strides = array<i32>} : memref<64x256xbf16, #tpu.memory_space<vmem>>, vector<32xbf16>,
        %parallel_loop3A_1109 = arith.subf %parallel_loop3A_1105, %parallel_loop3A_1108 : vector<32xbf16>
        %parallel_loop3A_1110 = tpu.unpack_subelements %parallel_loop3A_1109, 0 {pack_format = #tpu.pack_format<interleaved>} : vector<32xbf16> -> vector<16xf32>
        %parallel_loop3A_1111 = tpu.unpack_subelements %parallel_loop3A_1109, 1 {pack_format = #tpu.pack_format<interleaved>} : vector<32xbf16> -> vector<16xf32>
        %parallel_loop3A_1112 = arith.mulf %parallel_loop3A_1110, %parallel_loop3A_1110 : vector<16xf32>
        %parallel_loop3A_1113 = arith.addf %parallel_loop3A_1087, %parallel_loop3A_1112 : vector<16xf32>
        %parallel_loop3A_1114 = arith.mulf %parallel_loop3A_1111, %parallel_loop3A_1111 : vector<16xf32>
        %parallel_loop3A_1115 = arith.addf %parallel_loop3A_1089, %parallel_loop3A_1114 : vector<16xf32>
        %parallel_loop3A_1116 = arith.index_cast %parallel_loop3A_1016 : i32 to index
        %parallel_loop3A_1117 = arith.constant 224 : index
        %parallel_loop3A_1118 = tpu.vector_load %arg8[%parallel_loop3A_1116, %parallel_loop3A_1117] {strides = array<i32>} : memref<64x256xbf16, #tpu.memory_space<vmem>>, vector<32xbf16>,
        %parallel_loop3A_1119 = arith.index_cast %parallel_loop3A_1016 : i32 to index
        %parallel_loop3A_1120 = arith.constant 224 : index
        %parallel_loop3A_1121 = tpu.vector_load %arg9[%parallel_loop3A_1119, %parallel_loop3A_1120] {strides = array<i32>} : memref<64x256xbf16, #tpu.memory_space<vmem>>, vector<32xbf16>,
        %parallel_loop3A_1122 = arith.subf %parallel_loop3A_1118, %parallel_loop3A_1121 : vector<32xbf16>
        %parallel_loop3A_1123 = tpu.unpack_subelements %parallel_loop3A_1122, 0 {pack_format = #tpu.pack_format<interleaved>} : vector<32xbf16> -> vector<16xf32>
        %parallel_loop3A_1124 = tpu.unpack_subelements %parallel_loop3A_1122, 1 {pack_format = #tpu.pack_format<interleaved>} : vector<32xbf16> -> vector<16xf32>
        %parallel_loop3A_1125 = arith.mulf %parallel_loop3A_1123, %parallel_loop3A_1123 : vector<16xf32>
        %parallel_loop3A_1126 = arith.addf %parallel_loop3A_1100, %parallel_loop3A_1125 : vector<16xf32>
        %parallel_loop3A_1127 = arith.mulf %parallel_loop3A_1124, %parallel_loop3A_1124 : vector<16xf32>
        %parallel_loop3A_1128 = arith.addf %parallel_loop3A_1102, %parallel_loop3A_1127 : vector<16xf32>
        %parallel_loop3A_1129 = arith.addf %parallel_loop3A_1113, %parallel_loop3A_1115 : vector<16xf32>
        %parallel_loop3A_1130 = arith.addf %parallel_loop3A_1126, %parallel_loop3A_1128 : vector<16xf32>
        %parallel_loop3A_1131 = arith.addf %parallel_loop3A_1129, %parallel_loop3A_1130 : vector<16xf32>
        %parallel_loop3A_1132 = arith.index_cast %parallel_loop3A_1016 : i32 to index
        %parallel_loop3A_1133 = arith.constant 0 : index
        %parallel_loop3A_1134 = tpu.vector_load %arg12[%parallel_loop3A_1132, %parallel_loop3A_1133] {strides = array<i32>} : memref<64x17xf32, #tpu.memory_space<vmem>>, vector<16xf32>,
        tpu.vector_store %arg12[%parallel_loop3A_1132, %parallel_loop3A_1133], %parallel_loop3A_1131 {strides = array<i32>} : memref<64x17xf32, #tpu.memory_space<vmem>>, vector<16xf32>,
      } {sc.loop_unroll_factor = 2 : i64, sc.parallel_access}
      %broadcast_in_dim3A_192 = arith.constant 0.000000e+00 : f32
      %broadcast_in_dim3A_193 = vector.broadcast %broadcast_in_dim3A_192 : f32 to vector<16xf32>
      %add3A_194 = arith.constant 0 : i32
      %add3A_195 = vector.broadcast %add3A_194 : i32 to vector<16xi32>
      %add3A_196 = arith.addi %iota3A, %add3A_195 : vector<16xi32>
      %broadcast_in_dim3A_197 = arith.constant 0.000000e+00 : f32
      %broadcast_in_dim3A_198 = vector.broadcast %broadcast_in_dim3A_197 : f32 to vector<16xf32>
      %broadcast_in_dim3A_199 = arith.constant 0 : i32
      %broadcast_in_dim3A_200 = vector.broadcast %broadcast_in_dim3A_199 : i32 to vector<16xi32>
      %gather3A_201 = tpu.vector_load_idx %arg12[%add3A_196, %broadcast_in_dim3A_200] : memref<64x17xf32, #tpu.memory_space<vmem>>[vector<16xi32>, vector<16xi32>], vector<16xf32>,
      %add3A_202 = arith.addf %broadcast_in_dim3A_198, %gather3A_201 : vector<16xf32>
      %broadcast_in_dim3A_203 = arith.constant 1 : i32
      %broadcast_in_dim3A_204 = vector.broadcast %broadcast_in_dim3A_203 : i32 to vector<16xi32>
      %gather3A_205 = tpu.vector_load_idx %arg12[%add3A_196, %broadcast_in_dim3A_204] : memref<64x17xf32, #tpu.memory_space<vmem>>[vector<16xi32>, vector<16xi32>], vector<16xf32>,
      %add3A_206 = arith.addf %add3A_202, %gather3A_205 : vector<16xf32>
      %broadcast_in_dim3A_207 = arith.constant 2 : i32
      %broadcast_in_dim3A_208 = vector.broadcast %broadcast_in_dim3A_207 : i32 to vector<16xi32>
      %gather3A_209 = tpu.vector_load_idx %arg12[%add3A_196, %broadcast_in_dim3A_208] : memref<64x17xf32, #tpu.memory_space<vmem>>[vector<16xi32>, vector<16xi32>], vector<16xf32>,
      %add3A_210 = arith.addf %add3A_206, %gather3A_209 : vector<16xf32>
      %broadcast_in_dim3A_211 = arith.constant 3 : i32
      %broadcast_in_dim3A_212 = vector.broadcast %broadcast_in_dim3A_211 : i32 to vector<16xi32>
      %gather3A_213 = tpu.vector_load_idx %arg12[%add3A_196, %broadcast_in_dim3A_212] : memref<64x17xf32, #tpu.memory_space<vmem>>[vector<16xi32>, vector<16xi32>], vector<16xf32>,
      %add3A_214 = arith.addf %add3A_210, %gather3A_213 : vector<16xf32>
      %broadcast_in_dim3A_215 = arith.constant 4 : i32
      %broadcast_in_dim3A_216 = vector.broadcast %broadcast_in_dim3A_215 : i32 to vector<16xi32>
      %gather3A_217 = tpu.vector_load_idx %arg12[%add3A_196, %broadcast_in_dim3A_216] : memref<64x17xf32, #tpu.memory_space<vmem>>[vector<16xi32>, vector<16xi32>], vector<16xf32>,
      %add3A_218 = arith.addf %add3A_214, %gather3A_217 : vector<16xf32>
      %broadcast_in_dim3A_219 = arith.constant 5 : i32
      %broadcast_in_dim3A_220 = vector.broadcast %broadcast_in_dim3A_219 : i32 to vector<16xi32>
      %gather3A_221 = tpu.vector_load_idx %arg12[%add3A_196, %broadcast_in_dim3A_220] : memref<64x17xf32, #tpu.memory_space<vmem>>[vector<16xi32>, vector<16xi32>], vector<16xf32>,
      %add3A_222 = arith.addf %add3A_218, %gather3A_221 : vector<16xf32>
      %broadcast_in_dim3A_223 = arith.constant 6 : i32
      %broadcast_in_dim3A_224 = vector.broadcast %broadcast_in_dim3A_223 : i32 to vector<16xi32>
      %gather3A_225 = tpu.vector_load_idx %arg12[%add3A_196, %broadcast_in_dim3A_224] : memref<64x17xf32, #tpu.memory_space<vmem>>[vector<16xi32>, vector<16xi32>], vector<16xf32>,
      %add3A_226 = arith.addf %add3A_222, %gather3A_225 : vector<16xf32>
      %broadcast_in_dim3A_227 = arith.constant 7 : i32
      %broadcast_in_dim3A_228 = vector.broadcast %broadcast_in_dim3A_227 : i32 to vector<16xi32>
      %gather3A_229 = tpu.vector_load_idx %arg12[%add3A_196, %broadcast_in_dim3A_228] : memref<64x17xf32, #tpu.memory_space<vmem>>[vector<16xi32>, vector<16xi32>], vector<16xf32>,
      %add3A_230 = arith.addf %add3A_226, %gather3A_229 : vector<16xf32>
      %broadcast_in_dim3A_231 = arith.constant 8 : i32
      %broadcast_in_dim3A_232 = vector.broadcast %broadcast_in_dim3A_231 : i32 to vector<16xi32>
      %gather3A_233 = tpu.vector_load_idx %arg12[%add3A_196, %broadcast_in_dim3A_232] : memref<64x17xf32, #tpu.memory_space<vmem>>[vector<16xi32>, vector<16xi32>], vector<16xf32>,
      %add3A_234 = arith.addf %add3A_230, %gather3A_233 : vector<16xf32>
      %broadcast_in_dim3A_235 = arith.constant 9 : i32
      %broadcast_in_dim3A_236 = vector.broadcast %broadcast_in_dim3A_235 : i32 to vector<16xi32>
      %gather3A_237 = tpu.vector_load_idx %arg12[%add3A_196, %broadcast_in_dim3A_236] : memref<64x17xf32, #tpu.memory_space<vmem>>[vector<16xi32>, vector<16xi32>], vector<16xf32>,
      %add3A_238 = arith.addf %add3A_234, %gather3A_237 : vector<16xf32>
      %broadcast_in_dim3A_239 = arith.constant 10 : i32
      %broadcast_in_dim3A_240 = vector.broadcast %broadcast_in_dim3A_239 : i32 to vector<16xi32>
      %gather3A_241 = tpu.vector_load_idx %arg12[%add3A_196, %broadcast_in_dim3A_240] : memref<64x17xf32, #tpu.memory_space<vmem>>[vector<16xi32>, vector<16xi32>], vector<16xf32>,
      %add3A_242 = arith.addf %add3A_238, %gather3A_241 : vector<16xf32>
      %broadcast_in_dim3A_243 = arith.constant 11 : i32
      %broadcast_in_dim3A_244 = vector.broadcast %broadcast_in_dim3A_243 : i32 to vector<16xi32>
      %gather3A_245 = tpu.vector_load_idx %arg12[%add3A_196, %broadcast_in_dim3A_244] : memref<64x17xf32, #tpu.memory_space<vmem>>[vector<16xi32>, vector<16xi32>], vector<16xf32>,
      %add3A_246 = arith.addf %add3A_242, %gather3A_245 : vector<16xf32>
      %broadcast_in_dim3A_247 = arith.constant 12 : i32
      %broadcast_in_dim3A_248 = vector.broadcast %broadcast_in_dim3A_247 : i32 to vector<16xi32>
      %gather3A_249 = tpu.vector_load_idx %arg12[%add3A_196, %broadcast_in_dim3A_248] : memref<64x17xf32, #tpu.memory_space<vmem>>[vector<16xi32>, vector<16xi32>], vector<16xf32>,
      %add3A_250 = arith.addf %add3A_246, %gather3A_249 : vector<16xf32>
      %broadcast_in_dim3A_251 = arith.constant 13 : i32
      %broadcast_in_dim3A_252 = vector.broadcast %broadcast_in_dim3A_251 : i32 to vector<16xi32>
      %gather3A_253 = tpu.vector_load_idx %arg12[%add3A_196, %broadcast_in_dim3A_252] : memref<64x17xf32, #tpu.memory_space<vmem>>[vector<16xi32>, vector<16xi32>], vector<16xf32>,
      %add3A_254 = arith.addf %add3A_250, %gather3A_253 : vector<16xf32>
      %broadcast_in_dim3A_255 = arith.constant 14 : i32
      %broadcast_in_dim3A_256 = vector.broadcast %broadcast_in_dim3A_255 : i32 to vector<16xi32>
      %gather3A_257 = tpu.vector_load_idx %arg12[%add3A_196, %broadcast_in_dim3A_256] : memref<64x17xf32, #tpu.memory_space<vmem>>[vector<16xi32>, vector<16xi32>], vector<16xf32>,
      %add3A_258 = arith.addf %add3A_254, %gather3A_257 : vector<16xf32>
      %broadcast_in_dim3A_259 = arith.constant 15 : i32
      %broadcast_in_dim3A_260 = vector.broadcast %broadcast_in_dim3A_259 : i32 to vector<16xi32>
      %gather3A_261 = tpu.vector_load_idx %arg12[%add3A_196, %broadcast_in_dim3A_260] : memref<64x17xf32, #tpu.memory_space<vmem>>[vector<16xi32>, vector<16xi32>], vector<16xf32>,
      %add3A_262 = arith.addf %add3A_258, %gather3A_261 : vector<16xf32>
      %bitcast3A_263 = vector.bitcast %add3A_262 : vector<16xf32> to vector<16xi32>
      %shift_right_arithmetic3A_264 = arith.constant 1 : i32
      %shift_right_arithmetic3A_265 = vector.broadcast %shift_right_arithmetic3A_264 : i32 to vector<16xi32>
      %shift_right_arithmetic3A_266 = arith.shrsi %bitcast3A_263, %shift_right_arithmetic3A_265 : vector<16xi32>
      %add3A_267 = arith.constant 532487669 : i32
      %add3A_268 = vector.broadcast %add3A_267 : i32 to vector<16xi32>
      %add3A_269 = arith.addi %shift_right_arithmetic3A_266, %add3A_268 : vector<16xi32>
      %bitcast3A_270 = vector.bitcast %add3A_269 : vector<16xi32> to vector<16xf32>
      %div3A_271 = arith.divf %add3A_262, %bitcast3A_270 : vector<16xf32>
      %add3A_272 = arith.addf %bitcast3A_270, %div3A_271 : vector<16xf32>
      %mul3A_273 = arith.constant 5.000000e-01 : f32
      %mul3A_274 = vector.broadcast %mul3A_273 : f32 to vector<16xf32>
      %mul3A_275 = arith.mulf %mul3A_274, %add3A_272 : vector<16xf32>
      %div3A_276 = arith.divf %add3A_262, %mul3A_275 : vector<16xf32>
      %add3A_277 = arith.addf %mul3A_275, %div3A_276 : vector<16xf32>
      %mul3A_278 = arith.constant 5.000000e-01 : f32
      %mul3A_279 = vector.broadcast %mul3A_278 : f32 to vector<16xf32>
      %mul3A_280 = arith.mulf %mul3A_279, %add3A_277 : vector<16xf32>
      %div3A_281 = arith.divf %add3A_262, %mul3A_280 : vector<16xf32>
      %add3A_282 = arith.addf %mul3A_280, %div3A_281 : vector<16xf32>
      %mul3A_283 = arith.constant 5.000000e-01 : f32
      %mul3A_284 = vector.broadcast %mul3A_283 : f32 to vector<16xf32>
      %mul3A_285 = arith.mulf %mul3A_284, %add3A_282 : vector<16xf32>
      %sub3A_286 = arith.constant 1.000000e+01 : f32
      %sub3A_287 = vector.broadcast %sub3A_286 : f32 to vector<16xf32>
      %sub3A_288 = arith.subf %sub3A_287, %mul3A_285 : vector<16xf32>
      %max3A_289 = arith.constant 0.000000e+00 : f32
      %max3A_290 = vector.broadcast %max3A_289 : f32 to vector<16xf32>
      %max3A_291 = arith.maximumf %sub3A_288, %max3A_290 : vector<16xf32>
      %add3A_292 = arith.addf %broadcast_in_dim3A_193, %max3A_291 : vector<16xf32>
      %add3A_293 = arith.constant 16 : i32
      %add3A_294 = vector.broadcast %add3A_293 : i32 to vector<16xi32>
      %add3A_295 = arith.addi %iota3A, %add3A_294 : vector<16xi32>
      %broadcast_in_dim3A_296 = arith.constant 0.000000e+00 : f32
      %broadcast_in_dim3A_297 = vector.broadcast %broadcast_in_dim3A_296 : f32 to vector<16xf32>
      %broadcast_in_dim3A_298 = arith.constant 0 : i32
      %broadcast_in_dim3A_299 = vector.broadcast %broadcast_in_dim3A_298 : i32 to vector<16xi32>
      %gather3A_300 = tpu.vector_load_idx %arg12[%add3A_295, %broadcast_in_dim3A_299] : memref<64x17xf32, #tpu.memory_space<vmem>>[vector<16xi32>, vector<16xi32>], vector<16xf32>,
      %add3A_301 = arith.addf %broadcast_in_dim3A_297, %gather3A_300 : vector<16xf32>
      %broadcast_in_dim3A_302 = arith.constant 1 : i32
      %broadcast_in_dim3A_303 = vector.broadcast %broadcast_in_dim3A_302 : i32 to vector<16xi32>
      %gather3A_304 = tpu.vector_load_idx %arg12[%add3A_295, %broadcast_in_dim3A_303] : memref<64x17xf32, #tpu.memory_space<vmem>>[vector<16xi32>, vector<16xi32>], vector<16xf32>,
      %add3A_305 = arith.addf %add3A_301, %gather3A_304 : vector<16xf32>
      %broadcast_in_dim3A_306 = arith.constant 2 : i32
      %broadcast_in_dim3A_307 = vector.broadcast %broadcast_in_dim3A_306 : i32 to vector<16xi32>
      %gather3A_308 = tpu.vector_load_idx %arg12[%add3A_295, %broadcast_in_dim3A_307] : memref<64x17xf32, #tpu.memory_space<vmem>>[vector<16xi32>, vector<16xi32>], vector<16xf32>,
      %add3A_309 = arith.addf %add3A_305, %gather3A_308 : vector<16xf32>
      %broadcast_in_dim3A_310 = arith.constant 3 : i32
      %broadcast_in_dim3A_311 = vector.broadcast %broadcast_in_dim3A_310 : i32 to vector<16xi32>
      %gather3A_312 = tpu.vector_load_idx %arg12[%add3A_295, %broadcast_in_dim3A_311] : memref<64x17xf32, #tpu.memory_space<vmem>>[vector<16xi32>, vector<16xi32>], vector<16xf32>,
      %add3A_313 = arith.addf %add3A_309, %gather3A_312 : vector<16xf32>
      %broadcast_in_dim3A_314 = arith.constant 4 : i32
      %broadcast_in_dim3A_315 = vector.broadcast %broadcast_in_dim3A_314 : i32 to vector<16xi32>
      %gather3A_316 = tpu.vector_load_idx %arg12[%add3A_295, %broadcast_in_dim3A_315] : memref<64x17xf32, #tpu.memory_space<vmem>>[vector<16xi32>, vector<16xi32>], vector<16xf32>,
      %add3A_317 = arith.addf %add3A_313, %gather3A_316 : vector<16xf32>
      %broadcast_in_dim3A_318 = arith.constant 5 : i32
      %broadcast_in_dim3A_319 = vector.broadcast %broadcast_in_dim3A_318 : i32 to vector<16xi32>
      %gather3A_320 = tpu.vector_load_idx %arg12[%add3A_295, %broadcast_in_dim3A_319] : memref<64x17xf32, #tpu.memory_space<vmem>>[vector<16xi32>, vector<16xi32>], vector<16xf32>,
      %add3A_321 = arith.addf %add3A_317, %gather3A_320 : vector<16xf32>
      %broadcast_in_dim3A_322 = arith.constant 6 : i32
      %broadcast_in_dim3A_323 = vector.broadcast %broadcast_in_dim3A_322 : i32 to vector<16xi32>
      %gather3A_324 = tpu.vector_load_idx %arg12[%add3A_295, %broadcast_in_dim3A_323] : memref<64x17xf32, #tpu.memory_space<vmem>>[vector<16xi32>, vector<16xi32>], vector<16xf32>,
      %add3A_325 = arith.addf %add3A_321, %gather3A_324 : vector<16xf32>
      %broadcast_in_dim3A_326 = arith.constant 7 : i32
      %broadcast_in_dim3A_327 = vector.broadcast %broadcast_in_dim3A_326 : i32 to vector<16xi32>
      %gather3A_328 = tpu.vector_load_idx %arg12[%add3A_295, %broadcast_in_dim3A_327] : memref<64x17xf32, #tpu.memory_space<vmem>>[vector<16xi32>, vector<16xi32>], vector<16xf32>,
      %add3A_329 = arith.addf %add3A_325, %gather3A_328 : vector<16xf32>
      %broadcast_in_dim3A_330 = arith.constant 8 : i32
      %broadcast_in_dim3A_331 = vector.broadcast %broadcast_in_dim3A_330 : i32 to vector<16xi32>
      %gather3A_332 = tpu.vector_load_idx %arg12[%add3A_295, %broadcast_in_dim3A_331] : memref<64x17xf32, #tpu.memory_space<vmem>>[vector<16xi32>, vector<16xi32>], vector<16xf32>,
      %add3A_333 = arith.addf %add3A_329, %gather3A_332 : vector<16xf32>
      %broadcast_in_dim3A_334 = arith.constant 9 : i32
      %broadcast_in_dim3A_335 = vector.broadcast %broadcast_in_dim3A_334 : i32 to vector<16xi32>
      %gather3A_336 = tpu.vector_load_idx %arg12[%add3A_295, %broadcast_in_dim3A_335] : memref<64x17xf32, #tpu.memory_space<vmem>>[vector<16xi32>, vector<16xi32>], vector<16xf32>,
      %add3A_337 = arith.addf %add3A_333, %gather3A_336 : vector<16xf32>
      %broadcast_in_dim3A_338 = arith.constant 10 : i32
      %broadcast_in_dim3A_339 = vector.broadcast %broadcast_in_dim3A_338 : i32 to vector<16xi32>
      %gather3A_340 = tpu.vector_load_idx %arg12[%add3A_295, %broadcast_in_dim3A_339] : memref<64x17xf32, #tpu.memory_space<vmem>>[vector<16xi32>, vector<16xi32>], vector<16xf32>,
      %add3A_341 = arith.addf %add3A_337, %gather3A_340 : vector<16xf32>
      %broadcast_in_dim3A_342 = arith.constant 11 : i32
      %broadcast_in_dim3A_343 = vector.broadcast %broadcast_in_dim3A_342 : i32 to vector<16xi32>
      %gather3A_344 = tpu.vector_load_idx %arg12[%add3A_295, %broadcast_in_dim3A_343] : memref<64x17xf32, #tpu.memory_space<vmem>>[vector<16xi32>, vector<16xi32>], vector<16xf32>,
      %add3A_345 = arith.addf %add3A_341, %gather3A_344 : vector<16xf32>
      %broadcast_in_dim3A_346 = arith.constant 12 : i32
      %broadcast_in_dim3A_347 = vector.broadcast %broadcast_in_dim3A_346 : i32 to vector<16xi32>
      %gather3A_348 = tpu.vector_load_idx %arg12[%add3A_295, %broadcast_in_dim3A_347] : memref<64x17xf32, #tpu.memory_space<vmem>>[vector<16xi32>, vector<16xi32>], vector<16xf32>,
      %add3A_349 = arith.addf %add3A_345, %gather3A_348 : vector<16xf32>
      %broadcast_in_dim3A_350 = arith.constant 13 : i32
      %broadcast_in_dim3A_351 = vector.broadcast %broadcast_in_dim3A_350 : i32 to vector<16xi32>
      %gather3A_352 = tpu.vector_load_idx %arg12[%add3A_295, %broadcast_in_dim3A_351] : memref<64x17xf32, #tpu.memory_space<vmem>>[vector<16xi32>, vector<16xi32>], vector<16xf32>,
      %add3A_353 = arith.addf %add3A_349, %gather3A_352 : vector<16xf32>
      %broadcast_in_dim3A_354 = arith.constant 14 : i32
      %broadcast_in_dim3A_355 = vector.broadcast %broadcast_in_dim3A_354 : i32 to vector<16xi32>
      %gather3A_356 = tpu.vector_load_idx %arg12[%add3A_295, %broadcast_in_dim3A_355] : memref<64x17xf32, #tpu.memory_space<vmem>>[vector<16xi32>, vector<16xi32>], vector<16xf32>,
      %add3A_357 = arith.addf %add3A_353, %gather3A_356 : vector<16xf32>
      %broadcast_in_dim3A_358 = arith.constant 15 : i32
      %broadcast_in_dim3A_359 = vector.broadcast %broadcast_in_dim3A_358 : i32 to vector<16xi32>
      %gather3A_360 = tpu.vector_load_idx %arg12[%add3A_295, %broadcast_in_dim3A_359] : memref<64x17xf32, #tpu.memory_space<vmem>>[vector<16xi32>, vector<16xi32>], vector<16xf32>,
      %add3A_361 = arith.addf %add3A_357, %gather3A_360 : vector<16xf32>
      %bitcast3A_362 = vector.bitcast %add3A_361 : vector<16xf32> to vector<16xi32>
      %shift_right_arithmetic3A_363 = arith.constant 1 : i32
      %shift_right_arithmetic3A_364 = vector.broadcast %shift_right_arithmetic3A_363 : i32 to vector<16xi32>
      %shift_right_arithmetic3A_365 = arith.shrsi %bitcast3A_362, %shift_right_arithmetic3A_364 : vector<16xi32>
      %add3A_366 = arith.constant 532487669 : i32
      %add3A_367 = vector.broadcast %add3A_366 : i32 to vector<16xi32>
      %add3A_368 = arith.addi %shift_right_arithmetic3A_365, %add3A_367 : vector<16xi32>
      %bitcast3A_369 = vector.bitcast %add3A_368 : vector<16xi32> to vector<16xf32>
      %div3A_370 = arith.divf %add3A_361, %bitcast3A_369 : vector<16xf32>
      %add3A_371 = arith.addf %bitcast3A_369, %div3A_370 : vector<16xf32>
      %mul3A_372 = arith.constant 5.000000e-01 : f32
      %mul3A_373 = vector.broadcast %mul3A_372 : f32 to vector<16xf32>
      %mul3A_374 = arith.mulf %mul3A_373, %add3A_371 : vector<16xf32>
      %div3A_375 = arith.divf %add3A_361, %mul3A_374 : vector<16xf32>
      %add3A_376 = arith.addf %mul3A_374, %div3A_375 : vector<16xf32>
      %mul3A_377 = arith.constant 5.000000e-01 : f32
      %mul3A_378 = vector.broadcast %mul3A_377 : f32 to vector<16xf32>
      %mul3A_379 = arith.mulf %mul3A_378, %add3A_376 : vector<16xf32>
      %div3A_380 = arith.divf %add3A_361, %mul3A_379 : vector<16xf32>
      %add3A_381 = arith.addf %mul3A_379, %div3A_380 : vector<16xf32>
      %mul3A_382 = arith.constant 5.000000e-01 : f32
      %mul3A_383 = vector.broadcast %mul3A_382 : f32 to vector<16xf32>
      %mul3A_384 = arith.mulf %mul3A_383, %add3A_381 : vector<16xf32>
      %sub3A_385 = arith.constant 1.000000e+01 : f32
      %sub3A_386 = vector.broadcast %sub3A_385 : f32 to vector<16xf32>
      %sub3A_387 = arith.subf %sub3A_386, %mul3A_384 : vector<16xf32>
      %max3A_388 = arith.constant 0.000000e+00 : f32
      %max3A_389 = vector.broadcast %max3A_388 : f32 to vector<16xf32>
      %max3A_390 = arith.maximumf %sub3A_387, %max3A_389 : vector<16xf32>
      %add3A_391 = arith.addf %add3A_292, %max3A_390 : vector<16xf32>
      %add3A_392 = arith.constant 32 : i32
      %add3A_393 = vector.broadcast %add3A_392 : i32 to vector<16xi32>
      %add3A_394 = arith.addi %iota3A, %add3A_393 : vector<16xi32>
      %broadcast_in_dim3A_395 = arith.constant 0.000000e+00 : f32
      %broadcast_in_dim3A_396 = vector.broadcast %broadcast_in_dim3A_395 : f32 to vector<16xf32>
      %broadcast_in_dim3A_397 = arith.constant 0 : i32
      %broadcast_in_dim3A_398 = vector.broadcast %broadcast_in_dim3A_397 : i32 to vector<16xi32>
      %gather3A_399 = tpu.vector_load_idx %arg12[%add3A_394, %broadcast_in_dim3A_398] : memref<64x17xf32, #tpu.memory_space<vmem>>[vector<16xi32>, vector<16xi32>], vector<16xf32>,
      %add3A_400 = arith.addf %broadcast_in_dim3A_396, %gather3A_399 : vector<16xf32>
      %broadcast_in_dim3A_401 = arith.constant 1 : i32
      %broadcast_in_dim3A_402 = vector.broadcast %broadcast_in_dim3A_401 : i32 to vector<16xi32>
      %gather3A_403 = tpu.vector_load_idx %arg12[%add3A_394, %broadcast_in_dim3A_402] : memref<64x17xf32, #tpu.memory_space<vmem>>[vector<16xi32>, vector<16xi32>], vector<16xf32>,
      %add3A_404 = arith.addf %add3A_400, %gather3A_403 : vector<16xf32>
      %broadcast_in_dim3A_405 = arith.constant 2 : i32
      %broadcast_in_dim3A_406 = vector.broadcast %broadcast_in_dim3A_405 : i32 to vector<16xi32>
      %gather3A_407 = tpu.vector_load_idx %arg12[%add3A_394, %broadcast_in_dim3A_406] : memref<64x17xf32, #tpu.memory_space<vmem>>[vector<16xi32>, vector<16xi32>], vector<16xf32>,
      %add3A_408 = arith.addf %add3A_404, %gather3A_407 : vector<16xf32>
      %broadcast_in_dim3A_409 = arith.constant 3 : i32
      %broadcast_in_dim3A_410 = vector.broadcast %broadcast_in_dim3A_409 : i32 to vector<16xi32>
      %gather3A_411 = tpu.vector_load_idx %arg12[%add3A_394, %broadcast_in_dim3A_410] : memref<64x17xf32, #tpu.memory_space<vmem>>[vector<16xi32>, vector<16xi32>], vector<16xf32>,
      %add3A_412 = arith.addf %add3A_408, %gather3A_411 : vector<16xf32>
      %broadcast_in_dim3A_413 = arith.constant 4 : i32
      %broadcast_in_dim3A_414 = vector.broadcast %broadcast_in_dim3A_413 : i32 to vector<16xi32>
      %gather3A_415 = tpu.vector_load_idx %arg12[%add3A_394, %broadcast_in_dim3A_414] : memref<64x17xf32, #tpu.memory_space<vmem>>[vector<16xi32>, vector<16xi32>], vector<16xf32>,
      %add3A_416 = arith.addf %add3A_412, %gather3A_415 : vector<16xf32>
      %broadcast_in_dim3A_417 = arith.constant 5 : i32
      %broadcast_in_dim3A_418 = vector.broadcast %broadcast_in_dim3A_417 : i32 to vector<16xi32>
      %gather3A_419 = tpu.vector_load_idx %arg12[%add3A_394, %broadcast_in_dim3A_418] : memref<64x17xf32, #tpu.memory_space<vmem>>[vector<16xi32>, vector<16xi32>], vector<16xf32>,
      %add3A_420 = arith.addf %add3A_416, %gather3A_419 : vector<16xf32>
      %broadcast_in_dim3A_421 = arith.constant 6 : i32
      %broadcast_in_dim3A_422 = vector.broadcast %broadcast_in_dim3A_421 : i32 to vector<16xi32>
      %gather3A_423 = tpu.vector_load_idx %arg12[%add3A_394, %broadcast_in_dim3A_422] : memref<64x17xf32, #tpu.memory_space<vmem>>[vector<16xi32>, vector<16xi32>], vector<16xf32>,
      %add3A_424 = arith.addf %add3A_420, %gather3A_423 : vector<16xf32>
      %broadcast_in_dim3A_425 = arith.constant 7 : i32
      %broadcast_in_dim3A_426 = vector.broadcast %broadcast_in_dim3A_425 : i32 to vector<16xi32>
      %gather3A_427 = tpu.vector_load_idx %arg12[%add3A_394, %broadcast_in_dim3A_426] : memref<64x17xf32, #tpu.memory_space<vmem>>[vector<16xi32>, vector<16xi32>], vector<16xf32>,
      %add3A_428 = arith.addf %add3A_424, %gather3A_427 : vector<16xf32>
      %broadcast_in_dim3A_429 = arith.constant 8 : i32
      %broadcast_in_dim3A_430 = vector.broadcast %broadcast_in_dim3A_429 : i32 to vector<16xi32>
      %gather3A_431 = tpu.vector_load_idx %arg12[%add3A_394, %broadcast_in_dim3A_430] : memref<64x17xf32, #tpu.memory_space<vmem>>[vector<16xi32>, vector<16xi32>], vector<16xf32>,
      %add3A_432 = arith.addf %add3A_428, %gather3A_431 : vector<16xf32>
      %broadcast_in_dim3A_433 = arith.constant 9 : i32
      %broadcast_in_dim3A_434 = vector.broadcast %broadcast_in_dim3A_433 : i32 to vector<16xi32>
      %gather3A_435 = tpu.vector_load_idx %arg12[%add3A_394, %broadcast_in_dim3A_434] : memref<64x17xf32, #tpu.memory_space<vmem>>[vector<16xi32>, vector<16xi32>], vector<16xf32>,
      %add3A_436 = arith.addf %add3A_432, %gather3A_435 : vector<16xf32>
      %broadcast_in_dim3A_437 = arith.constant 10 : i32
      %broadcast_in_dim3A_438 = vector.broadcast %broadcast_in_dim3A_437 : i32 to vector<16xi32>
      %gather3A_439 = tpu.vector_load_idx %arg12[%add3A_394, %broadcast_in_dim3A_438] : memref<64x17xf32, #tpu.memory_space<vmem>>[vector<16xi32>, vector<16xi32>], vector<16xf32>,
      %add3A_440 = arith.addf %add3A_436, %gather3A_439 : vector<16xf32>
      %broadcast_in_dim3A_441 = arith.constant 11 : i32
      %broadcast_in_dim3A_442 = vector.broadcast %broadcast_in_dim3A_441 : i32 to vector<16xi32>
      %gather3A_443 = tpu.vector_load_idx %arg12[%add3A_394, %broadcast_in_dim3A_442] : memref<64x17xf32, #tpu.memory_space<vmem>>[vector<16xi32>, vector<16xi32>], vector<16xf32>,
      %add3A_444 = arith.addf %add3A_440, %gather3A_443 : vector<16xf32>
      %broadcast_in_dim3A_445 = arith.constant 12 : i32
      %broadcast_in_dim3A_446 = vector.broadcast %broadcast_in_dim3A_445 : i32 to vector<16xi32>
      %gather3A_447 = tpu.vector_load_idx %arg12[%add3A_394, %broadcast_in_dim3A_446] : memref<64x17xf32, #tpu.memory_space<vmem>>[vector<16xi32>, vector<16xi32>], vector<16xf32>,
      %add3A_448 = arith.addf %add3A_444, %gather3A_447 : vector<16xf32>
      %broadcast_in_dim3A_449 = arith.constant 13 : i32
      %broadcast_in_dim3A_450 = vector.broadcast %broadcast_in_dim3A_449 : i32 to vector<16xi32>
      %gather3A_451 = tpu.vector_load_idx %arg12[%add3A_394, %broadcast_in_dim3A_450] : memref<64x17xf32, #tpu.memory_space<vmem>>[vector<16xi32>, vector<16xi32>], vector<16xf32>,
      %add3A_452 = arith.addf %add3A_448, %gather3A_451 : vector<16xf32>
      %broadcast_in_dim3A_453 = arith.constant 14 : i32
      %broadcast_in_dim3A_454 = vector.broadcast %broadcast_in_dim3A_453 : i32 to vector<16xi32>
      %gather3A_455 = tpu.vector_load_idx %arg12[%add3A_394, %broadcast_in_dim3A_454] : memref<64x17xf32, #tpu.memory_space<vmem>>[vector<16xi32>, vector<16xi32>], vector<16xf32>,
      %add3A_456 = arith.addf %add3A_452, %gather3A_455 : vector<16xf32>
      %broadcast_in_dim3A_457 = arith.constant 15 : i32
      %broadcast_in_dim3A_458 = vector.broadcast %broadcast_in_dim3A_457 : i32 to vector<16xi32>
      %gather3A_459 = tpu.vector_load_idx %arg12[%add3A_394, %broadcast_in_dim3A_458] : memref<64x17xf32, #tpu.memory_space<vmem>>[vector<16xi32>, vector<16xi32>], vector<16xf32>,
      %add3A_460 = arith.addf %add3A_456, %gather3A_459 : vector<16xf32>
      %bitcast3A_461 = vector.bitcast %add3A_460 : vector<16xf32> to vector<16xi32>
      %shift_right_arithmetic3A_462 = arith.constant 1 : i32
      %shift_right_arithmetic3A_463 = vector.broadcast %shift_right_arithmetic3A_462 : i32 to vector<16xi32>
      %shift_right_arithmetic3A_464 = arith.shrsi %bitcast3A_461, %shift_right_arithmetic3A_463 : vector<16xi32>
      %add3A_465 = arith.constant 532487669 : i32
      %add3A_466 = vector.broadcast %add3A_465 : i32 to vector<16xi32>
      %add3A_467 = arith.addi %shift_right_arithmetic3A_464, %add3A_466 : vector<16xi32>
      %bitcast3A_468 = vector.bitcast %add3A_467 : vector<16xi32> to vector<16xf32>
      %div3A_469 = arith.divf %add3A_460, %bitcast3A_468 : vector<16xf32>
      %add3A_470 = arith.addf %bitcast3A_468, %div3A_469 : vector<16xf32>
      %mul3A_471 = arith.constant 5.000000e-01 : f32
      %mul3A_472 = vector.broadcast %mul3A_471 : f32 to vector<16xf32>
      %mul3A_473 = arith.mulf %mul3A_472, %add3A_470 : vector<16xf32>
      %div3A_474 = arith.divf %add3A_460, %mul3A_473 : vector<16xf32>
      %add3A_475 = arith.addf %mul3A_473, %div3A_474 : vector<16xf32>
      %mul3A_476 = arith.constant 5.000000e-01 : f32
      %mul3A_477 = vector.broadcast %mul3A_476 : f32 to vector<16xf32>
      %mul3A_478 = arith.mulf %mul3A_477, %add3A_475 : vector<16xf32>
      %div3A_479 = arith.divf %add3A_460, %mul3A_478 : vector<16xf32>
      %add3A_480 = arith.addf %mul3A_478, %div3A_479 : vector<16xf32>
      %mul3A_481 = arith.constant 5.000000e-01 : f32
      %mul3A_482 = vector.broadcast %mul3A_481 : f32 to vector<16xf32>
      %mul3A_483 = arith.mulf %mul3A_482, %add3A_480 : vector<16xf32>
      %sub3A_484 = arith.constant 1.000000e+01 : f32
      %sub3A_485 = vector.broadcast %sub3A_484 : f32 to vector<16xf32>
      %sub3A_486 = arith.subf %sub3A_485, %mul3A_483 : vector<16xf32>
      %max3A_487 = arith.constant 0.000000e+00 : f32
      %max3A_488 = vector.broadcast %max3A_487 : f32 to vector<16xf32>
      %max3A_489 = arith.maximumf %sub3A_486, %max3A_488 : vector<16xf32>
      %add3A_490 = arith.addf %add3A_391, %max3A_489 : vector<16xf32>
      %add3A_491 = arith.constant 48 : i32
      %add3A_492 = vector.broadcast %add3A_491 : i32 to vector<16xi32>
      %add3A_493 = arith.addi %iota3A, %add3A_492 : vector<16xi32>
      %broadcast_in_dim3A_494 = arith.constant 0.000000e+00 : f32
      %broadcast_in_dim3A_495 = vector.broadcast %broadcast_in_dim3A_494 : f32 to vector<16xf32>
      %broadcast_in_dim3A_496 = arith.constant 0 : i32
      %broadcast_in_dim3A_497 = vector.broadcast %broadcast_in_dim3A_496 : i32 to vector<16xi32>
      %gather3A_498 = tpu.vector_load_idx %arg12[%add3A_493, %broadcast_in_dim3A_497] : memref<64x17xf32, #tpu.memory_space<vmem>>[vector<16xi32>, vector<16xi32>], vector<16xf32>,
      %add3A_499 = arith.addf %broadcast_in_dim3A_495, %gather3A_498 : vector<16xf32>
      %broadcast_in_dim3A_500 = arith.constant 1 : i32
      %broadcast_in_dim3A_501 = vector.broadcast %broadcast_in_dim3A_500 : i32 to vector<16xi32>
      %gather3A_502 = tpu.vector_load_idx %arg12[%add3A_493, %broadcast_in_dim3A_501] : memref<64x17xf32, #tpu.memory_space<vmem>>[vector<16xi32>, vector<16xi32>], vector<16xf32>,
      %add3A_503 = arith.addf %add3A_499, %gather3A_502 : vector<16xf32>
      %broadcast_in_dim3A_504 = arith.constant 2 : i32
      %broadcast_in_dim3A_505 = vector.broadcast %broadcast_in_dim3A_504 : i32 to vector<16xi32>
      %gather3A_506 = tpu.vector_load_idx %arg12[%add3A_493, %broadcast_in_dim3A_505] : memref<64x17xf32, #tpu.memory_space<vmem>>[vector<16xi32>, vector<16xi32>], vector<16xf32>,
      %add3A_507 = arith.addf %add3A_503, %gather3A_506 : vector<16xf32>
      %broadcast_in_dim3A_508 = arith.constant 3 : i32
      %broadcast_in_dim3A_509 = vector.broadcast %broadcast_in_dim3A_508 : i32 to vector<16xi32>
      %gather3A_510 = tpu.vector_load_idx %arg12[%add3A_493, %broadcast_in_dim3A_509] : memref<64x17xf32, #tpu.memory_space<vmem>>[vector<16xi32>, vector<16xi32>], vector<16xf32>,
      %add3A_511 = arith.addf %add3A_507, %gather3A_510 : vector<16xf32>
      %broadcast_in_dim3A_512 = arith.constant 4 : i32
      %broadcast_in_dim3A_513 = vector.broadcast %broadcast_in_dim3A_512 : i32 to vector<16xi32>
      %gather3A_514 = tpu.vector_load_idx %arg12[%add3A_493, %broadcast_in_dim3A_513] : memref<64x17xf32, #tpu.memory_space<vmem>>[vector<16xi32>, vector<16xi32>], vector<16xf32>,
      %add3A_515 = arith.addf %add3A_511, %gather3A_514 : vector<16xf32>
      %broadcast_in_dim3A_516 = arith.constant 5 : i32
      %broadcast_in_dim3A_517 = vector.broadcast %broadcast_in_dim3A_516 : i32 to vector<16xi32>
      %gather3A_518 = tpu.vector_load_idx %arg12[%add3A_493, %broadcast_in_dim3A_517] : memref<64x17xf32, #tpu.memory_space<vmem>>[vector<16xi32>, vector<16xi32>], vector<16xf32>,
      %add3A_519 = arith.addf %add3A_515, %gather3A_518 : vector<16xf32>
      %broadcast_in_dim3A_520 = arith.constant 6 : i32
      %broadcast_in_dim3A_521 = vector.broadcast %broadcast_in_dim3A_520 : i32 to vector<16xi32>
      %gather3A_522 = tpu.vector_load_idx %arg12[%add3A_493, %broadcast_in_dim3A_521] : memref<64x17xf32, #tpu.memory_space<vmem>>[vector<16xi32>, vector<16xi32>], vector<16xf32>,
      %add3A_523 = arith.addf %add3A_519, %gather3A_522 : vector<16xf32>
      %broadcast_in_dim3A_524 = arith.constant 7 : i32
      %broadcast_in_dim3A_525 = vector.broadcast %broadcast_in_dim3A_524 : i32 to vector<16xi32>
      %gather3A_526 = tpu.vector_load_idx %arg12[%add3A_493, %broadcast_in_dim3A_525] : memref<64x17xf32, #tpu.memory_space<vmem>>[vector<16xi32>, vector<16xi32>], vector<16xf32>,
      %add3A_527 = arith.addf %add3A_523, %gather3A_526 : vector<16xf32>
      %broadcast_in_dim3A_528 = arith.constant 8 : i32
      %broadcast_in_dim3A_529 = vector.broadcast %broadcast_in_dim3A_528 : i32 to vector<16xi32>
      %gather3A_530 = tpu.vector_load_idx %arg12[%add3A_493, %broadcast_in_dim3A_529] : memref<64x17xf32, #tpu.memory_space<vmem>>[vector<16xi32>, vector<16xi32>], vector<16xf32>,
      %add3A_531 = arith.addf %add3A_527, %gather3A_530 : vector<16xf32>
      %broadcast_in_dim3A_532 = arith.constant 9 : i32
      %broadcast_in_dim3A_533 = vector.broadcast %broadcast_in_dim3A_532 : i32 to vector<16xi32>
      %gather3A_534 = tpu.vector_load_idx %arg12[%add3A_493, %broadcast_in_dim3A_533] : memref<64x17xf32, #tpu.memory_space<vmem>>[vector<16xi32>, vector<16xi32>], vector<16xf32>,
      %add3A_535 = arith.addf %add3A_531, %gather3A_534 : vector<16xf32>
      %broadcast_in_dim3A_536 = arith.constant 10 : i32
      %broadcast_in_dim3A_537 = vector.broadcast %broadcast_in_dim3A_536 : i32 to vector<16xi32>
      %gather3A_538 = tpu.vector_load_idx %arg12[%add3A_493, %broadcast_in_dim3A_537] : memref<64x17xf32, #tpu.memory_space<vmem>>[vector<16xi32>, vector<16xi32>], vector<16xf32>,
      %add3A_539 = arith.addf %add3A_535, %gather3A_538 : vector<16xf32>
      %broadcast_in_dim3A_540 = arith.constant 11 : i32
      %broadcast_in_dim3A_541 = vector.broadcast %broadcast_in_dim3A_540 : i32 to vector<16xi32>
      %gather3A_542 = tpu.vector_load_idx %arg12[%add3A_493, %broadcast_in_dim3A_541] : memref<64x17xf32, #tpu.memory_space<vmem>>[vector<16xi32>, vector<16xi32>], vector<16xf32>,
      %add3A_543 = arith.addf %add3A_539, %gather3A_542 : vector<16xf32>
      %broadcast_in_dim3A_544 = arith.constant 12 : i32
      %broadcast_in_dim3A_545 = vector.broadcast %broadcast_in_dim3A_544 : i32 to vector<16xi32>
      %gather3A_546 = tpu.vector_load_idx %arg12[%add3A_493, %broadcast_in_dim3A_545] : memref<64x17xf32, #tpu.memory_space<vmem>>[vector<16xi32>, vector<16xi32>], vector<16xf32>,
      %add3A_547 = arith.addf %add3A_543, %gather3A_546 : vector<16xf32>
      %broadcast_in_dim3A_548 = arith.constant 13 : i32
      %broadcast_in_dim3A_549 = vector.broadcast %broadcast_in_dim3A_548 : i32 to vector<16xi32>
      %gather3A_550 = tpu.vector_load_idx %arg12[%add3A_493, %broadcast_in_dim3A_549] : memref<64x17xf32, #tpu.memory_space<vmem>>[vector<16xi32>, vector<16xi32>], vector<16xf32>,
      %add3A_551 = arith.addf %add3A_547, %gather3A_550 : vector<16xf32>
      %broadcast_in_dim3A_552 = arith.constant 14 : i32
      %broadcast_in_dim3A_553 = vector.broadcast %broadcast_in_dim3A_552 : i32 to vector<16xi32>
      %gather3A_554 = tpu.vector_load_idx %arg12[%add3A_493, %broadcast_in_dim3A_553] : memref<64x17xf32, #tpu.memory_space<vmem>>[vector<16xi32>, vector<16xi32>], vector<16xf32>,
      %add3A_555 = arith.addf %add3A_551, %gather3A_554 : vector<16xf32>
      %broadcast_in_dim3A_556 = arith.constant 15 : i32
      %broadcast_in_dim3A_557 = vector.broadcast %broadcast_in_dim3A_556 : i32 to vector<16xi32>
      %gather3A_558 = tpu.vector_load_idx %arg12[%add3A_493, %broadcast_in_dim3A_557] : memref<64x17xf32, #tpu.memory_space<vmem>>[vector<16xi32>, vector<16xi32>], vector<16xf32>,
      %add3A_559 = arith.addf %add3A_555, %gather3A_558 : vector<16xf32>
      %bitcast3A_560 = vector.bitcast %add3A_559 : vector<16xf32> to vector<16xi32>
      %shift_right_arithmetic3A_561 = arith.constant 1 : i32
      %shift_right_arithmetic3A_562 = vector.broadcast %shift_right_arithmetic3A_561 : i32 to vector<16xi32>
      %shift_right_arithmetic3A_563 = arith.shrsi %bitcast3A_560, %shift_right_arithmetic3A_562 : vector<16xi32>
      %add3A_564 = arith.constant 532487669 : i32
      %add3A_565 = vector.broadcast %add3A_564 : i32 to vector<16xi32>
      %add3A_566 = arith.addi %shift_right_arithmetic3A_563, %add3A_565 : vector<16xi32>
      %bitcast3A_567 = vector.bitcast %add3A_566 : vector<16xi32> to vector<16xf32>
      %div3A_568 = arith.divf %add3A_559, %bitcast3A_567 : vector<16xf32>
      %add3A_569 = arith.addf %bitcast3A_567, %div3A_568 : vector<16xf32>
      %mul3A_570 = arith.constant 5.000000e-01 : f32
      %mul3A_571 = vector.broadcast %mul3A_570 : f32 to vector<16xf32>
      %mul3A_572 = arith.mulf %mul3A_571, %add3A_569 : vector<16xf32>
      %div3A_573 = arith.divf %add3A_559, %mul3A_572 : vector<16xf32>
      %add3A_574 = arith.addf %mul3A_572, %div3A_573 : vector<16xf32>
      %mul3A_575 = arith.constant 5.000000e-01 : f32
      %mul3A_576 = vector.broadcast %mul3A_575 : f32 to vector<16xf32>
      %mul3A_577 = arith.mulf %mul3A_576, %add3A_574 : vector<16xf32>
      %div3A_578 = arith.divf %add3A_559, %mul3A_577 : vector<16xf32>
      %add3A_579 = arith.addf %mul3A_577, %div3A_578 : vector<16xf32>
      %mul3A_580 = arith.constant 5.000000e-01 : f32
      %mul3A_581 = vector.broadcast %mul3A_580 : f32 to vector<16xf32>
      %mul3A_582 = arith.mulf %mul3A_581, %add3A_579 : vector<16xf32>
      %sub3A_583 = arith.constant 1.000000e+01 : f32
      %sub3A_584 = vector.broadcast %sub3A_583 : f32 to vector<16xf32>
      %sub3A_585 = arith.subf %sub3A_584, %mul3A_582 : vector<16xf32>
      %max3A_586 = arith.constant 0.000000e+00 : f32
      %max3A_587 = vector.broadcast %max3A_586 : f32 to vector<16xf32>
      %max3A_588 = arith.maximumf %sub3A_585, %max3A_587 : vector<16xf32>
      %add3A_589 = arith.addf %add3A_490, %max3A_588 : vector<16xf32>
      %add3A_590 = arith.addf %scan3A_164, %add3A_589 : vector<16xf32>
      %add3A_591 = arith.constant 2 : i32
      %add3A_592 = arith.addi %mul3A_166, %add3A_591 : i32
      %min3A = arith.constant 77 : i32
      %min3A_593 = arith.minsi %add3A_592, %min3A : i32
      %mul3A_594 = arith.constant 64 : i32
      %mul3A_595 = arith.muli %min3A_593, %mul3A_594 : i32
      %dma_start3A_596 = tpu.memref_slice %arg6[%mul3A_595] : memref<5000xi32, #tpu.memory_space<vmem>> -> memref<64xi32, #tpu.memory_space<vmem>>
      %dma_start3A_597 = arith.constant 0 : i32
      %dma_start3A_598 = arith.constant 0 : i32
      %dma_start3A_599 = tpu.memref_slice %arg2[%dma_start3A_597, %dma_start3A_598] : memref<10000x256xbf16, #tpu.memory_space<hbm>> -> memref<10000x256xbf16, #tpu.memory_space<hbm>>
      tpu.enqueue_indirect_dma source(%dma_start3A_599 : memref<10000x256xbf16, #tpu.memory_space<hbm>>) target(%arg8 : memref<64x256xbf16, #tpu.memory_space<vmem>>) offsets(%dma_start3A_596 : memref<64xi32, #tpu.memory_space<vmem>>) semaphore(%arg14 : memref<!tpu.dma_semaphore, #tpu.memory_space<semaphore_mem>>)
      %dma_start3A_600 = tpu.memref_slice %arg7[%mul3A_595] : memref<5000xi32, #tpu.memory_space<vmem>> -> memref<64xi32, #tpu.memory_space<vmem>>
      %dma_start3A_601 = arith.constant 0 : i32
      %dma_start3A_602 = arith.constant 0 : i32
      %dma_start3A_603 = tpu.memref_slice %arg5[%dma_start3A_601, %dma_start3A_602] : memref<10000x256xbf16, #tpu.memory_space<vmem_shared>> -> memref<10000x256xbf16, #tpu.memory_space<vmem_shared>>
      tpu.enqueue_indirect_dma source(%dma_start3A_603 : memref<10000x256xbf16, #tpu.memory_space<vmem_shared>>) target(%arg9 : memref<64x256xbf16, #tpu.memory_space<vmem>>) offsets(%dma_start3A_600 : memref<64xi32, #tpu.memory_space<vmem>>) semaphore(%arg15 : memref<!tpu.dma_semaphore, #tpu.memory_space<semaphore_mem>>)
      %dma_wait3A_604 = arith.constant 0 : i32
      %dma_wait3A_605 = tpu.memref_slice %arg6[%dma_wait3A_604] : memref<5000xi32, #tpu.memory_space<vmem>> -> memref<64xi32, #tpu.memory_space<vmem>>
      %dma_wait3A_606 = arith.constant 0 : i32
      %dma_wait3A_607 = arith.constant 0 : i32
      %dma_wait3A_608 = tpu.memref_slice %arg2[%dma_wait3A_606, %dma_wait3A_607] : memref<10000x256xbf16, #tpu.memory_space<hbm>> -> memref<10000x256xbf16, #tpu.memory_space<hbm>>
      tpu.wait_indirect_dma semaphore(%arg16 : memref<!tpu.dma_semaphore, #tpu.memory_space<semaphore_mem>>) src(%dma_wait3A_608 : memref<10000x256xbf16, #tpu.memory_space<hbm>>) dst(%arg10 : memref<64x256xbf16, #tpu.memory_space<vmem>>)
      %dma_wait3A_609 = arith.constant 0 : i32
      %dma_wait3A_610 = tpu.memref_slice %arg7[%dma_wait3A_609] : memref<5000xi32, #tpu.memory_space<vmem>> -> memref<64xi32, #tpu.memory_space<vmem>>
      %dma_wait3A_611 = arith.constant 0 : i32
      %dma_wait3A_612 = arith.constant 0 : i32
      %dma_wait3A_613 = tpu.memref_slice %arg5[%dma_wait3A_611, %dma_wait3A_612] : memref<10000x256xbf16, #tpu.memory_space<vmem_shared>> -> memref<10000x256xbf16, #tpu.memory_space<vmem_shared>>
      tpu.wait_indirect_dma semaphore(%arg17 : memref<!tpu.dma_semaphore, #tpu.memory_space<semaphore_mem>>) src(%dma_wait3A_613 : memref<10000x256xbf16, #tpu.memory_space<vmem_shared>>) dst(%arg11 : memref<64x256xbf16, #tpu.memory_space<vmem>>)
      %parallel_loop3A_614 = arith.constant 0 : i32
      %parallel_loop3A_615 = arith.constant 64 : i32
      %parallel_loop3A_616 = arith.constant 1 : i32
      scf.for %parallel_loop3A_1016 = %parallel_loop3A_614 to %parallel_loop3A_615 step %parallel_loop3A_616  : i32 {
        %parallel_loop3A_1017 = arith.constant 0.000000e+00 : f32
        %parallel_loop3A_1018 = vector.broadcast %parallel_loop3A_1017 : f32 to vector<16xf32>
        %parallel_loop3A_1019 = arith.constant 0.000000e+00 : f32
        %parallel_loop3A_1020 = vector.broadcast %parallel_loop3A_1019 : f32 to vector<16xf32>
        %parallel_loop3A_1021 = arith.constant 0.000000e+00 : f32
        %parallel_loop3A_1022 = vector.broadcast %parallel_loop3A_1021 : f32 to vector<16xf32>
        %parallel_loop3A_1023 = arith.constant 0.000000e+00 : f32
        %parallel_loop3A_1024 = vector.broadcast %parallel_loop3A_1023 : f32 to vector<16xf32>
        %parallel_loop3A_1025 = arith.index_cast %parallel_loop3A_1016 : i32 to index
        %parallel_loop3A_1026 = arith.constant 0 : index
        %parallel_loop3A_1027 = tpu.vector_load %arg10[%parallel_loop3A_1025, %parallel_loop3A_1026] {strides = array<i32>} : memref<64x256xbf16, #tpu.memory_space<vmem>>, vector<32xbf16>,
        %parallel_loop3A_1028 = arith.index_cast %parallel_loop3A_1016 : i32 to index
        %parallel_loop3A_1029 = arith.constant 0 : index
        %parallel_loop3A_1030 = tpu.vector_load %arg11[%parallel_loop3A_1028, %parallel_loop3A_1029] {strides = array<i32>} : memref<64x256xbf16, #tpu.memory_space<vmem>>, vector<32xbf16>,
        %parallel_loop3A_1031 = arith.subf %parallel_loop3A_1027, %parallel_loop3A_1030 : vector<32xbf16>
        %parallel_loop3A_1032 = tpu.unpack_subelements %parallel_loop3A_1031, 0 {pack_format = #tpu.pack_format<interleaved>} : vector<32xbf16> -> vector<16xf32>
        %parallel_loop3A_1033 = tpu.unpack_subelements %parallel_loop3A_1031, 1 {pack_format = #tpu.pack_format<interleaved>} : vector<32xbf16> -> vector<16xf32>
        %parallel_loop3A_1034 = arith.mulf %parallel_loop3A_1032, %parallel_loop3A_1032 : vector<16xf32>
        %parallel_loop3A_1035 = arith.addf %parallel_loop3A_1018, %parallel_loop3A_1034 : vector<16xf32>
        %parallel_loop3A_1036 = arith.mulf %parallel_loop3A_1033, %parallel_loop3A_1033 : vector<16xf32>
        %parallel_loop3A_1037 = arith.addf %parallel_loop3A_1020, %parallel_loop3A_1036 : vector<16xf32>
        %parallel_loop3A_1038 = arith.index_cast %parallel_loop3A_1016 : i32 to index
        %parallel_loop3A_1039 = arith.constant 32 : index
        %parallel_loop3A_1040 = tpu.vector_load %arg10[%parallel_loop3A_1038, %parallel_loop3A_1039] {strides = array<i32>} : memref<64x256xbf16, #tpu.memory_space<vmem>>, vector<32xbf16>,
        %parallel_loop3A_1041 = arith.index_cast %parallel_loop3A_1016 : i32 to index
        %parallel_loop3A_1042 = arith.constant 32 : index
        %parallel_loop3A_1043 = tpu.vector_load %arg11[%parallel_loop3A_1041, %parallel_loop3A_1042] {strides = array<i32>} : memref<64x256xbf16, #tpu.memory_space<vmem>>, vector<32xbf16>,
        %parallel_loop3A_1044 = arith.subf %parallel_loop3A_1040, %parallel_loop3A_1043 : vector<32xbf16>
        %parallel_loop3A_1045 = tpu.unpack_subelements %parallel_loop3A_1044, 0 {pack_format = #tpu.pack_format<interleaved>} : vector<32xbf16> -> vector<16xf32>
        %parallel_loop3A_1046 = tpu.unpack_subelements %parallel_loop3A_1044, 1 {pack_format = #tpu.pack_format<interleaved>} : vector<32xbf16> -> vector<16xf32>
        %parallel_loop3A_1047 = arith.mulf %parallel_loop3A_1045, %parallel_loop3A_1045 : vector<16xf32>
        %parallel_loop3A_1048 = arith.addf %parallel_loop3A_1022, %parallel_loop3A_1047 : vector<16xf32>
        %parallel_loop3A_1049 = arith.mulf %parallel_loop3A_1046, %parallel_loop3A_1046 : vector<16xf32>
        %parallel_loop3A_1050 = arith.addf %parallel_loop3A_1024, %parallel_loop3A_1049 : vector<16xf32>
        %parallel_loop3A_1051 = arith.index_cast %parallel_loop3A_1016 : i32 to index
        %parallel_loop3A_1052 = arith.constant 64 : index
        %parallel_loop3A_1053 = tpu.vector_load %arg10[%parallel_loop3A_1051, %parallel_loop3A_1052] {strides = array<i32>} : memref<64x256xbf16, #tpu.memory_space<vmem>>, vector<32xbf16>,
        %parallel_loop3A_1054 = arith.index_cast %parallel_loop3A_1016 : i32 to index
        %parallel_loop3A_1055 = arith.constant 64 : index
        %parallel_loop3A_1056 = tpu.vector_load %arg11[%parallel_loop3A_1054, %parallel_loop3A_1055] {strides = array<i32>} : memref<64x256xbf16, #tpu.memory_space<vmem>>, vector<32xbf16>,
        %parallel_loop3A_1057 = arith.subf %parallel_loop3A_1053, %parallel_loop3A_1056 : vector<32xbf16>
        %parallel_loop3A_1058 = tpu.unpack_subelements %parallel_loop3A_1057, 0 {pack_format = #tpu.pack_format<interleaved>} : vector<32xbf16> -> vector<16xf32>
        %parallel_loop3A_1059 = tpu.unpack_subelements %parallel_loop3A_1057, 1 {pack_format = #tpu.pack_format<interleaved>} : vector<32xbf16> -> vector<16xf32>
        %parallel_loop3A_1060 = arith.mulf %parallel_loop3A_1058, %parallel_loop3A_1058 : vector<16xf32>
        %parallel_loop3A_1061 = arith.addf %parallel_loop3A_1035, %parallel_loop3A_1060 : vector<16xf32>
        %parallel_loop3A_1062 = arith.mulf %parallel_loop3A_1059, %parallel_loop3A_1059 : vector<16xf32>
        %parallel_loop3A_1063 = arith.addf %parallel_loop3A_1037, %parallel_loop3A_1062 : vector<16xf32>
        %parallel_loop3A_1064 = arith.index_cast %parallel_loop3A_1016 : i32 to index
        %parallel_loop3A_1065 = arith.constant 96 : index
        %parallel_loop3A_1066 = tpu.vector_load %arg10[%parallel_loop3A_1064, %parallel_loop3A_1065] {strides = array<i32>} : memref<64x256xbf16, #tpu.memory_space<vmem>>, vector<32xbf16>,
        %parallel_loop3A_1067 = arith.index_cast %parallel_loop3A_1016 : i32 to index
        %parallel_loop3A_1068 = arith.constant 96 : index
        %parallel_loop3A_1069 = tpu.vector_load %arg11[%parallel_loop3A_1067, %parallel_loop3A_1068] {strides = array<i32>} : memref<64x256xbf16, #tpu.memory_space<vmem>>, vector<32xbf16>,
        %parallel_loop3A_1070 = arith.subf %parallel_loop3A_1066, %parallel_loop3A_1069 : vector<32xbf16>
        %parallel_loop3A_1071 = tpu.unpack_subelements %parallel_loop3A_1070, 0 {pack_format = #tpu.pack_format<interleaved>} : vector<32xbf16> -> vector<16xf32>
        %parallel_loop3A_1072 = tpu.unpack_subelements %parallel_loop3A_1070, 1 {pack_format = #tpu.pack_format<interleaved>} : vector<32xbf16> -> vector<16xf32>
        %parallel_loop3A_1073 = arith.mulf %parallel_loop3A_1071, %parallel_loop3A_1071 : vector<16xf32>
        %parallel_loop3A_1074 = arith.addf %parallel_loop3A_1048, %parallel_loop3A_1073 : vector<16xf32>
        %parallel_loop3A_1075 = arith.mulf %parallel_loop3A_1072, %parallel_loop3A_1072 : vector<16xf32>
        %parallel_loop3A_1076 = arith.addf %parallel_loop3A_1050, %parallel_loop3A_1075 : vector<16xf32>
        %parallel_loop3A_1077 = arith.index_cast %parallel_loop3A_1016 : i32 to index
        %parallel_loop3A_1078 = arith.constant 128 : index
        %parallel_loop3A_1079 = tpu.vector_load %arg10[%parallel_loop3A_1077, %parallel_loop3A_1078] {strides = array<i32>} : memref<64x256xbf16, #tpu.memory_space<vmem>>, vector<32xbf16>,
        %parallel_loop3A_1080 = arith.index_cast %parallel_loop3A_1016 : i32 to index
        %parallel_loop3A_1081 = arith.constant 128 : index
        %parallel_loop3A_1082 = tpu.vector_load %arg11[%parallel_loop3A_1080, %parallel_loop3A_1081] {strides = array<i32>} : memref<64x256xbf16, #tpu.memory_space<vmem>>, vector<32xbf16>,
        %parallel_loop3A_1083 = arith.subf %parallel_loop3A_1079, %parallel_loop3A_1082 : vector<32xbf16>
        %parallel_loop3A_1084 = tpu.unpack_subelements %parallel_loop3A_1083, 0 {pack_format = #tpu.pack_format<interleaved>} : vector<32xbf16> -> vector<16xf32>
        %parallel_loop3A_1085 = tpu.unpack_subelements %parallel_loop3A_1083, 1 {pack_format = #tpu.pack_format<interleaved>} : vector<32xbf16> -> vector<16xf32>
        %parallel_loop3A_1086 = arith.mulf %parallel_loop3A_1084, %parallel_loop3A_1084 : vector<16xf32>
        %parallel_loop3A_1087 = arith.addf %parallel_loop3A_1061, %parallel_loop3A_1086 : vector<16xf32>
        %parallel_loop3A_1088 = arith.mulf %parallel_loop3A_1085, %parallel_loop3A_1085 : vector<16xf32>
        %parallel_loop3A_1089 = arith.addf %parallel_loop3A_1063, %parallel_loop3A_1088 : vector<16xf32>
        %parallel_loop3A_1090 = arith.index_cast %parallel_loop3A_1016 : i32 to index
        %parallel_loop3A_1091 = arith.constant 160 : index
        %parallel_loop3A_1092 = tpu.vector_load %arg10[%parallel_loop3A_1090, %parallel_loop3A_1091] {strides = array<i32>} : memref<64x256xbf16, #tpu.memory_space<vmem>>, vector<32xbf16>,
        %parallel_loop3A_1093 = arith.index_cast %parallel_loop3A_1016 : i32 to index
        %parallel_loop3A_1094 = arith.constant 160 : index
        %parallel_loop3A_1095 = tpu.vector_load %arg11[%parallel_loop3A_1093, %parallel_loop3A_1094] {strides = array<i32>} : memref<64x256xbf16, #tpu.memory_space<vmem>>, vector<32xbf16>,
        %parallel_loop3A_1096 = arith.subf %parallel_loop3A_1092, %parallel_loop3A_1095 : vector<32xbf16>
        %parallel_loop3A_1097 = tpu.unpack_subelements %parallel_loop3A_1096, 0 {pack_format = #tpu.pack_format<interleaved>} : vector<32xbf16> -> vector<16xf32>
        %parallel_loop3A_1098 = tpu.unpack_subelements %parallel_loop3A_1096, 1 {pack_format = #tpu.pack_format<interleaved>} : vector<32xbf16> -> vector<16xf32>
        %parallel_loop3A_1099 = arith.mulf %parallel_loop3A_1097, %parallel_loop3A_1097 : vector<16xf32>
        %parallel_loop3A_1100 = arith.addf %parallel_loop3A_1074, %parallel_loop3A_1099 : vector<16xf32>
        %parallel_loop3A_1101 = arith.mulf %parallel_loop3A_1098, %parallel_loop3A_1098 : vector<16xf32>
        %parallel_loop3A_1102 = arith.addf %parallel_loop3A_1076, %parallel_loop3A_1101 : vector<16xf32>
        %parallel_loop3A_1103 = arith.index_cast %parallel_loop3A_1016 : i32 to index
        %parallel_loop3A_1104 = arith.constant 192 : index
        %parallel_loop3A_1105 = tpu.vector_load %arg10[%parallel_loop3A_1103, %parallel_loop3A_1104] {strides = array<i32>} : memref<64x256xbf16, #tpu.memory_space<vmem>>, vector<32xbf16>,
        %parallel_loop3A_1106 = arith.index_cast %parallel_loop3A_1016 : i32 to index
        %parallel_loop3A_1107 = arith.constant 192 : index
        %parallel_loop3A_1108 = tpu.vector_load %arg11[%parallel_loop3A_1106, %parallel_loop3A_1107] {strides = array<i32>} : memref<64x256xbf16, #tpu.memory_space<vmem>>, vector<32xbf16>,
        %parallel_loop3A_1109 = arith.subf %parallel_loop3A_1105, %parallel_loop3A_1108 : vector<32xbf16>
        %parallel_loop3A_1110 = tpu.unpack_subelements %parallel_loop3A_1109, 0 {pack_format = #tpu.pack_format<interleaved>} : vector<32xbf16> -> vector<16xf32>
        %parallel_loop3A_1111 = tpu.unpack_subelements %parallel_loop3A_1109, 1 {pack_format = #tpu.pack_format<interleaved>} : vector<32xbf16> -> vector<16xf32>
        %parallel_loop3A_1112 = arith.mulf %parallel_loop3A_1110, %parallel_loop3A_1110 : vector<16xf32>
        %parallel_loop3A_1113 = arith.addf %parallel_loop3A_1087, %parallel_loop3A_1112 : vector<16xf32>
        %parallel_loop3A_1114 = arith.mulf %parallel_loop3A_1111, %parallel_loop3A_1111 : vector<16xf32>
        %parallel_loop3A_1115 = arith.addf %parallel_loop3A_1089, %parallel_loop3A_1114 : vector<16xf32>
        %parallel_loop3A_1116 = arith.index_cast %parallel_loop3A_1016 : i32 to index
        %parallel_loop3A_1117 = arith.constant 224 : index
        %parallel_loop3A_1118 = tpu.vector_load %arg10[%parallel_loop3A_1116, %parallel_loop3A_1117] {strides = array<i32>} : memref<64x256xbf16, #tpu.memory_space<vmem>>, vector<32xbf16>,
        %parallel_loop3A_1119 = arith.index_cast %parallel_loop3A_1016 : i32 to index
        %parallel_loop3A_1120 = arith.constant 224 : index
        %parallel_loop3A_1121 = tpu.vector_load %arg11[%parallel_loop3A_1119, %parallel_loop3A_1120] {strides = array<i32>} : memref<64x256xbf16, #tpu.memory_space<vmem>>, vector<32xbf16>,
        %parallel_loop3A_1122 = arith.subf %parallel_loop3A_1118, %parallel_loop3A_1121 : vector<32xbf16>
        %parallel_loop3A_1123 = tpu.unpack_subelements %parallel_loop3A_1122, 0 {pack_format = #tpu.pack_format<interleaved>} : vector<32xbf16> -> vector<16xf32>
        %parallel_loop3A_1124 = tpu.unpack_subelements %parallel_loop3A_1122, 1 {pack_format = #tpu.pack_format<interleaved>} : vector<32xbf16> -> vector<16xf32>
        %parallel_loop3A_1125 = arith.mulf %parallel_loop3A_1123, %parallel_loop3A_1123 : vector<16xf32>
        %parallel_loop3A_1126 = arith.addf %parallel_loop3A_1100, %parallel_loop3A_1125 : vector<16xf32>
        %parallel_loop3A_1127 = arith.mulf %parallel_loop3A_1124, %parallel_loop3A_1124 : vector<16xf32>
        %parallel_loop3A_1128 = arith.addf %parallel_loop3A_1102, %parallel_loop3A_1127 : vector<16xf32>
        %parallel_loop3A_1129 = arith.addf %parallel_loop3A_1113, %parallel_loop3A_1115 : vector<16xf32>
        %parallel_loop3A_1130 = arith.addf %parallel_loop3A_1126, %parallel_loop3A_1128 : vector<16xf32>
        %parallel_loop3A_1131 = arith.addf %parallel_loop3A_1129, %parallel_loop3A_1130 : vector<16xf32>
        %parallel_loop3A_1132 = arith.index_cast %parallel_loop3A_1016 : i32 to index
        %parallel_loop3A_1133 = arith.constant 0 : index
        %parallel_loop3A_1134 = tpu.vector_load %arg12[%parallel_loop3A_1132, %parallel_loop3A_1133] {strides = array<i32>} : memref<64x17xf32, #tpu.memory_space<vmem>>, vector<16xf32>,
        tpu.vector_store %arg12[%parallel_loop3A_1132, %parallel_loop3A_1133], %parallel_loop3A_1131 {strides = array<i32>} : memref<64x17xf32, #tpu.memory_space<vmem>>, vector<16xf32>,
      } {sc.loop_unroll_factor = 2 : i64, sc.parallel_access}
      %broadcast_in_dim3A_617 = arith.constant 0.000000e+00 : f32
      %broadcast_in_dim3A_618 = vector.broadcast %broadcast_in_dim3A_617 : f32 to vector<16xf32>
      %add3A_619 = arith.constant 0 : i32
      %add3A_620 = vector.broadcast %add3A_619 : i32 to vector<16xi32>
      %add3A_621 = arith.addi %iota3A, %add3A_620 : vector<16xi32>
      %broadcast_in_dim3A_622 = arith.constant 0.000000e+00 : f32
      %broadcast_in_dim3A_623 = vector.broadcast %broadcast_in_dim3A_622 : f32 to vector<16xf32>
      %broadcast_in_dim3A_624 = arith.constant 0 : i32
      %broadcast_in_dim3A_625 = vector.broadcast %broadcast_in_dim3A_624 : i32 to vector<16xi32>
      %gather3A_626 = tpu.vector_load_idx %arg12[%add3A_621, %broadcast_in_dim3A_625] : memref<64x17xf32, #tpu.memory_space<vmem>>[vector<16xi32>, vector<16xi32>], vector<16xf32>,
      %add3A_627 = arith.addf %broadcast_in_dim3A_623, %gather3A_626 : vector<16xf32>
      %broadcast_in_dim3A_628 = arith.constant 1 : i32
      %broadcast_in_dim3A_629 = vector.broadcast %broadcast_in_dim3A_628 : i32 to vector<16xi32>
      %gather3A_630 = tpu.vector_load_idx %arg12[%add3A_621, %broadcast_in_dim3A_629] : memref<64x17xf32, #tpu.memory_space<vmem>>[vector<16xi32>, vector<16xi32>], vector<16xf32>,
      %add3A_631 = arith.addf %add3A_627, %gather3A_630 : vector<16xf32>
      %broadcast_in_dim3A_632 = arith.constant 2 : i32
      %broadcast_in_dim3A_633 = vector.broadcast %broadcast_in_dim3A_632 : i32 to vector<16xi32>
      %gather3A_634 = tpu.vector_load_idx %arg12[%add3A_621, %broadcast_in_dim3A_633] : memref<64x17xf32, #tpu.memory_space<vmem>>[vector<16xi32>, vector<16xi32>], vector<16xf32>,
      %add3A_635 = arith.addf %add3A_631, %gather3A_634 : vector<16xf32>
      %broadcast_in_dim3A_636 = arith.constant 3 : i32
      %broadcast_in_dim3A_637 = vector.broadcast %broadcast_in_dim3A_636 : i32 to vector<16xi32>
      %gather3A_638 = tpu.vector_load_idx %arg12[%add3A_621, %broadcast_in_dim3A_637] : memref<64x17xf32, #tpu.memory_space<vmem>>[vector<16xi32>, vector<16xi32>], vector<16xf32>,
      %add3A_639 = arith.addf %add3A_635, %gather3A_638 : vector<16xf32>
      %broadcast_in_dim3A_640 = arith.constant 4 : i32
      %broadcast_in_dim3A_641 = vector.broadcast %broadcast_in_dim3A_640 : i32 to vector<16xi32>
      %gather3A_642 = tpu.vector_load_idx %arg12[%add3A_621, %broadcast_in_dim3A_641] : memref<64x17xf32, #tpu.memory_space<vmem>>[vector<16xi32>, vector<16xi32>], vector<16xf32>,
      %add3A_643 = arith.addf %add3A_639, %gather3A_642 : vector<16xf32>
      %broadcast_in_dim3A_644 = arith.constant 5 : i32
      %broadcast_in_dim3A_645 = vector.broadcast %broadcast_in_dim3A_644 : i32 to vector<16xi32>
      %gather3A_646 = tpu.vector_load_idx %arg12[%add3A_621, %broadcast_in_dim3A_645] : memref<64x17xf32, #tpu.memory_space<vmem>>[vector<16xi32>, vector<16xi32>], vector<16xf32>,
      %add3A_647 = arith.addf %add3A_643, %gather3A_646 : vector<16xf32>
      %broadcast_in_dim3A_648 = arith.constant 6 : i32
      %broadcast_in_dim3A_649 = vector.broadcast %broadcast_in_dim3A_648 : i32 to vector<16xi32>
      %gather3A_650 = tpu.vector_load_idx %arg12[%add3A_621, %broadcast_in_dim3A_649] : memref<64x17xf32, #tpu.memory_space<vmem>>[vector<16xi32>, vector<16xi32>], vector<16xf32>,
      %add3A_651 = arith.addf %add3A_647, %gather3A_650 : vector<16xf32>
      %broadcast_in_dim3A_652 = arith.constant 7 : i32
      %broadcast_in_dim3A_653 = vector.broadcast %broadcast_in_dim3A_652 : i32 to vector<16xi32>
      %gather3A_654 = tpu.vector_load_idx %arg12[%add3A_621, %broadcast_in_dim3A_653] : memref<64x17xf32, #tpu.memory_space<vmem>>[vector<16xi32>, vector<16xi32>], vector<16xf32>,
      %add3A_655 = arith.addf %add3A_651, %gather3A_654 : vector<16xf32>
      %broadcast_in_dim3A_656 = arith.constant 8 : i32
      %broadcast_in_dim3A_657 = vector.broadcast %broadcast_in_dim3A_656 : i32 to vector<16xi32>
      %gather3A_658 = tpu.vector_load_idx %arg12[%add3A_621, %broadcast_in_dim3A_657] : memref<64x17xf32, #tpu.memory_space<vmem>>[vector<16xi32>, vector<16xi32>], vector<16xf32>,
      %add3A_659 = arith.addf %add3A_655, %gather3A_658 : vector<16xf32>
      %broadcast_in_dim3A_660 = arith.constant 9 : i32
      %broadcast_in_dim3A_661 = vector.broadcast %broadcast_in_dim3A_660 : i32 to vector<16xi32>
      %gather3A_662 = tpu.vector_load_idx %arg12[%add3A_621, %broadcast_in_dim3A_661] : memref<64x17xf32, #tpu.memory_space<vmem>>[vector<16xi32>, vector<16xi32>], vector<16xf32>,
      %add3A_663 = arith.addf %add3A_659, %gather3A_662 : vector<16xf32>
      %broadcast_in_dim3A_664 = arith.constant 10 : i32
      %broadcast_in_dim3A_665 = vector.broadcast %broadcast_in_dim3A_664 : i32 to vector<16xi32>
      %gather3A_666 = tpu.vector_load_idx %arg12[%add3A_621, %broadcast_in_dim3A_665] : memref<64x17xf32, #tpu.memory_space<vmem>>[vector<16xi32>, vector<16xi32>], vector<16xf32>,
      %add3A_667 = arith.addf %add3A_663, %gather3A_666 : vector<16xf32>
      %broadcast_in_dim3A_668 = arith.constant 11 : i32
      %broadcast_in_dim3A_669 = vector.broadcast %broadcast_in_dim3A_668 : i32 to vector<16xi32>
      %gather3A_670 = tpu.vector_load_idx %arg12[%add3A_621, %broadcast_in_dim3A_669] : memref<64x17xf32, #tpu.memory_space<vmem>>[vector<16xi32>, vector<16xi32>], vector<16xf32>,
      %add3A_671 = arith.addf %add3A_667, %gather3A_670 : vector<16xf32>
      %broadcast_in_dim3A_672 = arith.constant 12 : i32
      %broadcast_in_dim3A_673 = vector.broadcast %broadcast_in_dim3A_672 : i32 to vector<16xi32>
      %gather3A_674 = tpu.vector_load_idx %arg12[%add3A_621, %broadcast_in_dim3A_673] : memref<64x17xf32, #tpu.memory_space<vmem>>[vector<16xi32>, vector<16xi32>], vector<16xf32>,
      %add3A_675 = arith.addf %add3A_671, %gather3A_674 : vector<16xf32>
      %broadcast_in_dim3A_676 = arith.constant 13 : i32
      %broadcast_in_dim3A_677 = vector.broadcast %broadcast_in_dim3A_676 : i32 to vector<16xi32>
      %gather3A_678 = tpu.vector_load_idx %arg12[%add3A_621, %broadcast_in_dim3A_677] : memref<64x17xf32, #tpu.memory_space<vmem>>[vector<16xi32>, vector<16xi32>], vector<16xf32>,
      %add3A_679 = arith.addf %add3A_675, %gather3A_678 : vector<16xf32>
      %broadcast_in_dim3A_680 = arith.constant 14 : i32
      %broadcast_in_dim3A_681 = vector.broadcast %broadcast_in_dim3A_680 : i32 to vector<16xi32>
      %gather3A_682 = tpu.vector_load_idx %arg12[%add3A_621, %broadcast_in_dim3A_681] : memref<64x17xf32, #tpu.memory_space<vmem>>[vector<16xi32>, vector<16xi32>], vector<16xf32>,
      %add3A_683 = arith.addf %add3A_679, %gather3A_682 : vector<16xf32>
      %broadcast_in_dim3A_684 = arith.constant 15 : i32
      %broadcast_in_dim3A_685 = vector.broadcast %broadcast_in_dim3A_684 : i32 to vector<16xi32>
      %gather3A_686 = tpu.vector_load_idx %arg12[%add3A_621, %broadcast_in_dim3A_685] : memref<64x17xf32, #tpu.memory_space<vmem>>[vector<16xi32>, vector<16xi32>], vector<16xf32>,
      %add3A_687 = arith.addf %add3A_683, %gather3A_686 : vector<16xf32>
      %bitcast3A_688 = vector.bitcast %add3A_687 : vector<16xf32> to vector<16xi32>
      %shift_right_arithmetic3A_689 = arith.constant 1 : i32
      %shift_right_arithmetic3A_690 = vector.broadcast %shift_right_arithmetic3A_689 : i32 to vector<16xi32>
      %shift_right_arithmetic3A_691 = arith.shrsi %bitcast3A_688, %shift_right_arithmetic3A_690 : vector<16xi32>
      %add3A_692 = arith.constant 532487669 : i32
      %add3A_693 = vector.broadcast %add3A_692 : i32 to vector<16xi32>
      %add3A_694 = arith.addi %shift_right_arithmetic3A_691, %add3A_693 : vector<16xi32>
      %bitcast3A_695 = vector.bitcast %add3A_694 : vector<16xi32> to vector<16xf32>
      %div3A_696 = arith.divf %add3A_687, %bitcast3A_695 : vector<16xf32>
      %add3A_697 = arith.addf %bitcast3A_695, %div3A_696 : vector<16xf32>
      %mul3A_698 = arith.constant 5.000000e-01 : f32
      %mul3A_699 = vector.broadcast %mul3A_698 : f32 to vector<16xf32>
      %mul3A_700 = arith.mulf %mul3A_699, %add3A_697 : vector<16xf32>
      %div3A_701 = arith.divf %add3A_687, %mul3A_700 : vector<16xf32>
      %add3A_702 = arith.addf %mul3A_700, %div3A_701 : vector<16xf32>
      %mul3A_703 = arith.constant 5.000000e-01 : f32
      %mul3A_704 = vector.broadcast %mul3A_703 : f32 to vector<16xf32>
      %mul3A_705 = arith.mulf %mul3A_704, %add3A_702 : vector<16xf32>
      %div3A_706 = arith.divf %add3A_687, %mul3A_705 : vector<16xf32>
      %add3A_707 = arith.addf %mul3A_705, %div3A_706 : vector<16xf32>
      %mul3A_708 = arith.constant 5.000000e-01 : f32
      %mul3A_709 = vector.broadcast %mul3A_708 : f32 to vector<16xf32>
      %mul3A_710 = arith.mulf %mul3A_709, %add3A_707 : vector<16xf32>
      %sub3A_711 = arith.constant 1.000000e+01 : f32
      %sub3A_712 = vector.broadcast %sub3A_711 : f32 to vector<16xf32>
      %sub3A_713 = arith.subf %sub3A_712, %mul3A_710 : vector<16xf32>
      %max3A_714 = arith.constant 0.000000e+00 : f32
      %max3A_715 = vector.broadcast %max3A_714 : f32 to vector<16xf32>
      %max3A_716 = arith.maximumf %sub3A_713, %max3A_715 : vector<16xf32>
      %add3A_717 = arith.addf %broadcast_in_dim3A_618, %max3A_716 : vector<16xf32>
      %add3A_718 = arith.constant 16 : i32
      %add3A_719 = vector.broadcast %add3A_718 : i32 to vector<16xi32>
      %add3A_720 = arith.addi %iota3A, %add3A_719 : vector<16xi32>
      %broadcast_in_dim3A_721 = arith.constant 0.000000e+00 : f32
      %broadcast_in_dim3A_722 = vector.broadcast %broadcast_in_dim3A_721 : f32 to vector<16xf32>
      %broadcast_in_dim3A_723 = arith.constant 0 : i32
      %broadcast_in_dim3A_724 = vector.broadcast %broadcast_in_dim3A_723 : i32 to vector<16xi32>
      %gather3A_725 = tpu.vector_load_idx %arg12[%add3A_720, %broadcast_in_dim3A_724] : memref<64x17xf32, #tpu.memory_space<vmem>>[vector<16xi32>, vector<16xi32>], vector<16xf32>,
      %add3A_726 = arith.addf %broadcast_in_dim3A_722, %gather3A_725 : vector<16xf32>
      %broadcast_in_dim3A_727 = arith.constant 1 : i32
      %broadcast_in_dim3A_728 = vector.broadcast %broadcast_in_dim3A_727 : i32 to vector<16xi32>
      %gather3A_729 = tpu.vector_load_idx %arg12[%add3A_720, %broadcast_in_dim3A_728] : memref<64x17xf32, #tpu.memory_space<vmem>>[vector<16xi32>, vector<16xi32>], vector<16xf32>,
      %add3A_730 = arith.addf %add3A_726, %gather3A_729 : vector<16xf32>
      %broadcast_in_dim3A_731 = arith.constant 2 : i32
      %broadcast_in_dim3A_732 = vector.broadcast %broadcast_in_dim3A_731 : i32 to vector<16xi32>
      %gather3A_733 = tpu.vector_load_idx %arg12[%add3A_720, %broadcast_in_dim3A_732] : memref<64x17xf32, #tpu.memory_space<vmem>>[vector<16xi32>, vector<16xi32>], vector<16xf32>,
      %add3A_734 = arith.addf %add3A_730, %gather3A_733 : vector<16xf32>
      %broadcast_in_dim3A_735 = arith.constant 3 : i32
      %broadcast_in_dim3A_736 = vector.broadcast %broadcast_in_dim3A_735 : i32 to vector<16xi32>
      %gather3A_737 = tpu.vector_load_idx %arg12[%add3A_720, %broadcast_in_dim3A_736] : memref<64x17xf32, #tpu.memory_space<vmem>>[vector<16xi32>, vector<16xi32>], vector<16xf32>,
      %add3A_738 = arith.addf %add3A_734, %gather3A_737 : vector<16xf32>
      %broadcast_in_dim3A_739 = arith.constant 4 : i32
      %broadcast_in_dim3A_740 = vector.broadcast %broadcast_in_dim3A_739 : i32 to vector<16xi32>
      %gather3A_741 = tpu.vector_load_idx %arg12[%add3A_720, %broadcast_in_dim3A_740] : memref<64x17xf32, #tpu.memory_space<vmem>>[vector<16xi32>, vector<16xi32>], vector<16xf32>,
      %add3A_742 = arith.addf %add3A_738, %gather3A_741 : vector<16xf32>
      %broadcast_in_dim3A_743 = arith.constant 5 : i32
      %broadcast_in_dim3A_744 = vector.broadcast %broadcast_in_dim3A_743 : i32 to vector<16xi32>
      %gather3A_745 = tpu.vector_load_idx %arg12[%add3A_720, %broadcast_in_dim3A_744] : memref<64x17xf32, #tpu.memory_space<vmem>>[vector<16xi32>, vector<16xi32>], vector<16xf32>,
      %add3A_746 = arith.addf %add3A_742, %gather3A_745 : vector<16xf32>
      %broadcast_in_dim3A_747 = arith.constant 6 : i32
      %broadcast_in_dim3A_748 = vector.broadcast %broadcast_in_dim3A_747 : i32 to vector<16xi32>
      %gather3A_749 = tpu.vector_load_idx %arg12[%add3A_720, %broadcast_in_dim3A_748] : memref<64x17xf32, #tpu.memory_space<vmem>>[vector<16xi32>, vector<16xi32>], vector<16xf32>,
      %add3A_750 = arith.addf %add3A_746, %gather3A_749 : vector<16xf32>
      %broadcast_in_dim3A_751 = arith.constant 7 : i32
      %broadcast_in_dim3A_752 = vector.broadcast %broadcast_in_dim3A_751 : i32 to vector<16xi32>
      %gather3A_753 = tpu.vector_load_idx %arg12[%add3A_720, %broadcast_in_dim3A_752] : memref<64x17xf32, #tpu.memory_space<vmem>>[vector<16xi32>, vector<16xi32>], vector<16xf32>,
      %add3A_754 = arith.addf %add3A_750, %gather3A_753 : vector<16xf32>
      %broadcast_in_dim3A_755 = arith.constant 8 : i32
      %broadcast_in_dim3A_756 = vector.broadcast %broadcast_in_dim3A_755 : i32 to vector<16xi32>
      %gather3A_757 = tpu.vector_load_idx %arg12[%add3A_720, %broadcast_in_dim3A_756] : memref<64x17xf32, #tpu.memory_space<vmem>>[vector<16xi32>, vector<16xi32>], vector<16xf32>,
      %add3A_758 = arith.addf %add3A_754, %gather3A_757 : vector<16xf32>
      %broadcast_in_dim3A_759 = arith.constant 9 : i32
      %broadcast_in_dim3A_760 = vector.broadcast %broadcast_in_dim3A_759 : i32 to vector<16xi32>
      %gather3A_761 = tpu.vector_load_idx %arg12[%add3A_720, %broadcast_in_dim3A_760] : memref<64x17xf32, #tpu.memory_space<vmem>>[vector<16xi32>, vector<16xi32>], vector<16xf32>,
      %add3A_762 = arith.addf %add3A_758, %gather3A_761 : vector<16xf32>
      %broadcast_in_dim3A_763 = arith.constant 10 : i32
      %broadcast_in_dim3A_764 = vector.broadcast %broadcast_in_dim3A_763 : i32 to vector<16xi32>
      %gather3A_765 = tpu.vector_load_idx %arg12[%add3A_720, %broadcast_in_dim3A_764] : memref<64x17xf32, #tpu.memory_space<vmem>>[vector<16xi32>, vector<16xi32>], vector<16xf32>,
      %add3A_766 = arith.addf %add3A_762, %gather3A_765 : vector<16xf32>
      %broadcast_in_dim3A_767 = arith.constant 11 : i32
      %broadcast_in_dim3A_768 = vector.broadcast %broadcast_in_dim3A_767 : i32 to vector<16xi32>
      %gather3A_769 = tpu.vector_load_idx %arg12[%add3A_720, %broadcast_in_dim3A_768] : memref<64x17xf32, #tpu.memory_space<vmem>>[vector<16xi32>, vector<16xi32>], vector<16xf32>,
      %add3A_770 = arith.addf %add3A_766, %gather3A_769 : vector<16xf32>
      %broadcast_in_dim3A_771 = arith.constant 12 : i32
      %broadcast_in_dim3A_772 = vector.broadcast %broadcast_in_dim3A_771 : i32 to vector<16xi32>
      %gather3A_773 = tpu.vector_load_idx %arg12[%add3A_720, %broadcast_in_dim3A_772] : memref<64x17xf32, #tpu.memory_space<vmem>>[vector<16xi32>, vector<16xi32>], vector<16xf32>,
      %add3A_774 = arith.addf %add3A_770, %gather3A_773 : vector<16xf32>
      %broadcast_in_dim3A_775 = arith.constant 13 : i32
      %broadcast_in_dim3A_776 = vector.broadcast %broadcast_in_dim3A_775 : i32 to vector<16xi32>
      %gather3A_777 = tpu.vector_load_idx %arg12[%add3A_720, %broadcast_in_dim3A_776] : memref<64x17xf32, #tpu.memory_space<vmem>>[vector<16xi32>, vector<16xi32>], vector<16xf32>,
      %add3A_778 = arith.addf %add3A_774, %gather3A_777 : vector<16xf32>
      %broadcast_in_dim3A_779 = arith.constant 14 : i32
      %broadcast_in_dim3A_780 = vector.broadcast %broadcast_in_dim3A_779 : i32 to vector<16xi32>
      %gather3A_781 = tpu.vector_load_idx %arg12[%add3A_720, %broadcast_in_dim3A_780] : memref<64x17xf32, #tpu.memory_space<vmem>>[vector<16xi32>, vector<16xi32>], vector<16xf32>,
      %add3A_782 = arith.addf %add3A_778, %gather3A_781 : vector<16xf32>
      %broadcast_in_dim3A_783 = arith.constant 15 : i32
      %broadcast_in_dim3A_784 = vector.broadcast %broadcast_in_dim3A_783 : i32 to vector<16xi32>
      %gather3A_785 = tpu.vector_load_idx %arg12[%add3A_720, %broadcast_in_dim3A_784] : memref<64x17xf32, #tpu.memory_space<vmem>>[vector<16xi32>, vector<16xi32>], vector<16xf32>,
      %add3A_786 = arith.addf %add3A_782, %gather3A_785 : vector<16xf32>
      %bitcast3A_787 = vector.bitcast %add3A_786 : vector<16xf32> to vector<16xi32>
      %shift_right_arithmetic3A_788 = arith.constant 1 : i32
      %shift_right_arithmetic3A_789 = vector.broadcast %shift_right_arithmetic3A_788 : i32 to vector<16xi32>
      %shift_right_arithmetic3A_790 = arith.shrsi %bitcast3A_787, %shift_right_arithmetic3A_789 : vector<16xi32>
      %add3A_791 = arith.constant 532487669 : i32
      %add3A_792 = vector.broadcast %add3A_791 : i32 to vector<16xi32>
      %add3A_793 = arith.addi %shift_right_arithmetic3A_790, %add3A_792 : vector<16xi32>
      %bitcast3A_794 = vector.bitcast %add3A_793 : vector<16xi32> to vector<16xf32>
      %div3A_795 = arith.divf %add3A_786, %bitcast3A_794 : vector<16xf32>
      %add3A_796 = arith.addf %bitcast3A_794, %div3A_795 : vector<16xf32>
      %mul3A_797 = arith.constant 5.000000e-01 : f32
      %mul3A_798 = vector.broadcast %mul3A_797 : f32 to vector<16xf32>
      %mul3A_799 = arith.mulf %mul3A_798, %add3A_796 : vector<16xf32>
      %div3A_800 = arith.divf %add3A_786, %mul3A_799 : vector<16xf32>
      %add3A_801 = arith.addf %mul3A_799, %div3A_800 : vector<16xf32>
      %mul3A_802 = arith.constant 5.000000e-01 : f32
      %mul3A_803 = vector.broadcast %mul3A_802 : f32 to vector<16xf32>
      %mul3A_804 = arith.mulf %mul3A_803, %add3A_801 : vector<16xf32>
      %div3A_805 = arith.divf %add3A_786, %mul3A_804 : vector<16xf32>
      %add3A_806 = arith.addf %mul3A_804, %div3A_805 : vector<16xf32>
      %mul3A_807 = arith.constant 5.000000e-01 : f32
      %mul3A_808 = vector.broadcast %mul3A_807 : f32 to vector<16xf32>
      %mul3A_809 = arith.mulf %mul3A_808, %add3A_806 : vector<16xf32>
      %sub3A_810 = arith.constant 1.000000e+01 : f32
      %sub3A_811 = vector.broadcast %sub3A_810 : f32 to vector<16xf32>
      %sub3A_812 = arith.subf %sub3A_811, %mul3A_809 : vector<16xf32>
      %max3A_813 = arith.constant 0.000000e+00 : f32
      %max3A_814 = vector.broadcast %max3A_813 : f32 to vector<16xf32>
      %max3A_815 = arith.maximumf %sub3A_812, %max3A_814 : vector<16xf32>
      %add3A_816 = arith.addf %add3A_717, %max3A_815 : vector<16xf32>
      %add3A_817 = arith.constant 32 : i32
      %add3A_818 = vector.broadcast %add3A_817 : i32 to vector<16xi32>
      %add3A_819 = arith.addi %iota3A, %add3A_818 : vector<16xi32>
      %broadcast_in_dim3A_820 = arith.constant 0.000000e+00 : f32
      %broadcast_in_dim3A_821 = vector.broadcast %broadcast_in_dim3A_820 : f32 to vector<16xf32>
      %broadcast_in_dim3A_822 = arith.constant 0 : i32
      %broadcast_in_dim3A_823 = vector.broadcast %broadcast_in_dim3A_822 : i32 to vector<16xi32>
      %gather3A_824 = tpu.vector_load_idx %arg12[%add3A_819, %broadcast_in_dim3A_823] : memref<64x17xf32, #tpu.memory_space<vmem>>[vector<16xi32>, vector<16xi32>], vector<16xf32>,
      %add3A_825 = arith.addf %broadcast_in_dim3A_821, %gather3A_824 : vector<16xf32>
      %broadcast_in_dim3A_826 = arith.constant 1 : i32
      %broadcast_in_dim3A_827 = vector.broadcast %broadcast_in_dim3A_826 : i32 to vector<16xi32>
      %gather3A_828 = tpu.vector_load_idx %arg12[%add3A_819, %broadcast_in_dim3A_827] : memref<64x17xf32, #tpu.memory_space<vmem>>[vector<16xi32>, vector<16xi32>], vector<16xf32>,
      %add3A_829 = arith.addf %add3A_825, %gather3A_828 : vector<16xf32>
      %broadcast_in_dim3A_830 = arith.constant 2 : i32
      %broadcast_in_dim3A_831 = vector.broadcast %broadcast_in_dim3A_830 : i32 to vector<16xi32>
      %gather3A_832 = tpu.vector_load_idx %arg12[%add3A_819, %broadcast_in_dim3A_831] : memref<64x17xf32, #tpu.memory_space<vmem>>[vector<16xi32>, vector<16xi32>], vector<16xf32>,
      %add3A_833 = arith.addf %add3A_829, %gather3A_832 : vector<16xf32>
      %broadcast_in_dim3A_834 = arith.constant 3 : i32
      %broadcast_in_dim3A_835 = vector.broadcast %broadcast_in_dim3A_834 : i32 to vector<16xi32>
      %gather3A_836 = tpu.vector_load_idx %arg12[%add3A_819, %broadcast_in_dim3A_835] : memref<64x17xf32, #tpu.memory_space<vmem>>[vector<16xi32>, vector<16xi32>], vector<16xf32>,
      %add3A_837 = arith.addf %add3A_833, %gather3A_836 : vector<16xf32>
      %broadcast_in_dim3A_838 = arith.constant 4 : i32
      %broadcast_in_dim3A_839 = vector.broadcast %broadcast_in_dim3A_838 : i32 to vector<16xi32>
      %gather3A_840 = tpu.vector_load_idx %arg12[%add3A_819, %broadcast_in_dim3A_839] : memref<64x17xf32, #tpu.memory_space<vmem>>[vector<16xi32>, vector<16xi32>], vector<16xf32>,
      %add3A_841 = arith.addf %add3A_837, %gather3A_840 : vector<16xf32>
      %broadcast_in_dim3A_842 = arith.constant 5 : i32
      %broadcast_in_dim3A_843 = vector.broadcast %broadcast_in_dim3A_842 : i32 to vector<16xi32>
      %gather3A_844 = tpu.vector_load_idx %arg12[%add3A_819, %broadcast_in_dim3A_843] : memref<64x17xf32, #tpu.memory_space<vmem>>[vector<16xi32>, vector<16xi32>], vector<16xf32>,
      %add3A_845 = arith.addf %add3A_841, %gather3A_844 : vector<16xf32>
      %broadcast_in_dim3A_846 = arith.constant 6 : i32
      %broadcast_in_dim3A_847 = vector.broadcast %broadcast_in_dim3A_846 : i32 to vector<16xi32>
      %gather3A_848 = tpu.vector_load_idx %arg12[%add3A_819, %broadcast_in_dim3A_847] : memref<64x17xf32, #tpu.memory_space<vmem>>[vector<16xi32>, vector<16xi32>], vector<16xf32>,
      %add3A_849 = arith.addf %add3A_845, %gather3A_848 : vector<16xf32>
      %broadcast_in_dim3A_850 = arith.constant 7 : i32
      %broadcast_in_dim3A_851 = vector.broadcast %broadcast_in_dim3A_850 : i32 to vector<16xi32>
      %gather3A_852 = tpu.vector_load_idx %arg12[%add3A_819, %broadcast_in_dim3A_851] : memref<64x17xf32, #tpu.memory_space<vmem>>[vector<16xi32>, vector<16xi32>], vector<16xf32>,
      %add3A_853 = arith.addf %add3A_849, %gather3A_852 : vector<16xf32>
      %broadcast_in_dim3A_854 = arith.constant 8 : i32
      %broadcast_in_dim3A_855 = vector.broadcast %broadcast_in_dim3A_854 : i32 to vector<16xi32>
      %gather3A_856 = tpu.vector_load_idx %arg12[%add3A_819, %broadcast_in_dim3A_855] : memref<64x17xf32, #tpu.memory_space<vmem>>[vector<16xi32>, vector<16xi32>], vector<16xf32>,
      %add3A_857 = arith.addf %add3A_853, %gather3A_856 : vector<16xf32>
      %broadcast_in_dim3A_858 = arith.constant 9 : i32
      %broadcast_in_dim3A_859 = vector.broadcast %broadcast_in_dim3A_858 : i32 to vector<16xi32>
      %gather3A_860 = tpu.vector_load_idx %arg12[%add3A_819, %broadcast_in_dim3A_859] : memref<64x17xf32, #tpu.memory_space<vmem>>[vector<16xi32>, vector<16xi32>], vector<16xf32>,
      %add3A_861 = arith.addf %add3A_857, %gather3A_860 : vector<16xf32>
      %broadcast_in_dim3A_862 = arith.constant 10 : i32
      %broadcast_in_dim3A_863 = vector.broadcast %broadcast_in_dim3A_862 : i32 to vector<16xi32>
      %gather3A_864 = tpu.vector_load_idx %arg12[%add3A_819, %broadcast_in_dim3A_863] : memref<64x17xf32, #tpu.memory_space<vmem>>[vector<16xi32>, vector<16xi32>], vector<16xf32>,
      %add3A_865 = arith.addf %add3A_861, %gather3A_864 : vector<16xf32>
      %broadcast_in_dim3A_866 = arith.constant 11 : i32
      %broadcast_in_dim3A_867 = vector.broadcast %broadcast_in_dim3A_866 : i32 to vector<16xi32>
      %gather3A_868 = tpu.vector_load_idx %arg12[%add3A_819, %broadcast_in_dim3A_867] : memref<64x17xf32, #tpu.memory_space<vmem>>[vector<16xi32>, vector<16xi32>], vector<16xf32>,
      %add3A_869 = arith.addf %add3A_865, %gather3A_868 : vector<16xf32>
      %broadcast_in_dim3A_870 = arith.constant 12 : i32
      %broadcast_in_dim3A_871 = vector.broadcast %broadcast_in_dim3A_870 : i32 to vector<16xi32>
      %gather3A_872 = tpu.vector_load_idx %arg12[%add3A_819, %broadcast_in_dim3A_871] : memref<64x17xf32, #tpu.memory_space<vmem>>[vector<16xi32>, vector<16xi32>], vector<16xf32>,
      %add3A_873 = arith.addf %add3A_869, %gather3A_872 : vector<16xf32>
      %broadcast_in_dim3A_874 = arith.constant 13 : i32
      %broadcast_in_dim3A_875 = vector.broadcast %broadcast_in_dim3A_874 : i32 to vector<16xi32>
      %gather3A_876 = tpu.vector_load_idx %arg12[%add3A_819, %broadcast_in_dim3A_875] : memref<64x17xf32, #tpu.memory_space<vmem>>[vector<16xi32>, vector<16xi32>], vector<16xf32>,
      %add3A_877 = arith.addf %add3A_873, %gather3A_876 : vector<16xf32>
      %broadcast_in_dim3A_878 = arith.constant 14 : i32
      %broadcast_in_dim3A_879 = vector.broadcast %broadcast_in_dim3A_878 : i32 to vector<16xi32>
      %gather3A_880 = tpu.vector_load_idx %arg12[%add3A_819, %broadcast_in_dim3A_879] : memref<64x17xf32, #tpu.memory_space<vmem>>[vector<16xi32>, vector<16xi32>], vector<16xf32>,
      %add3A_881 = arith.addf %add3A_877, %gather3A_880 : vector<16xf32>
      %broadcast_in_dim3A_882 = arith.constant 15 : i32
      %broadcast_in_dim3A_883 = vector.broadcast %broadcast_in_dim3A_882 : i32 to vector<16xi32>
      %gather3A_884 = tpu.vector_load_idx %arg12[%add3A_819, %broadcast_in_dim3A_883] : memref<64x17xf32, #tpu.memory_space<vmem>>[vector<16xi32>, vector<16xi32>], vector<16xf32>,
      %add3A_885 = arith.addf %add3A_881, %gather3A_884 : vector<16xf32>
      %bitcast3A_886 = vector.bitcast %add3A_885 : vector<16xf32> to vector<16xi32>
      %shift_right_arithmetic3A_887 = arith.constant 1 : i32
      %shift_right_arithmetic3A_888 = vector.broadcast %shift_right_arithmetic3A_887 : i32 to vector<16xi32>
      %shift_right_arithmetic3A_889 = arith.shrsi %bitcast3A_886, %shift_right_arithmetic3A_888 : vector<16xi32>
      %add3A_890 = arith.constant 532487669 : i32
      %add3A_891 = vector.broadcast %add3A_890 : i32 to vector<16xi32>
      %add3A_892 = arith.addi %shift_right_arithmetic3A_889, %add3A_891 : vector<16xi32>
      %bitcast3A_893 = vector.bitcast %add3A_892 : vector<16xi32> to vector<16xf32>
      %div3A_894 = arith.divf %add3A_885, %bitcast3A_893 : vector<16xf32>
      %add3A_895 = arith.addf %bitcast3A_893, %div3A_894 : vector<16xf32>
      %mul3A_896 = arith.constant 5.000000e-01 : f32
      %mul3A_897 = vector.broadcast %mul3A_896 : f32 to vector<16xf32>
      %mul3A_898 = arith.mulf %mul3A_897, %add3A_895 : vector<16xf32>
      %div3A_899 = arith.divf %add3A_885, %mul3A_898 : vector<16xf32>
      %add3A_900 = arith.addf %mul3A_898, %div3A_899 : vector<16xf32>
      %mul3A_901 = arith.constant 5.000000e-01 : f32
      %mul3A_902 = vector.broadcast %mul3A_901 : f32 to vector<16xf32>
      %mul3A_903 = arith.mulf %mul3A_902, %add3A_900 : vector<16xf32>
      %div3A_904 = arith.divf %add3A_885, %mul3A_903 : vector<16xf32>
      %add3A_905 = arith.addf %mul3A_903, %div3A_904 : vector<16xf32>
      %mul3A_906 = arith.constant 5.000000e-01 : f32
      %mul3A_907 = vector.broadcast %mul3A_906 : f32 to vector<16xf32>
      %mul3A_908 = arith.mulf %mul3A_907, %add3A_905 : vector<16xf32>
      %sub3A_909 = arith.constant 1.000000e+01 : f32
      %sub3A_910 = vector.broadcast %sub3A_909 : f32 to vector<16xf32>
      %sub3A_911 = arith.subf %sub3A_910, %mul3A_908 : vector<16xf32>
      %max3A_912 = arith.constant 0.000000e+00 : f32
      %max3A_913 = vector.broadcast %max3A_912 : f32 to vector<16xf32>
      %max3A_914 = arith.maximumf %sub3A_911, %max3A_913 : vector<16xf32>
      %add3A_915 = arith.addf %add3A_816, %max3A_914 : vector<16xf32>
      %add3A_916 = arith.constant 48 : i32
      %add3A_917 = vector.broadcast %add3A_916 : i32 to vector<16xi32>
      %add3A_918 = arith.addi %iota3A, %add3A_917 : vector<16xi32>
      %broadcast_in_dim3A_919 = arith.constant 0.000000e+00 : f32
      %broadcast_in_dim3A_920 = vector.broadcast %broadcast_in_dim3A_919 : f32 to vector<16xf32>
      %broadcast_in_dim3A_921 = arith.constant 0 : i32
      %broadcast_in_dim3A_922 = vector.broadcast %broadcast_in_dim3A_921 : i32 to vector<16xi32>
      %gather3A_923 = tpu.vector_load_idx %arg12[%add3A_918, %broadcast_in_dim3A_922] : memref<64x17xf32, #tpu.memory_space<vmem>>[vector<16xi32>, vector<16xi32>], vector<16xf32>,
      %add3A_924 = arith.addf %broadcast_in_dim3A_920, %gather3A_923 : vector<16xf32>
      %broadcast_in_dim3A_925 = arith.constant 1 : i32
      %broadcast_in_dim3A_926 = vector.broadcast %broadcast_in_dim3A_925 : i32 to vector<16xi32>
      %gather3A_927 = tpu.vector_load_idx %arg12[%add3A_918, %broadcast_in_dim3A_926] : memref<64x17xf32, #tpu.memory_space<vmem>>[vector<16xi32>, vector<16xi32>], vector<16xf32>,
      %add3A_928 = arith.addf %add3A_924, %gather3A_927 : vector<16xf32>
      %broadcast_in_dim3A_929 = arith.constant 2 : i32
      %broadcast_in_dim3A_930 = vector.broadcast %broadcast_in_dim3A_929 : i32 to vector<16xi32>
      %gather3A_931 = tpu.vector_load_idx %arg12[%add3A_918, %broadcast_in_dim3A_930] : memref<64x17xf32, #tpu.memory_space<vmem>>[vector<16xi32>, vector<16xi32>], vector<16xf32>,
      %add3A_932 = arith.addf %add3A_928, %gather3A_931 : vector<16xf32>
      %broadcast_in_dim3A_933 = arith.constant 3 : i32
      %broadcast_in_dim3A_934 = vector.broadcast %broadcast_in_dim3A_933 : i32 to vector<16xi32>
      %gather3A_935 = tpu.vector_load_idx %arg12[%add3A_918, %broadcast_in_dim3A_934] : memref<64x17xf32, #tpu.memory_space<vmem>>[vector<16xi32>, vector<16xi32>], vector<16xf32>,
      %add3A_936 = arith.addf %add3A_932, %gather3A_935 : vector<16xf32>
      %broadcast_in_dim3A_937 = arith.constant 4 : i32
      %broadcast_in_dim3A_938 = vector.broadcast %broadcast_in_dim3A_937 : i32 to vector<16xi32>
      %gather3A_939 = tpu.vector_load_idx %arg12[%add3A_918, %broadcast_in_dim3A_938] : memref<64x17xf32, #tpu.memory_space<vmem>>[vector<16xi32>, vector<16xi32>], vector<16xf32>,
      %add3A_940 = arith.addf %add3A_936, %gather3A_939 : vector<16xf32>
      %broadcast_in_dim3A_941 = arith.constant 5 : i32
      %broadcast_in_dim3A_942 = vector.broadcast %broadcast_in_dim3A_941 : i32 to vector<16xi32>
      %gather3A_943 = tpu.vector_load_idx %arg12[%add3A_918, %broadcast_in_dim3A_942] : memref<64x17xf32, #tpu.memory_space<vmem>>[vector<16xi32>, vector<16xi32>], vector<16xf32>,
      %add3A_944 = arith.addf %add3A_940, %gather3A_943 : vector<16xf32>
      %broadcast_in_dim3A_945 = arith.constant 6 : i32
      %broadcast_in_dim3A_946 = vector.broadcast %broadcast_in_dim3A_945 : i32 to vector<16xi32>
      %gather3A_947 = tpu.vector_load_idx %arg12[%add3A_918, %broadcast_in_dim3A_946] : memref<64x17xf32, #tpu.memory_space<vmem>>[vector<16xi32>, vector<16xi32>], vector<16xf32>,
      %add3A_948 = arith.addf %add3A_944, %gather3A_947 : vector<16xf32>
      %broadcast_in_dim3A_949 = arith.constant 7 : i32
      %broadcast_in_dim3A_950 = vector.broadcast %broadcast_in_dim3A_949 : i32 to vector<16xi32>
      %gather3A_951 = tpu.vector_load_idx %arg12[%add3A_918, %broadcast_in_dim3A_950] : memref<64x17xf32, #tpu.memory_space<vmem>>[vector<16xi32>, vector<16xi32>], vector<16xf32>,
      %add3A_952 = arith.addf %add3A_948, %gather3A_951 : vector<16xf32>
      %broadcast_in_dim3A_953 = arith.constant 8 : i32
      %broadcast_in_dim3A_954 = vector.broadcast %broadcast_in_dim3A_953 : i32 to vector<16xi32>
      %gather3A_955 = tpu.vector_load_idx %arg12[%add3A_918, %broadcast_in_dim3A_954] : memref<64x17xf32, #tpu.memory_space<vmem>>[vector<16xi32>, vector<16xi32>], vector<16xf32>,
      %add3A_956 = arith.addf %add3A_952, %gather3A_955 : vector<16xf32>
      %broadcast_in_dim3A_957 = arith.constant 9 : i32
      %broadcast_in_dim3A_958 = vector.broadcast %broadcast_in_dim3A_957 : i32 to vector<16xi32>
      %gather3A_959 = tpu.vector_load_idx %arg12[%add3A_918, %broadcast_in_dim3A_958] : memref<64x17xf32, #tpu.memory_space<vmem>>[vector<16xi32>, vector<16xi32>], vector<16xf32>,
      %add3A_960 = arith.addf %add3A_956, %gather3A_959 : vector<16xf32>
      %broadcast_in_dim3A_961 = arith.constant 10 : i32
      %broadcast_in_dim3A_962 = vector.broadcast %broadcast_in_dim3A_961 : i32 to vector<16xi32>
      %gather3A_963 = tpu.vector_load_idx %arg12[%add3A_918, %broadcast_in_dim3A_962] : memref<64x17xf32, #tpu.memory_space<vmem>>[vector<16xi32>, vector<16xi32>], vector<16xf32>,
      %add3A_964 = arith.addf %add3A_960, %gather3A_963 : vector<16xf32>
      %broadcast_in_dim3A_965 = arith.constant 11 : i32
      %broadcast_in_dim3A_966 = vector.broadcast %broadcast_in_dim3A_965 : i32 to vector<16xi32>
      %gather3A_967 = tpu.vector_load_idx %arg12[%add3A_918, %broadcast_in_dim3A_966] : memref<64x17xf32, #tpu.memory_space<vmem>>[vector<16xi32>, vector<16xi32>], vector<16xf32>,
      %add3A_968 = arith.addf %add3A_964, %gather3A_967 : vector<16xf32>
      %broadcast_in_dim3A_969 = arith.constant 12 : i32
      %broadcast_in_dim3A_970 = vector.broadcast %broadcast_in_dim3A_969 : i32 to vector<16xi32>
      %gather3A_971 = tpu.vector_load_idx %arg12[%add3A_918, %broadcast_in_dim3A_970] : memref<64x17xf32, #tpu.memory_space<vmem>>[vector<16xi32>, vector<16xi32>], vector<16xf32>,
      %add3A_972 = arith.addf %add3A_968, %gather3A_971 : vector<16xf32>
      %broadcast_in_dim3A_973 = arith.constant 13 : i32
      %broadcast_in_dim3A_974 = vector.broadcast %broadcast_in_dim3A_973 : i32 to vector<16xi32>
      %gather3A_975 = tpu.vector_load_idx %arg12[%add3A_918, %broadcast_in_dim3A_974] : memref<64x17xf32, #tpu.memory_space<vmem>>[vector<16xi32>, vector<16xi32>], vector<16xf32>,
      %add3A_976 = arith.addf %add3A_972, %gather3A_975 : vector<16xf32>
      %broadcast_in_dim3A_977 = arith.constant 14 : i32
      %broadcast_in_dim3A_978 = vector.broadcast %broadcast_in_dim3A_977 : i32 to vector<16xi32>
      %gather3A_979 = tpu.vector_load_idx %arg12[%add3A_918, %broadcast_in_dim3A_978] : memref<64x17xf32, #tpu.memory_space<vmem>>[vector<16xi32>, vector<16xi32>], vector<16xf32>,
      %add3A_980 = arith.addf %add3A_976, %gather3A_979 : vector<16xf32>
      %broadcast_in_dim3A_981 = arith.constant 15 : i32
      %broadcast_in_dim3A_982 = vector.broadcast %broadcast_in_dim3A_981 : i32 to vector<16xi32>
      %gather3A_983 = tpu.vector_load_idx %arg12[%add3A_918, %broadcast_in_dim3A_982] : memref<64x17xf32, #tpu.memory_space<vmem>>[vector<16xi32>, vector<16xi32>], vector<16xf32>,
      %add3A_984 = arith.addf %add3A_980, %gather3A_983 : vector<16xf32>
      %bitcast3A_985 = vector.bitcast %add3A_984 : vector<16xf32> to vector<16xi32>
      %shift_right_arithmetic3A_986 = arith.constant 1 : i32
      %shift_right_arithmetic3A_987 = vector.broadcast %shift_right_arithmetic3A_986 : i32 to vector<16xi32>
      %shift_right_arithmetic3A_988 = arith.shrsi %bitcast3A_985, %shift_right_arithmetic3A_987 : vector<16xi32>
      %add3A_989 = arith.constant 532487669 : i32
      %add3A_990 = vector.broadcast %add3A_989 : i32 to vector<16xi32>
      %add3A_991 = arith.addi %shift_right_arithmetic3A_988, %add3A_990 : vector<16xi32>
      %bitcast3A_992 = vector.bitcast %add3A_991 : vector<16xi32> to vector<16xf32>
      %div3A_993 = arith.divf %add3A_984, %bitcast3A_992 : vector<16xf32>
      %add3A_994 = arith.addf %bitcast3A_992, %div3A_993 : vector<16xf32>
      %mul3A_995 = arith.constant 5.000000e-01 : f32
      %mul3A_996 = vector.broadcast %mul3A_995 : f32 to vector<16xf32>
      %mul3A_997 = arith.mulf %mul3A_996, %add3A_994 : vector<16xf32>
      %div3A_998 = arith.divf %add3A_984, %mul3A_997 : vector<16xf32>
      %add3A_999 = arith.addf %mul3A_997, %div3A_998 : vector<16xf32>
      %mul3A_1000 = arith.constant 5.000000e-01 : f32
      %mul3A_1001 = vector.broadcast %mul3A_1000 : f32 to vector<16xf32>
      %mul3A_1002 = arith.mulf %mul3A_1001, %add3A_999 : vector<16xf32>
      %div3A_1003 = arith.divf %add3A_984, %mul3A_1002 : vector<16xf32>
      %add3A_1004 = arith.addf %mul3A_1002, %div3A_1003 : vector<16xf32>
      %mul3A_1005 = arith.constant 5.000000e-01 : f32
      %mul3A_1006 = vector.broadcast %mul3A_1005 : f32 to vector<16xf32>
      %mul3A_1007 = arith.mulf %mul3A_1006, %add3A_1004 : vector<16xf32>
      %sub3A_1008 = arith.constant 1.000000e+01 : f32
      %sub3A_1009 = vector.broadcast %sub3A_1008 : f32 to vector<16xf32>
      %sub3A_1010 = arith.subf %sub3A_1009, %mul3A_1007 : vector<16xf32>
      %max3A_1011 = arith.constant 0.000000e+00 : f32
      %max3A_1012 = vector.broadcast %max3A_1011 : f32 to vector<16xf32>
      %max3A_1013 = arith.maximumf %sub3A_1010, %max3A_1012 : vector<16xf32>
      %add3A_1014 = arith.addf %add3A_915, %max3A_1013 : vector<16xf32>
      %add3A_1015 = arith.addf %add3A_590, %add3A_1014 : vector<16xf32>
      scf.yield %add3A_1015 : vector<16xf32>
    }
    %scan3A_22 = arith.constant 39 : i32
    %dma_wait3A = arith.constant 0 : i32
    %dma_wait3A_23 = tpu.memref_slice %arg6[%dma_wait3A] : memref<5000xi32, #tpu.memory_space<vmem>> -> memref<64xi32, #tpu.memory_space<vmem>>
    %dma_wait3A_24 = arith.constant 0 : i32
    %dma_wait3A_25 = arith.constant 0 : i32
    %dma_wait3A_26 = tpu.memref_slice %arg2[%dma_wait3A_24, %dma_wait3A_25] : memref<10000x256xbf16, #tpu.memory_space<hbm>> -> memref<10000x256xbf16, #tpu.memory_space<hbm>>
    tpu.wait_indirect_dma semaphore(%arg14 : memref<!tpu.dma_semaphore, #tpu.memory_space<semaphore_mem>>) src(%dma_wait3A_26 : memref<10000x256xbf16, #tpu.memory_space<hbm>>) dst(%arg8 : memref<64x256xbf16, #tpu.memory_space<vmem>>)
    %dma_wait3A_27 = arith.constant 0 : i32
    %dma_wait3A_28 = tpu.memref_slice %arg7[%dma_wait3A_27] : memref<5000xi32, #tpu.memory_space<vmem>> -> memref<64xi32, #tpu.memory_space<vmem>>
    %dma_wait3A_29 = arith.constant 0 : i32
    %dma_wait3A_30 = arith.constant 0 : i32
    %dma_wait3A_31 = tpu.memref_slice %arg5[%dma_wait3A_29, %dma_wait3A_30] : memref<10000x256xbf16, #tpu.memory_space<vmem_shared>> -> memref<10000x256xbf16, #tpu.memory_space<vmem_shared>>
    tpu.wait_indirect_dma semaphore(%arg15 : memref<!tpu.dma_semaphore, #tpu.memory_space<semaphore_mem>>) src(%dma_wait3A_31 : memref<10000x256xbf16, #tpu.memory_space<vmem_shared>>) dst(%arg9 : memref<64x256xbf16, #tpu.memory_space<vmem>>)
    %dma_start3A_32 = arith.constant 0 : i32
    %dma_start3A_33 = arith.constant 0 : i32
    %dma_start3A_34 = tpu.memref_slice %arg8[%dma_start3A_32, %dma_start3A_33] : memref<64x256xbf16, #tpu.memory_space<vmem>> -> memref<8x256xbf16, #tpu.memory_space<vmem>>
    %dma_start3A_35 = arith.constant 4992 : i32
    %dma_start3A_36 = tpu.memref_slice %arg6[%dma_start3A_35] : memref<5000xi32, #tpu.memory_space<vmem>> -> memref<8xi32, #tpu.memory_space<vmem>>
    %dma_start3A_37 = arith.constant 0 : i32
    %dma_start3A_38 = arith.constant 0 : i32
    %dma_start3A_39 = tpu.memref_slice %arg2[%dma_start3A_37, %dma_start3A_38] : memref<10000x256xbf16, #tpu.memory_space<hbm>> -> memref<10000x256xbf16, #tpu.memory_space<hbm>>
    tpu.enqueue_indirect_dma source(%dma_start3A_39 : memref<10000x256xbf16, #tpu.memory_space<hbm>>) target(%dma_start3A_34 : memref<8x256xbf16, #tpu.memory_space<vmem>>) offsets(%dma_start3A_36 : memref<8xi32, #tpu.memory_space<vmem>>) semaphore(%arg14 : memref<!tpu.dma_semaphore, #tpu.memory_space<semaphore_mem>>)
    %dma_start3A_40 = arith.constant 0 : i32
    %dma_start3A_41 = arith.constant 0 : i32
    %dma_start3A_42 = tpu.memref_slice %arg9[%dma_start3A_40, %dma_start3A_41] : memref<64x256xbf16, #tpu.memory_space<vmem>> -> memref<8x256xbf16, #tpu.memory_space<vmem>>
    %dma_start3A_43 = arith.constant 4992 : i32
    %dma_start3A_44 = tpu.memref_slice %arg7[%dma_start3A_43] : memref<5000xi32, #tpu.memory_space<vmem>> -> memref<8xi32, #tpu.memory_space<vmem>>
    %dma_start3A_45 = arith.constant 0 : i32
    %dma_start3A_46 = arith.constant 0 : i32
    %dma_start3A_47 = tpu.memref_slice %arg5[%dma_start3A_45, %dma_start3A_46] : memref<10000x256xbf16, #tpu.memory_space<vmem_shared>> -> memref<10000x256xbf16, #tpu.memory_space<vmem_shared>>
    tpu.enqueue_indirect_dma source(%dma_start3A_47 : memref<10000x256xbf16, #tpu.memory_space<vmem_shared>>) target(%dma_start3A_42 : memref<8x256xbf16, #tpu.memory_space<vmem>>) offsets(%dma_start3A_44 : memref<8xi32, #tpu.memory_space<vmem>>) semaphore(%arg15 : memref<!tpu.dma_semaphore, #tpu.memory_space<semaphore_mem>>)
    %dma_wait3A_48 = arith.constant 0 : i32
    %dma_wait3A_49 = arith.constant 0 : i32
    %dma_wait3A_50 = tpu.memref_slice %arg8[%dma_wait3A_48, %dma_wait3A_49] : memref<64x256xbf16, #tpu.memory_space<vmem>> -> memref<8x256xbf16, #tpu.memory_space<vmem>>
    %dma_wait3A_51 = arith.constant 4992 : i32
    %dma_wait3A_52 = tpu.memref_slice %arg6[%dma_wait3A_51] : memref<5000xi32, #tpu.memory_space<vmem>> -> memref<8xi32, #tpu.memory_space<vmem>>
    %dma_wait3A_53 = arith.constant 0 : i32
    %dma_wait3A_54 = arith.constant 0 : i32
    %dma_wait3A_55 = tpu.memref_slice %arg2[%dma_wait3A_53, %dma_wait3A_54] : memref<10000x256xbf16, #tpu.memory_space<hbm>> -> memref<10000x256xbf16, #tpu.memory_space<hbm>>
    tpu.wait_indirect_dma semaphore(%arg14 : memref<!tpu.dma_semaphore, #tpu.memory_space<semaphore_mem>>) src(%dma_wait3A_55 : memref<10000x256xbf16, #tpu.memory_space<hbm>>) dst(%dma_wait3A_50 : memref<8x256xbf16, #tpu.memory_space<vmem>>)
    %dma_wait3A_56 = arith.constant 0 : i32
    %dma_wait3A_57 = arith.constant 0 : i32
    %dma_wait3A_58 = tpu.memref_slice %arg9[%dma_wait3A_56, %dma_wait3A_57] : memref<64x256xbf16, #tpu.memory_space<vmem>> -> memref<8x256xbf16, #tpu.memory_space<vmem>>
    %dma_wait3A_59 = arith.constant 4992 : i32
    %dma_wait3A_60 = tpu.memref_slice %arg7[%dma_wait3A_59] : memref<5000xi32, #tpu.memory_space<vmem>> -> memref<8xi32, #tpu.memory_space<vmem>>
    %dma_wait3A_61 = arith.constant 0 : i32
    %dma_wait3A_62 = arith.constant 0 : i32
    %dma_wait3A_63 = tpu.memref_slice %arg5[%dma_wait3A_61, %dma_wait3A_62] : memref<10000x256xbf16, #tpu.memory_space<vmem_shared>> -> memref<10000x256xbf16, #tpu.memory_space<vmem_shared>>
    tpu.wait_indirect_dma semaphore(%arg15 : memref<!tpu.dma_semaphore, #tpu.memory_space<semaphore_mem>>) src(%dma_wait3A_63 : memref<10000x256xbf16, #tpu.memory_space<vmem_shared>>) dst(%dma_wait3A_58 : memref<8x256xbf16, #tpu.memory_space<vmem>>)
    %parallel_loop3A = arith.constant 0 : i32
    %parallel_loop3A_64 = arith.constant 8 : i32
    %parallel_loop3A_65 = arith.constant 1 : i32
    scf.for %parallel_loop3A_163 = %parallel_loop3A to %parallel_loop3A_64 step %parallel_loop3A_65  : i32 {
      %parallel_loop3A_164 = arith.constant 0.000000e+00 : f32
      %parallel_loop3A_165 = vector.broadcast %parallel_loop3A_164 : f32 to vector<16xf32>
      %parallel_loop3A_166 = arith.constant 0.000000e+00 : f32
      %parallel_loop3A_167 = vector.broadcast %parallel_loop3A_166 : f32 to vector<16xf32>
      %parallel_loop3A_168 = arith.constant 0.000000e+00 : f32
      %parallel_loop3A_169 = vector.broadcast %parallel_loop3A_168 : f32 to vector<16xf32>
      %parallel_loop3A_170 = arith.constant 0.000000e+00 : f32
      %parallel_loop3A_171 = vector.broadcast %parallel_loop3A_170 : f32 to vector<16xf32>
      %parallel_loop3A_172 = arith.index_cast %parallel_loop3A_163 : i32 to index
      %parallel_loop3A_173 = arith.constant 0 : index
      %parallel_loop3A_174 = tpu.vector_load %arg8[%parallel_loop3A_172, %parallel_loop3A_173] {strides = array<i32>} : memref<64x256xbf16, #tpu.memory_space<vmem>>, vector<32xbf16>,
      %parallel_loop3A_175 = arith.index_cast %parallel_loop3A_163 : i32 to index
      %parallel_loop3A_176 = arith.constant 0 : index
      %parallel_loop3A_177 = tpu.vector_load %arg9[%parallel_loop3A_175, %parallel_loop3A_176] {strides = array<i32>} : memref<64x256xbf16, #tpu.memory_space<vmem>>, vector<32xbf16>,
      %parallel_loop3A_178 = arith.subf %parallel_loop3A_174, %parallel_loop3A_177 : vector<32xbf16>
      %parallel_loop3A_179 = tpu.unpack_subelements %parallel_loop3A_178, 0 {pack_format = #tpu.pack_format<interleaved>} : vector<32xbf16> -> vector<16xf32>
      %parallel_loop3A_180 = tpu.unpack_subelements %parallel_loop3A_178, 1 {pack_format = #tpu.pack_format<interleaved>} : vector<32xbf16> -> vector<16xf32>
      %parallel_loop3A_181 = arith.mulf %parallel_loop3A_179, %parallel_loop3A_179 : vector<16xf32>
      %parallel_loop3A_182 = arith.addf %parallel_loop3A_165, %parallel_loop3A_181 : vector<16xf32>
      %parallel_loop3A_183 = arith.mulf %parallel_loop3A_180, %parallel_loop3A_180 : vector<16xf32>
      %parallel_loop3A_184 = arith.addf %parallel_loop3A_167, %parallel_loop3A_183 : vector<16xf32>
      %parallel_loop3A_185 = arith.index_cast %parallel_loop3A_163 : i32 to index
      %parallel_loop3A_186 = arith.constant 32 : index
      %parallel_loop3A_187 = tpu.vector_load %arg8[%parallel_loop3A_185, %parallel_loop3A_186] {strides = array<i32>} : memref<64x256xbf16, #tpu.memory_space<vmem>>, vector<32xbf16>,
      %parallel_loop3A_188 = arith.index_cast %parallel_loop3A_163 : i32 to index
      %parallel_loop3A_189 = arith.constant 32 : index
      %parallel_loop3A_190 = tpu.vector_load %arg9[%parallel_loop3A_188, %parallel_loop3A_189] {strides = array<i32>} : memref<64x256xbf16, #tpu.memory_space<vmem>>, vector<32xbf16>,
      %parallel_loop3A_191 = arith.subf %parallel_loop3A_187, %parallel_loop3A_190 : vector<32xbf16>
      %parallel_loop3A_192 = tpu.unpack_subelements %parallel_loop3A_191, 0 {pack_format = #tpu.pack_format<interleaved>} : vector<32xbf16> -> vector<16xf32>
      %parallel_loop3A_193 = tpu.unpack_subelements %parallel_loop3A_191, 1 {pack_format = #tpu.pack_format<interleaved>} : vector<32xbf16> -> vector<16xf32>
      %parallel_loop3A_194 = arith.mulf %parallel_loop3A_192, %parallel_loop3A_192 : vector<16xf32>
      %parallel_loop3A_195 = arith.addf %parallel_loop3A_169, %parallel_loop3A_194 : vector<16xf32>
      %parallel_loop3A_196 = arith.mulf %parallel_loop3A_193, %parallel_loop3A_193 : vector<16xf32>
      %parallel_loop3A_197 = arith.addf %parallel_loop3A_171, %parallel_loop3A_196 : vector<16xf32>
      %parallel_loop3A_198 = arith.index_cast %parallel_loop3A_163 : i32 to index
      %parallel_loop3A_199 = arith.constant 64 : index
      %parallel_loop3A_200 = tpu.vector_load %arg8[%parallel_loop3A_198, %parallel_loop3A_199] {strides = array<i32>} : memref<64x256xbf16, #tpu.memory_space<vmem>>, vector<32xbf16>,
      %parallel_loop3A_201 = arith.index_cast %parallel_loop3A_163 : i32 to index
      %parallel_loop3A_202 = arith.constant 64 : index
      %parallel_loop3A_203 = tpu.vector_load %arg9[%parallel_loop3A_201, %parallel_loop3A_202] {strides = array<i32>} : memref<64x256xbf16, #tpu.memory_space<vmem>>, vector<32xbf16>,
      %parallel_loop3A_204 = arith.subf %parallel_loop3A_200, %parallel_loop3A_203 : vector<32xbf16>
      %parallel_loop3A_205 = tpu.unpack_subelements %parallel_loop3A_204, 0 {pack_format = #tpu.pack_format<interleaved>} : vector<32xbf16> -> vector<16xf32>
      %parallel_loop3A_206 = tpu.unpack_subelements %parallel_loop3A_204, 1 {pack_format = #tpu.pack_format<interleaved>} : vector<32xbf16> -> vector<16xf32>
      %parallel_loop3A_207 = arith.mulf %parallel_loop3A_205, %parallel_loop3A_205 : vector<16xf32>
      %parallel_loop3A_208 = arith.addf %parallel_loop3A_182, %parallel_loop3A_207 : vector<16xf32>
      %parallel_loop3A_209 = arith.mulf %parallel_loop3A_206, %parallel_loop3A_206 : vector<16xf32>
      %parallel_loop3A_210 = arith.addf %parallel_loop3A_184, %parallel_loop3A_209 : vector<16xf32>
      %parallel_loop3A_211 = arith.index_cast %parallel_loop3A_163 : i32 to index
      %parallel_loop3A_212 = arith.constant 96 : index
      %parallel_loop3A_213 = tpu.vector_load %arg8[%parallel_loop3A_211, %parallel_loop3A_212] {strides = array<i32>} : memref<64x256xbf16, #tpu.memory_space<vmem>>, vector<32xbf16>,
      %parallel_loop3A_214 = arith.index_cast %parallel_loop3A_163 : i32 to index
      %parallel_loop3A_215 = arith.constant 96 : index
      %parallel_loop3A_216 = tpu.vector_load %arg9[%parallel_loop3A_214, %parallel_loop3A_215] {strides = array<i32>} : memref<64x256xbf16, #tpu.memory_space<vmem>>, vector<32xbf16>,
      %parallel_loop3A_217 = arith.subf %parallel_loop3A_213, %parallel_loop3A_216 : vector<32xbf16>
      %parallel_loop3A_218 = tpu.unpack_subelements %parallel_loop3A_217, 0 {pack_format = #tpu.pack_format<interleaved>} : vector<32xbf16> -> vector<16xf32>
      %parallel_loop3A_219 = tpu.unpack_subelements %parallel_loop3A_217, 1 {pack_format = #tpu.pack_format<interleaved>} : vector<32xbf16> -> vector<16xf32>
      %parallel_loop3A_220 = arith.mulf %parallel_loop3A_218, %parallel_loop3A_218 : vector<16xf32>
      %parallel_loop3A_221 = arith.addf %parallel_loop3A_195, %parallel_loop3A_220 : vector<16xf32>
      %parallel_loop3A_222 = arith.mulf %parallel_loop3A_219, %parallel_loop3A_219 : vector<16xf32>
      %parallel_loop3A_223 = arith.addf %parallel_loop3A_197, %parallel_loop3A_222 : vector<16xf32>
      %parallel_loop3A_224 = arith.index_cast %parallel_loop3A_163 : i32 to index
      %parallel_loop3A_225 = arith.constant 128 : index
      %parallel_loop3A_226 = tpu.vector_load %arg8[%parallel_loop3A_224, %parallel_loop3A_225] {strides = array<i32>} : memref<64x256xbf16, #tpu.memory_space<vmem>>, vector<32xbf16>,
      %parallel_loop3A_227 = arith.index_cast %parallel_loop3A_163 : i32 to index
      %parallel_loop3A_228 = arith.constant 128 : index
      %parallel_loop3A_229 = tpu.vector_load %arg9[%parallel_loop3A_227, %parallel_loop3A_228] {strides = array<i32>} : memref<64x256xbf16, #tpu.memory_space<vmem>>, vector<32xbf16>,
      %parallel_loop3A_230 = arith.subf %parallel_loop3A_226, %parallel_loop3A_229 : vector<32xbf16>
      %parallel_loop3A_231 = tpu.unpack_subelements %parallel_loop3A_230, 0 {pack_format = #tpu.pack_format<interleaved>} : vector<32xbf16> -> vector<16xf32>
      %parallel_loop3A_232 = tpu.unpack_subelements %parallel_loop3A_230, 1 {pack_format = #tpu.pack_format<interleaved>} : vector<32xbf16> -> vector<16xf32>
      %parallel_loop3A_233 = arith.mulf %parallel_loop3A_231, %parallel_loop3A_231 : vector<16xf32>
      %parallel_loop3A_234 = arith.addf %parallel_loop3A_208, %parallel_loop3A_233 : vector<16xf32>
      %parallel_loop3A_235 = arith.mulf %parallel_loop3A_232, %parallel_loop3A_232 : vector<16xf32>
      %parallel_loop3A_236 = arith.addf %parallel_loop3A_210, %parallel_loop3A_235 : vector<16xf32>
      %parallel_loop3A_237 = arith.index_cast %parallel_loop3A_163 : i32 to index
      %parallel_loop3A_238 = arith.constant 160 : index
      %parallel_loop3A_239 = tpu.vector_load %arg8[%parallel_loop3A_237, %parallel_loop3A_238] {strides = array<i32>} : memref<64x256xbf16, #tpu.memory_space<vmem>>, vector<32xbf16>,
      %parallel_loop3A_240 = arith.index_cast %parallel_loop3A_163 : i32 to index
      %parallel_loop3A_241 = arith.constant 160 : index
      %parallel_loop3A_242 = tpu.vector_load %arg9[%parallel_loop3A_240, %parallel_loop3A_241] {strides = array<i32>} : memref<64x256xbf16, #tpu.memory_space<vmem>>, vector<32xbf16>,
      %parallel_loop3A_243 = arith.subf %parallel_loop3A_239, %parallel_loop3A_242 : vector<32xbf16>
      %parallel_loop3A_244 = tpu.unpack_subelements %parallel_loop3A_243, 0 {pack_format = #tpu.pack_format<interleaved>} : vector<32xbf16> -> vector<16xf32>
      %parallel_loop3A_245 = tpu.unpack_subelements %parallel_loop3A_243, 1 {pack_format = #tpu.pack_format<interleaved>} : vector<32xbf16> -> vector<16xf32>
      %parallel_loop3A_246 = arith.mulf %parallel_loop3A_244, %parallel_loop3A_244 : vector<16xf32>
      %parallel_loop3A_247 = arith.addf %parallel_loop3A_221, %parallel_loop3A_246 : vector<16xf32>
      %parallel_loop3A_248 = arith.mulf %parallel_loop3A_245, %parallel_loop3A_245 : vector<16xf32>
      %parallel_loop3A_249 = arith.addf %parallel_loop3A_223, %parallel_loop3A_248 : vector<16xf32>
      %parallel_loop3A_250 = arith.index_cast %parallel_loop3A_163 : i32 to index
      %parallel_loop3A_251 = arith.constant 192 : index
      %parallel_loop3A_252 = tpu.vector_load %arg8[%parallel_loop3A_250, %parallel_loop3A_251] {strides = array<i32>} : memref<64x256xbf16, #tpu.memory_space<vmem>>, vector<32xbf16>,
      %parallel_loop3A_253 = arith.index_cast %parallel_loop3A_163 : i32 to index
      %parallel_loop3A_254 = arith.constant 192 : index
      %parallel_loop3A_255 = tpu.vector_load %arg9[%parallel_loop3A_253, %parallel_loop3A_254] {strides = array<i32>} : memref<64x256xbf16, #tpu.memory_space<vmem>>, vector<32xbf16>,
      %parallel_loop3A_256 = arith.subf %parallel_loop3A_252, %parallel_loop3A_255 : vector<32xbf16>
      %parallel_loop3A_257 = tpu.unpack_subelements %parallel_loop3A_256, 0 {pack_format = #tpu.pack_format<interleaved>} : vector<32xbf16> -> vector<16xf32>
      %parallel_loop3A_258 = tpu.unpack_subelements %parallel_loop3A_256, 1 {pack_format = #tpu.pack_format<interleaved>} : vector<32xbf16> -> vector<16xf32>
      %parallel_loop3A_259 = arith.mulf %parallel_loop3A_257, %parallel_loop3A_257 : vector<16xf32>
      %parallel_loop3A_260 = arith.addf %parallel_loop3A_234, %parallel_loop3A_259 : vector<16xf32>
      %parallel_loop3A_261 = arith.mulf %parallel_loop3A_258, %parallel_loop3A_258 : vector<16xf32>
      %parallel_loop3A_262 = arith.addf %parallel_loop3A_236, %parallel_loop3A_261 : vector<16xf32>
      %parallel_loop3A_263 = arith.index_cast %parallel_loop3A_163 : i32 to index
      %parallel_loop3A_264 = arith.constant 224 : index
      %parallel_loop3A_265 = tpu.vector_load %arg8[%parallel_loop3A_263, %parallel_loop3A_264] {strides = array<i32>} : memref<64x256xbf16, #tpu.memory_space<vmem>>, vector<32xbf16>,
      %parallel_loop3A_266 = arith.index_cast %parallel_loop3A_163 : i32 to index
      %parallel_loop3A_267 = arith.constant 224 : index
      %parallel_loop3A_268 = tpu.vector_load %arg9[%parallel_loop3A_266, %parallel_loop3A_267] {strides = array<i32>} : memref<64x256xbf16, #tpu.memory_space<vmem>>, vector<32xbf16>,
      %parallel_loop3A_269 = arith.subf %parallel_loop3A_265, %parallel_loop3A_268 : vector<32xbf16>
      %parallel_loop3A_270 = tpu.unpack_subelements %parallel_loop3A_269, 0 {pack_format = #tpu.pack_format<interleaved>} : vector<32xbf16> -> vector<16xf32>
      %parallel_loop3A_271 = tpu.unpack_subelements %parallel_loop3A_269, 1 {pack_format = #tpu.pack_format<interleaved>} : vector<32xbf16> -> vector<16xf32>
      %parallel_loop3A_272 = arith.mulf %parallel_loop3A_270, %parallel_loop3A_270 : vector<16xf32>
      %parallel_loop3A_273 = arith.addf %parallel_loop3A_247, %parallel_loop3A_272 : vector<16xf32>
      %parallel_loop3A_274 = arith.mulf %parallel_loop3A_271, %parallel_loop3A_271 : vector<16xf32>
      %parallel_loop3A_275 = arith.addf %parallel_loop3A_249, %parallel_loop3A_274 : vector<16xf32>
      %parallel_loop3A_276 = arith.addf %parallel_loop3A_260, %parallel_loop3A_262 : vector<16xf32>
      %parallel_loop3A_277 = arith.addf %parallel_loop3A_273, %parallel_loop3A_275 : vector<16xf32>
      %parallel_loop3A_278 = arith.addf %parallel_loop3A_276, %parallel_loop3A_277 : vector<16xf32>
      %parallel_loop3A_279 = arith.index_cast %parallel_loop3A_163 : i32 to index
      %parallel_loop3A_280 = arith.constant 0 : index
      %parallel_loop3A_281 = tpu.vector_load %arg12[%parallel_loop3A_279, %parallel_loop3A_280] {strides = array<i32>} : memref<64x17xf32, #tpu.memory_space<vmem>>, vector<16xf32>,
      tpu.vector_store %arg12[%parallel_loop3A_279, %parallel_loop3A_280], %parallel_loop3A_278 {strides = array<i32>} : memref<64x17xf32, #tpu.memory_space<vmem>>, vector<16xf32>,
    } {sc.loop_unroll_factor = 2 : i64, sc.parallel_access}
    %add3A_66 = arith.constant 0 : i32
    %add3A_67 = vector.broadcast %add3A_66 : i32 to vector<16xi32>
    %add3A_68 = arith.addi %iota3A, %add3A_67 : vector<16xi32>
    %broadcast_in_dim3A_69 = arith.constant 0.000000e+00 : f32
    %broadcast_in_dim3A_70 = vector.broadcast %broadcast_in_dim3A_69 : f32 to vector<16xf32>
    %broadcast_in_dim3A_71 = arith.constant 0 : i32
    %broadcast_in_dim3A_72 = vector.broadcast %broadcast_in_dim3A_71 : i32 to vector<16xi32>
    %gather3A = tpu.vector_load_idx %arg12[%add3A_68, %broadcast_in_dim3A_72] : memref<64x17xf32, #tpu.memory_space<vmem>>[vector<16xi32>, vector<16xi32>], vector<16xf32>,
    %add3A_73 = arith.addf %broadcast_in_dim3A_70, %gather3A : vector<16xf32>
    %broadcast_in_dim3A_74 = arith.constant 1 : i32
    %broadcast_in_dim3A_75 = vector.broadcast %broadcast_in_dim3A_74 : i32 to vector<16xi32>
    %gather3A_76 = tpu.vector_load_idx %arg12[%add3A_68, %broadcast_in_dim3A_75] : memref<64x17xf32, #tpu.memory_space<vmem>>[vector<16xi32>, vector<16xi32>], vector<16xf32>,
    %add3A_77 = arith.addf %add3A_73, %gather3A_76 : vector<16xf32>
    %broadcast_in_dim3A_78 = arith.constant 2 : i32
    %broadcast_in_dim3A_79 = vector.broadcast %broadcast_in_dim3A_78 : i32 to vector<16xi32>
    %gather3A_80 = tpu.vector_load_idx %arg12[%add3A_68, %broadcast_in_dim3A_79] : memref<64x17xf32, #tpu.memory_space<vmem>>[vector<16xi32>, vector<16xi32>], vector<16xf32>,
    %add3A_81 = arith.addf %add3A_77, %gather3A_80 : vector<16xf32>
    %broadcast_in_dim3A_82 = arith.constant 3 : i32
    %broadcast_in_dim3A_83 = vector.broadcast %broadcast_in_dim3A_82 : i32 to vector<16xi32>
    %gather3A_84 = tpu.vector_load_idx %arg12[%add3A_68, %broadcast_in_dim3A_83] : memref<64x17xf32, #tpu.memory_space<vmem>>[vector<16xi32>, vector<16xi32>], vector<16xf32>,
    %add3A_85 = arith.addf %add3A_81, %gather3A_84 : vector<16xf32>
    %broadcast_in_dim3A_86 = arith.constant 4 : i32
    %broadcast_in_dim3A_87 = vector.broadcast %broadcast_in_dim3A_86 : i32 to vector<16xi32>
    %gather3A_88 = tpu.vector_load_idx %arg12[%add3A_68, %broadcast_in_dim3A_87] : memref<64x17xf32, #tpu.memory_space<vmem>>[vector<16xi32>, vector<16xi32>], vector<16xf32>,
    %add3A_89 = arith.addf %add3A_85, %gather3A_88 : vector<16xf32>
    %broadcast_in_dim3A_90 = arith.constant 5 : i32
    %broadcast_in_dim3A_91 = vector.broadcast %broadcast_in_dim3A_90 : i32 to vector<16xi32>
    %gather3A_92 = tpu.vector_load_idx %arg12[%add3A_68, %broadcast_in_dim3A_91] : memref<64x17xf32, #tpu.memory_space<vmem>>[vector<16xi32>, vector<16xi32>], vector<16xf32>,
    %add3A_93 = arith.addf %add3A_89, %gather3A_92 : vector<16xf32>
    %broadcast_in_dim3A_94 = arith.constant 6 : i32
    %broadcast_in_dim3A_95 = vector.broadcast %broadcast_in_dim3A_94 : i32 to vector<16xi32>
    %gather3A_96 = tpu.vector_load_idx %arg12[%add3A_68, %broadcast_in_dim3A_95] : memref<64x17xf32, #tpu.memory_space<vmem>>[vector<16xi32>, vector<16xi32>], vector<16xf32>,
    %add3A_97 = arith.addf %add3A_93, %gather3A_96 : vector<16xf32>
    %broadcast_in_dim3A_98 = arith.constant 7 : i32
    %broadcast_in_dim3A_99 = vector.broadcast %broadcast_in_dim3A_98 : i32 to vector<16xi32>
    %gather3A_100 = tpu.vector_load_idx %arg12[%add3A_68, %broadcast_in_dim3A_99] : memref<64x17xf32, #tpu.memory_space<vmem>>[vector<16xi32>, vector<16xi32>], vector<16xf32>,
    %add3A_101 = arith.addf %add3A_97, %gather3A_100 : vector<16xf32>
    %broadcast_in_dim3A_102 = arith.constant 8 : i32
    %broadcast_in_dim3A_103 = vector.broadcast %broadcast_in_dim3A_102 : i32 to vector<16xi32>
    %gather3A_104 = tpu.vector_load_idx %arg12[%add3A_68, %broadcast_in_dim3A_103] : memref<64x17xf32, #tpu.memory_space<vmem>>[vector<16xi32>, vector<16xi32>], vector<16xf32>,
    %add3A_105 = arith.addf %add3A_101, %gather3A_104 : vector<16xf32>
    %broadcast_in_dim3A_106 = arith.constant 9 : i32
    %broadcast_in_dim3A_107 = vector.broadcast %broadcast_in_dim3A_106 : i32 to vector<16xi32>
    %gather3A_108 = tpu.vector_load_idx %arg12[%add3A_68, %broadcast_in_dim3A_107] : memref<64x17xf32, #tpu.memory_space<vmem>>[vector<16xi32>, vector<16xi32>], vector<16xf32>,
    %add3A_109 = arith.addf %add3A_105, %gather3A_108 : vector<16xf32>
    %broadcast_in_dim3A_110 = arith.constant 10 : i32
    %broadcast_in_dim3A_111 = vector.broadcast %broadcast_in_dim3A_110 : i32 to vector<16xi32>
    %gather3A_112 = tpu.vector_load_idx %arg12[%add3A_68, %broadcast_in_dim3A_111] : memref<64x17xf32, #tpu.memory_space<vmem>>[vector<16xi32>, vector<16xi32>], vector<16xf32>,
    %add3A_113 = arith.addf %add3A_109, %gather3A_112 : vector<16xf32>
    %broadcast_in_dim3A_114 = arith.constant 11 : i32
    %broadcast_in_dim3A_115 = vector.broadcast %broadcast_in_dim3A_114 : i32 to vector<16xi32>
    %gather3A_116 = tpu.vector_load_idx %arg12[%add3A_68, %broadcast_in_dim3A_115] : memref<64x17xf32, #tpu.memory_space<vmem>>[vector<16xi32>, vector<16xi32>], vector<16xf32>,
    %add3A_117 = arith.addf %add3A_113, %gather3A_116 : vector<16xf32>
    %broadcast_in_dim3A_118 = arith.constant 12 : i32
    %broadcast_in_dim3A_119 = vector.broadcast %broadcast_in_dim3A_118 : i32 to vector<16xi32>
    %gather3A_120 = tpu.vector_load_idx %arg12[%add3A_68, %broadcast_in_dim3A_119] : memref<64x17xf32, #tpu.memory_space<vmem>>[vector<16xi32>, vector<16xi32>], vector<16xf32>,
    %add3A_121 = arith.addf %add3A_117, %gather3A_120 : vector<16xf32>
    %broadcast_in_dim3A_122 = arith.constant 13 : i32
    %broadcast_in_dim3A_123 = vector.broadcast %broadcast_in_dim3A_122 : i32 to vector<16xi32>
    %gather3A_124 = tpu.vector_load_idx %arg12[%add3A_68, %broadcast_in_dim3A_123] : memref<64x17xf32, #tpu.memory_space<vmem>>[vector<16xi32>, vector<16xi32>], vector<16xf32>,
    %add3A_125 = arith.addf %add3A_121, %gather3A_124 : vector<16xf32>
    %broadcast_in_dim3A_126 = arith.constant 14 : i32
    %broadcast_in_dim3A_127 = vector.broadcast %broadcast_in_dim3A_126 : i32 to vector<16xi32>
    %gather3A_128 = tpu.vector_load_idx %arg12[%add3A_68, %broadcast_in_dim3A_127] : memref<64x17xf32, #tpu.memory_space<vmem>>[vector<16xi32>, vector<16xi32>], vector<16xf32>,
    %add3A_129 = arith.addf %add3A_125, %gather3A_128 : vector<16xf32>
    %broadcast_in_dim3A_130 = arith.constant 15 : i32
    %broadcast_in_dim3A_131 = vector.broadcast %broadcast_in_dim3A_130 : i32 to vector<16xi32>
    %gather3A_132 = tpu.vector_load_idx %arg12[%add3A_68, %broadcast_in_dim3A_131] : memref<64x17xf32, #tpu.memory_space<vmem>>[vector<16xi32>, vector<16xi32>], vector<16xf32>,
    %add3A_133 = arith.addf %add3A_129, %gather3A_132 : vector<16xf32>
    %bitcast3A = vector.bitcast %add3A_133 : vector<16xf32> to vector<16xi32>
    %shift_right_arithmetic3A = arith.constant 1 : i32
    %shift_right_arithmetic3A_134 = vector.broadcast %shift_right_arithmetic3A : i32 to vector<16xi32>
    %shift_right_arithmetic3A_135 = arith.shrsi %bitcast3A, %shift_right_arithmetic3A_134 : vector<16xi32>
    %add3A_136 = arith.constant 532487669 : i32
    %add3A_137 = vector.broadcast %add3A_136 : i32 to vector<16xi32>
    %add3A_138 = arith.addi %shift_right_arithmetic3A_135, %add3A_137 : vector<16xi32>
    %bitcast3A_139 = vector.bitcast %add3A_138 : vector<16xi32> to vector<16xf32>
    %div3A = arith.divf %add3A_133, %bitcast3A_139 : vector<16xf32>
    %add3A_140 = arith.addf %bitcast3A_139, %div3A : vector<16xf32>
    %mul3A_141 = arith.constant 5.000000e-01 : f32
    %mul3A_142 = vector.broadcast %mul3A_141 : f32 to vector<16xf32>
    %mul3A_143 = arith.mulf %mul3A_142, %add3A_140 : vector<16xf32>
    %div3A_144 = arith.divf %add3A_133, %mul3A_143 : vector<16xf32>
    %add3A_145 = arith.addf %mul3A_143, %div3A_144 : vector<16xf32>
    %mul3A_146 = arith.constant 5.000000e-01 : f32
    %mul3A_147 = vector.broadcast %mul3A_146 : f32 to vector<16xf32>
    %mul3A_148 = arith.mulf %mul3A_147, %add3A_145 : vector<16xf32>
    %div3A_149 = arith.divf %add3A_133, %mul3A_148 : vector<16xf32>
    %add3A_150 = arith.addf %mul3A_148, %div3A_149 : vector<16xf32>
    %mul3A_151 = arith.constant 5.000000e-01 : f32
    %mul3A_152 = vector.broadcast %mul3A_151 : f32 to vector<16xf32>
    %mul3A_153 = arith.mulf %mul3A_152, %add3A_150 : vector<16xf32>
    %lt3A = arith.constant 8 : i32
    %lt3A_154 = vector.broadcast %lt3A : i32 to vector<16xi32>
    %lt3A_155 = arith.cmpi slt, %iota3A, %lt3A_154 : vector<16xi32>
    %sub3A = arith.constant 1.000000e+01 : f32
    %sub3A_156 = vector.broadcast %sub3A : f32 to vector<16xf32>
    %sub3A_157 = arith.subf %sub3A_156, %mul3A_153 : vector<16xf32>
    %max3A = arith.constant 0.000000e+00 : f32
    %max3A_158 = vector.broadcast %max3A : f32 to vector<16xf32>
    %max3A_159 = arith.maximumf %sub3A_157, %max3A_158 : vector<16xf32>
    %jit3A = arith.constant 0.000000e+00 : f32
    %broadcast_in_dim3A_160 = vector.broadcast %jit3A : f32 to vector<16xf32>
    %select_n3A = arith.select %lt3A_155, %max3A_159, %broadcast_in_dim3A_160 : vector<16xi1>, vector<16xf32>
    %add3A_161 = arith.addf %scan3A_21, %select_n3A : vector<16xf32>
    %swap3A = arith.constant 0 : index
    %swap3A_162 = tpu.vector_load %arg13[%swap3A] {strides = array<i32>} : memref<16xf32, #tpu.memory_space<vmem>>, vector<16xf32>,
    tpu.vector_store %arg13[%swap3A], %add3A_161 {strides = array<i32>} : memref<16xf32, #tpu.memory_space<vmem>>, vector<16xf32>,
    "tpu.region"() ({
      %run_scoped3A_163 = tpu.sem_alloc : memref<!tpu.dma_semaphore, #tpu.memory_space<semaphore_mem>>
      %dma_start3A_164 = arith.constant 0 : i32
      %dma_start3A_165 = tpu.memref_slice %arg4[%add3A, %dma_start3A_164] : memref<32x16xf32, #tpu.memory_space<hbm>> -> memref<1x16xf32, #tpu.memory_space<hbm>>
      %dma_start3A_166 = tpu.memref_squeeze %dma_start3A_165 : memref<1x16xf32, #tpu.memory_space<hbm>> -> memref<16xf32, #tpu.memory_space<hbm>>
      %dma_start3A_167 = arith.constant 0 : i32
      %dma_start3A_168 = tpu.memref_slice %arg4[%add3A, %dma_start3A_167] : memref<32x16xf32, #tpu.memory_space<hbm>> -> memref<1x16xf32, #tpu.memory_space<hbm>>
      %dma_start3A_169 = tpu.memref_squeeze %dma_start3A_168 : memref<1x16xf32, #tpu.memory_space<hbm>> -> memref<16xf32, #tpu.memory_space<hbm>>
      tpu.enqueue_dma source(%arg13 : memref<16xf32, #tpu.memory_space<vmem>>) target(%dma_start3A_169 : memref<16xf32, #tpu.memory_space<hbm>>) target_semaphore(%run_scoped3A_163 : memref<!tpu.dma_semaphore, #tpu.memory_space<semaphore_mem>>)
      %dma_wait3A_170 = arith.constant 0 : i32
      %dma_wait3A_171 = tpu.memref_slice %arg4[%add3A, %dma_wait3A_170] : memref<32x16xf32, #tpu.memory_space<hbm>> -> memref<1x16xf32, #tpu.memory_space<hbm>>
      %dma_wait3A_172 = tpu.memref_squeeze %dma_wait3A_171 : memref<1x16xf32, #tpu.memory_space<hbm>> -> memref<16xf32, #tpu.memory_space<hbm>>
      %dma_wait3A_173 = arith.constant 0 : i32
      %dma_wait3A_174 = tpu.memref_slice %arg4[%add3A, %dma_wait3A_173] : memref<32x16xf32, #tpu.memory_space<hbm>> -> memref<1x16xf32, #tpu.memory_space<hbm>>
      %dma_wait3A_175 = tpu.memref_squeeze %dma_wait3A_174 : memref<1x16xf32, #tpu.memory_space<hbm>> -> memref<16xf32, #tpu.memory_space<hbm>>
      tpu.wait_dma2 semaphore(%run_scoped3A_163 : memref<!tpu.dma_semaphore, #tpu.memory_space<semaphore_mem>>) src(%arg13 : memref<16xf32, #tpu.memory_space<vmem>>) dst(%dma_wait3A_175 : memref<16xf32, #tpu.memory_space<hbm>>)
      tpu.yield
    }) : () -> ()
    return
  }
}

</mosaic_0001>

<sc_bundles>
// kernel: kernel.3.cloned.1.call-start
scs
__scs_entry_jumppad:
0x0: {  	(pc) =	sbr.rel $0x88, $3  }
0x1: {  	(tag) =	ssettag $0x0;
	lr =	simm.s32 $0x1  }
0x2: {  	[smem:$0x3F9F] =	sst lr;
	_ =	strace $0xD0000000  }
0x3: {  	_ = 	snop  }
0x4: {  	_ = 	snop  }
0x5: {  	_ = 	snop  }
0x6: {  	_ = 	snop  }
0x7: {  	_ = 	snop  }
__scs_overlays_trampoline_lowered:
0x8: {  	[smem:$0x3FAE] =	sst s0  }
0x9: {  	[smem:$0x3FAF] =	sst s1  }
0xa: {  	[smem:$0x3FB0] =	sst s2  }
0xb: {  	[smem:$0x3FB1] =	sst s3  }
0xc: {  	[smem:$0x3FB2] =	sst s4  }
0xd: {  	[smem:$0x3FB3] =	sst s5  }
0xe: {  	[smem:$0x3FB4] =	sst s6  }
0xf: {  	[smem:$0x3FB5] =	sst s7  }
0x10: {  	[smem:$0x3FB6] =	sst s8  }
0x11: {  	[smem:$0x3FB7] =	sst s9;
	s0 =	simm.s32 @!p0 $0x0  }
0x12: {  	s1 =	sld [smem:$0x3F9D];
	s0 =	simm.s32 @p0 $0x1  }
0x13: {  	[smem:$0x3FB8] =	sst s0;
	s0 =	simm.s32 @!p1 $0x0  }
0x14: {  	s2 =	sld [smem:$0x3F9C];
	s0 =	simm.s32 @p1 $0x1  }
0x15: {  	[smem:$0x3FB9] =	sst s0;
	s0 =	simm.s32 @!p2 $0x0  }
0x16: {  	s3 =	sld [smem:$0x3FDB];
	s0 =	simm.s32 @p2 $0x1  }
0x17: {  	s4 =	simm.s32 $0x1BF5;
	[smem:$0x3FBB] =	sst s0  }
0x18: {  	s0 =	sld [smem:$0x3F9E];
	_ =	swait.ge [sflag:s4], $0x0  }
0x19: {  	s7 =	sld [smem:$0x3F9F]  }
0x1a: {  	s8 =	sadd.s32 $0xFFFFE003, lr  }
0x1b: {  	s9 =	sadd.s32 $0xFFFFFEF7, lr;
	s5 =	simm.s32 $0xFFFFFFFF;
	p2 =	slt.u32 s8, $0xFFFFF086  }
0x1c: {  	p1 =	slt.u32 s9, $0xF7A;
	s5 =	simm.s32 @!p2 $0x0  }
0x1d: {  	s5 =	simm.s32 @p1 $0x1;
	p0 =	seq.s32 s7, s2  }
0x1e: {  	s7 =	smul.u32 @!p0 $0xF7A, s2;
	p2 =	seq.s32 @!p0 s5, $0x0  }
0x1f: {  	s9 =	smul.u32 $0xF7A, s1;
	s8 =	simm.s32 @!p0 $0x1BF5;
	p2 =	por !p2, p0  }
0x20: {  	[sflag:s8] =	ssyncset.s32 @!p0 $0xFFFFF086;
	s6 =	sadd.s32 @!p0 s3, s7;
	s7 =	simm.s32 @!p0 $0x108  }
0x21: {  	s3 =	sadd.s32 s3, s9;
	s6 =	sadd.s32 @!p0 $0x88, s6;
	s7 =	simm.s32 @p2 $0x1082  }
0x22: {  	[simem:s7], [sflag:s8] =	dma.local @!p0 [hbm:s6], $0xF7A  }
0x23: {  	s9 =	sor.u32 $0xD0000000, s2;
	s6 =	simm.s32 $0x108;
	_ =	swait.ge @!p0 [sflag:s8], $0x0  }
0x24: {  	s3 =	sadd.s32 $0x88, s3;
	s6 =	simm.s32 @!p1 $0x1082;
	[sflag:s4] =	ssyncset.s32 $0xFFFFF086  }
0x25: {  	[simem:s6], [sflag:s4] =	dma.local [hbm:s3], $0xF7A  }
0x26: {  	[smem:$0x3F9F] =	sst s1;
	(tag) =	ssettag s2;
	_ =	strace s9  }
0x27: {  	s1 =	sld [smem:$0x3FAF]  }
0x28: {  	s2 =	sld [smem:$0x3FB0]  }
0x29: {  	s4 =	sld [smem:$0x3FB2]  }
0x2a: {  	p0 =	seq.s32 s5, $0x0;
	s5 =	sld [smem:$0x3FB3]  }
0x2b: {  	s6 =	sld [smem:$0x3FB4]  }
0x2c: {  	s7 =	sld [smem:$0x3FB5]  }
0x2d: {  	s3 =	simm.s32 $0x108;
	s8 =	sld [smem:$0x3FB6]  }
0x2e: {  	s3 =	simm.s32 @!p0 $0x1082;
	s9 =	sld [smem:$0x3FB7]  }
0x2f: {  	lr =	sadd.s32 s0, s3;
	s0 =	sld [smem:$0x3FAE]  }
0x30: {  	s3 =	sld [smem:$0x3FB1]  }
0x31: {  	[smem:$0x3FBA] =	sst s10  }
0x32: {  	s10 =	sld [smem:$0x3FB8];
	_ =	sdelay $0x3  }
0x33: {  	p0 =	seq.s32 s10, $0x1;
	s10 =	sld [smem:$0x3FBA];
	_ =	sdelay $0x3  }
0x34: {  	[smem:$0x3FBA] =	sst s10  }
0x35: {  	s10 =	sld [smem:$0x3FB9];
	_ =	sdelay $0x3  }
0x36: {  	p1 =	seq.s32 s10, $0x1;
	s10 =	sld [smem:$0x3FBA];
	_ =	sdelay $0x3  }
0x37: {  	[smem:$0x3FBA] =	sst s10  }
0x38: {  	s10 =	sld [smem:$0x3FBB]  }
0x39: {  	_ = 	snop;
	(pc) =	sbr.ind lr, $3  }
0x3a: {  	_ = 	snop  }
0x3b: {  	_ = 	snop  }
0x3c: {  	p2 =	seq.s32 s10, $0x1;
	s10 =	sld [smem:$0x3FBA]  }
0x3d: {  	_ =	shalt  }
0x3e: {  	_ =	shalt  }
0x3f: {  	_ =	shalt  }
0x40: {  	_ =	shalt  }
0x41: {  	_ =	shalt  }
0x42: {  	_ =	shalt  }
0x43: {  	_ =	shalt  }
0x44: {  	_ =	shalt  }
0x45: {  	_ =	shalt  }
0x46: {  	_ =	shalt  }
0x47: {  	_ =	shalt  }
0x48: {  	_ =	shalt  }
0x49: {  	_ =	shalt  }
0x4a: {  	_ =	shalt  }
0x4b: {  	_ =	shalt  }
0x4c: {  	_ =	shalt  }
0x4d: {  	_ =	shalt  }
0x4e: {  	_ =	shalt  }
0x4f: {  	_ =	shalt  }
0x50: {  	_ =	shalt  }
0x51: {  	_ =	shalt  }
0x52: {  	_ =	shalt  }
0x53: {  	_ =	shalt  }
0x54: {  	_ =	shalt  }
0x55: {  	_ =	shalt  }
0x56: {  	_ =	shalt  }
0x57: {  	_ =	shalt  }
0x58: {  	_ =	shalt  }
0x59: {  	_ =	shalt  }
0x5a: {  	_ =	shalt  }
0x5b: {  	_ =	shalt  }
0x5c: {  	_ =	shalt  }
0x5d: {  	_ =	shalt  }
0x5e: {  	_ =	shalt  }
0x5f: {  	_ =	shalt  }
0x60: {  	_ =	shalt  }
0x61: {  	_ =	shalt  }
0x62: {  	_ =	shalt  }
0x63: {  	_ =	shalt  }
0x64: {  	_ =	shalt  }
0x65: {  	_ =	shalt  }
0x66: {  	_ =	shalt  }
0x67: {  	_ =	shalt  }
0x68: {  	_ =	shalt  }
0x69: {  	_ =	shalt  }
0x6a: {  	_ =	shalt  }
0x6b: {  	_ =	shalt  }
0x6c: {  	_ =	shalt  }
0x6d: {  	_ =	shalt  }
0x6e: {  	_ =	shalt  }
0x6f: {  	_ =	shalt  }
0x70: {  	_ =	shalt  }
0x71: {  	_ =	shalt  }
0x72: {  	_ =	shalt  }
0x73: {  	_ =	shalt  }
0x74: {  	_ =	shalt  }
0x75: {  	_ =	shalt  }
0x76: {  	_ =	shalt  }
0x77: {  	_ =	shalt  }
0x78: {  	_ =	shalt  }
0x79: {  	_ =	shalt  }
0x7a: {  	_ =	shalt  }
0x7b: {  	_ =	shalt  }
0x7c: {  	_ =	shalt  }
0x7d: {  	_ =	shalt  }
0x7e: {  	_ =	shalt  }
0x7f: {  	_ =	shalt  }
0x80: {  	_ =	shalt  }
0x81: {  	_ =	shalt  }
0x82: {  	_ =	shalt  }
0x83: {  	_ =	shalt  }
0x84: {  	_ =	shalt  }
0x85: {  	_ =	shalt  }
0x86: {  	_ =	shalt  }
0x87: {  	_ =	shalt  }
.Lfunc_end0:
.L_simem_size_0:
called_computation_lowered:
.L_overlay_start_0:
0x88: {  	s2 =	sld [smem:$0x3FD9]  }
0x89: {  	s3 =	sld [smem:$0x3FFE];
	_ =	sdelay $0x1  }
0x8a: {  	s1 =	srdreg.scid  }
0x8b: {  	s0 =	sand.u32 $0x1, s1  }
0x8c: {  	s16 =	sshll.u32 s0, $0xA;
	s2 =	sadd.s32 s3, s2  }
0x8d: {  	s2 =	sadd.s32 s2, s16  }
0x8e: {  	[smem:$0x3FC6] =	sst s2  }
0x8f: {  	_ = 	snop  }
0x90: {  	(tm) =	ssettm $0x1  }
0x91: {  	s17 =	sld [smem:$0x3FFB];
	_ =	sdelay $0x3  }
0x92: {  	_ =	strace s17  }
0x93: {  	s2 =	sld [smem:$0x3FFC];
	_ =	sdelay $0x3  }
0x94: {  	_ =	strace s2  }
0x95: {  	s2 =	sld [smem:$0x3FFD];
	_ =	sdelay $0x3  }
0x96: {  	_ =	strace s2  }
0x97: {  	_ =	strace $0x8FFFFFFF  }
0x98: {  	s18 =	sld [smem:$0x3FDB];
	_ =	sdelay $0x1  }
0x99: {  	s19 =	simm.s32 $_scs_section_size  }
0x9a: {  	s4 =	simm.s32 $_size__tile_overlayer_lowered;
	s5 =	simm.s32 $_tile_overlayer_lowered  }
0x9b: {  	s22 =	simm.s32 $0x1BFF;
	s21 =	sshll.u32 s5, $0x1;
	s2 =	sadd.s32 s19, s18  }
0x9c: {  	s6 =	simm.s32 $0x0;
	s20 =	sshll.u32 s4, $0x1;
	s4 =	sadd.s32 s21, s2  }
0x9d: {  	[timem:s6], [sflag:s22] =	dma.local [hbm:s4], s20  }
0x9e: {  	_ =	swait.ge [sflag:s22], s20  }
0x9f: {  	s3 =	ssub.s32 $0x0, s20;
	[sflag:s22] =	ssyncset.done $0x0  }
0xa0: {  	[sflag:s22] =	ssyncadd.s32 s3;
	_ =	sdelay $0x1  }
0xa1: {  	s23 =	simm.s32 $0x1B8B  }
0xa2: {  	_ =	swait.ge [sflag:s23], $0x1  }
0xa3: {  	[sflag:s23] =	ssyncset.done $0x0  }
0xa4: {  	s25 =	simm.s32 $0x1B8E;
	s24 =	sld [smem:$0x3FFE];
	[sflag:s23] =	ssyncadd.s32 $0xFFFFFFFF  }
0xa5: {  	s26 =	simm.s32 $execute0_lowered;
	[smem:$0x3FD2] =	sst s25  }
0xa6: {  	s4 =	sshll.u32 s26, $0x1;
	_ =	strace $0x80000046;
	[dreg:$0x1] =	wrdreg $0xFFFFFFFF  }
0xa7: {  	s28 =	simm.s32 $_size_execute0_lowered;
	s2 =	sadd.s32 s2, s4;
	[dreg:$0x0] =	wrdreg $0x0  }
0xa8: {  	s4 =	sshll.u32 s28, $0x1;
	[dreg:$0x2] =	wrdreg s2  }
0xa9: {  	[dreg:$0x3] =	wrdreg s4  }
0xaa: {  	[dreg:$0x4] =	wrdreg $0xC0  }
0xab: {  	_ =	task [dreg:s6], $0x5FFFF  }
0xac: {  	[dreg:$0x1] =	wrdreg $0xFFFFFFFF  }
0xad: {  	[dreg:$0x0] =	wrdreg $0x60  }
0xae: {  	[dreg:$0x2] =	wrdreg s24  }
0xaf: {  	[dreg:$0x3] =	wrdreg $0x0  }
0xb0: {  	[dreg:$0x4] =	wrdreg $0x9  }
0xb1: {  	_ =	task.clear_ibuf [dreg:s6], $0x5FFFF;
	_ =	strace $0x90000046  }
0xb2: {  	s29 =	simm.s32 $0x9;
	_ =	strace $0x80000048  }
0xb3: {  	_ =	swait.ge [sflag:s29], $0x1  }
0xb4: {  	[sflag:s29] =	ssyncadd.s32 $0xFFFFFFFF  }
0xb5: {  	_ =	strace $0x90000048  }
0xb6: {  	_ =	sfence  }
0xb7: {  	s30 =	sld [smem:$0x0];
	_ =	sdelay $0x2  }
0xb8: {  	s31 =	sshll.u32 s1, $0xD;
	s1 =	sshrl.u32 s1, $0x2  }
0xb9: {  	s3 =	sand.u32 $0x4000, s31;
	s1 =	sadd.s32 s1, s30  }
0xba: {  	s0 =	sor.u32 s3, s0;
	s1 =	sshll.u32 s1, $0x11  }
0xbb: {  	s0 =	sor.u32 s1, s0  }
0xbc: {  	s0 =	sadd.s32 $0x8F2B, s0  }
0xbd: {  	[sflag:s0] =	ssyncadd.remote.s32 $0x1  }
0xbe: {  	_ =	sfence.sel $0xFFFF  }
0xbf: {  	[dreg:$0x0] =	wrdreg $0xFFFFFFFF;
	(pc) =	sbr.abs _section_cstart, $3  }
0xc0: {  	[dreg:$0x1] =	wrdreg $0xFFFFFFFF  }
0xc1: {  	_ =	task.clear_ibuf [dreg:s6], $0x2FFFF;
	_ =	strace $0x9FFFFFFF  }
0xc2: {  	(tm) =	ssettm $0x7FFFFFFF  }
0xc3: {  	_ =	shalt  }
tec
execute0_lowered:
.L_overlay_start_1:
0x0: {  	(tag) =	ssettag $0x1  }
0x1: {  	s0 =	srdreg.scid;
	s9 =	stileid.u32;
	v0 =	vlaneseq.u32  }
0x2: {  	s0 =	sand.u32 $0x1, s0;
	s3 =	sshll.u32 s9, $0x1;
	v0 =	vmul.u32 $0x18, v0  }
0x3: {  	s1 =	rddreg [dreg:$0x0];
	s5 =	sor.u32 s0, s3;
	s3 =	simm.s32 $0x0  }
0x4: {  	[smem:$0x7FF] =	sst s3;
	v1 =	vor.u32 $0x2, v0  }
0x5: {  	s2 =	rddreg [dreg:$0x1];
	v35 =	vor.u32 $0x1, v0;
	_ =	strace $0x80000047;
	[tilespmem:$0x1FF30] =	vst v1  }
0x6: {  	s12 =	simm.s32 $0x5;
	s13 =	simm.s32 $0x13880;
	s14 =	simm.s32 $0x14C08;
	v1 =	vor.u32 $0x3, v0;
	[tilespmem:$0x1FFF0] =	vst v35  }
0x7: {  	s15 =	simm.s32 $0x40;
	s16 =	simm.s32 $0x15F90;
	s17 =	simm.s32 $0x17F90;
	[tilespmem:$0x1FF40] =	vst v1;
	v1 =	vor.u32 $0x4, v0  }
0x8: {  	s18 =	simm.s32 $0x19F90;
	s19 =	simm.s32 $0x1BF90;
	s20 =	simm.s32 $0x1;
	[tilespmem:$0x1FF50] =	vst v1;
	v1 =	vor.u32 $0x5, v0  }
0x9: {  	s21 =	simm.s32 $0x2;
	s22 =	simm.s32 $0x3;
	s23 =	simm.s32 $0x4;
	[tilespmem:$0x1FF60] =	vst v1;
	v1 =	vor.u32 $0x6, v0  }
0xa: {  	s24 =	simm.s32 $0x1DF90;
	s25 =	simm.s32 $0x8;
	s30 =	simm.s32 $0x0;
	[tilespmem:$0x1FF70] =	vst v1;
	v1 =	vor.u32 $0x7, v0  }
0xb: {  	s4 =	sadd.s32 $0x200, s1;
	s7 =	smul.u32 $0x27100, s9;
	s31 =	sshll.u32 s9, $0x6;
	[tilespmem:$0x1FF80] =	vst v1;
	v1 =	vadd.s32 $0x8, v0  }
0xc: {  	s0 =	ssub.s32 $0x2, s0;
	s6 =	smul.u32 $0x1388, s5;
	s5 =	sshll.u32 s5, $0x1;
	[tilespmem:$0x1FF90] =	vst v1;
	v1 =	vadd.s32 $0x9, v0  }
0xd: {  	s26 =	sshrl.u32 s0, $0x1;
	s28 =	sshrl.u32 s7, $0x1;
	s29 =	sshrl.u32 s7, $0x4;
	[tilespmem:$0x1FFA0] =	vst v1;
	v1 =	vadd.s32 $0xA, v0  }
0xe: {  	s0 =	ssub.s32 s0, s26;
	s11 =	sadd.s32 s28, s2;
	s6 =	sshrl.u32 s6, $0x3;
	[tilespmem:$0x1FFB0] =	vst v1;
	v1 =	vadd.s32 $0xB, v0  }
0xf: {  	s10 =	smax.u32 s0, $0x1;
	s11 =	sshrl.u32 s11, $0x3;
	s8 =	sadd.s32 s6, s1;
	[tilespmem:$0x1FFC0] =	vst v1;
	v1 =	vadd.s32 $0xC, v0  }
0x10: {  	s1 =	sadd.s32 s5, s1;
	s5 =	sadd.s32 s4, s29;
	s6 =	sor.u32 $0x1C05, s31;
	[tilespmem:$0x1FFD0] =	vst v1;
	v1 =	vadd.s32 $0xD, v0  }
0x11: {  	vm0 =	vmmov $0xff;
	s7 =	sadd.s32 $0x27400, s8;
	s8 =	sadd.s32 $0x2C220, s8;
	s9 =	sadd.s32 $0x31200, s1;
	[tilespmem:$0x1FFE0] =	vst v1  }
.LBB2_1:
0x12: {  	[spmem:s11], [sflag:s6] =	dma.local [hbm:s5], $0x2710  }
0x13: {  	_ =	swait.ge [sflag:s12], $0x2710  }
0x14: {  	[sflag:s12] =	ssyncset.done $0x0  }
0x15: {  	[sflag:s12] =	ssyncadd.s32 $0xFFFFD8F0  }
0x16: {  	[tilespmem:s13], [sflag:$0x5] =	stream.linear.gather [hbm4b:s7+s3], $0x1388, $0x38;
	[tilespmem:$0x1E5A0] =	vst v63  }
0x17: {  	_ =	swait.ge [sflag:s12], $0x1388  }
0x18: {  	[sflag:s12] =	ssyncset.done $0x0  }
0x19: {  	[sflag:s12] =	ssyncadd.s32 $0xFFFFEC78  }
0x1a: {  	[tilespmem:s14], [sflag:$0x5] =	stream.linear.gather [hbm4b:s8+s3], $0x1388, $0x38;
	[tilespmem:$0x1E5A0] =	vst v63  }
0x1b: {  	_ =	swait.ge [sflag:s12], $0x1388  }
0x1c: {  	[sflag:s12] =	ssyncset.done $0x0  }
0x1d: {  	[sflag:s12] =	ssyncadd.s32 $0xFFFFEC78  }
0x1e: {  	[bflag:$0x0] =	sbarrier.arrive $0xFFFF  }
0x1f: {  	[tilespmem:s16], [sflag:$0x1] =	stream.indirect.gather [hbm4b:s4+s15], $0x80, s13, s15, $0xb8;
	[tilespmem:$0x1E5A0] =	vst v63  }
0x20: {  	s31 =	simm.s32 $0x0  }
0x21: {  	v36 =	vimm.f32 $0.0e+00;
	[tilespmem:s17], [sflag:$0x2] =	stream.indirect.gather [spmem:s2], $0x80, s14, s15, $0xb8;
	[tilespmem:$0x1E5A0] =	vst v63  }
.LBB2_2:
0x22: {  	s0 =	sshll.u32 s31, $0x7  }
0x23: {  	s1 =	sadd.s32 $0x138C0, s0  }
0x24: {  	[tilespmem:s18], [sflag:$0x3] =	stream.indirect.gather [hbm4b:s4+s15], $0x80, s1, s15, $0xb8;
	[tilespmem:$0x1E5A0] =	vst v63  }
0x25: {  	[tilespmem:$0x1FF20] =	vst v36;
	s0 =	sadd.s32 $0x14C48, s0  }
0x26: {  	[tilespmem:s19], [sflag:$0x4] =	stream.indirect.gather [spmem:s2], $0x80, s0, s15, $0xb8;
	[tilespmem:$0x1E5A0] =	vst v63  }
0x27: {  	_ =	swait.ge [sflag:s20], $0x2000  }
0x28: {  	[sflag:s20] =	ssyncset.done $0x0  }
0x29: {  	[sflag:s20] =	ssyncadd.s32 $0xFFFFE000  }
0x2a: {  	_ =	swait.ge [sflag:s21], $0x2000  }
0x2b: {  	[sflag:s21] =	ssyncset.done $0x0  }
0x2c: {  	s0 =	simm.s32 $0x16010;
	[sflag:s21] =	ssyncadd.s32 $0xFFFFE000  }
0x2d: {  	s26 =	simm.s32 $0x18010;
	v1 =	vld [tilespmem:s0+$0x60]  }
0x2e: {  	v2 =	vld [tilespmem:s26+$0x60]  }
0x2f: {  	v3 =	vld [tilespmem:s0+$0x70]  }
0x30: {  	v4 =	vld [tilespmem:s26+$0x70]  }
0x31: {  	v5 =	vld [tilespmem:s0+$0x40]  }
0x32: {  	v6 =	vld [tilespmem:s26+$0x40]  }
0x33: {  	v7 =	vld [tilespmem:s0+$0x50]  }
0x34: {  	v8 =	vld [tilespmem:s26+$0x50]  }
0x35: {  	v9 =	vld [tilespmem:s0+$0x0]  }
0x36: {  	v10 =	vld [tilespmem:s26+$0x0]  }
0x37: {  	v11 =	vld [tilespmem:s0+$0x10]  }
0x38: {  	v12 =	vld [tilespmem:s26+$0x10]  }
0x39: {  	v13 =	vld [tilespmem:s0+$0x20]  }
0x3a: {  	v14 =	vld [tilespmem:s26+$0x20]  }
0x3b: {  	v15 =	vld [tilespmem:s0+$0x30]  }
0x3c: {  	v16 =	vld [tilespmem:s26+$0x30]  }
0x3d: {  	v1 =	vsub.bf16 v1, v2  }
0x3e: {  	v2 =	vsub.bf16 v3, v4;
	v3 =	vsub.bf16 v5, v6  }
0x3f: {  	v4 =	vsub.bf16 v7, v8;
	v5 =	vsub.bf16 v9, v10  }
0x40: {  	v6 =	vsub.bf16 v11, v12;
	v7 =	vsub.bf16 v13, v14  }
0x41: {  	v8 =	vsub.bf16 v15, v16;
	v9 =	vunpack.i.u.bf16.f32 v1;
	v1 =	vunpack.i.l.bf16.f32 v1  }
0x42: {  	v10 =	vunpack.i.u.bf16.f32 v2;
	v2 =	vunpack.i.l.bf16.f32 v2;
	v11 =	vunpack.i.u.bf16.f32 v3  }
0x43: {  	v3 =	vunpack.i.l.bf16.f32 v3;
	v12 =	vunpack.i.u.bf16.f32 v4;
	v14 =	vunpack.i.u.bf16.f32 v5  }
0x44: {  	v17 =	vld [tilespmem:s26+$0xFFFFFF90];
	v5 =	vunpack.i.l.bf16.f32 v5;
	v15 =	vunpack.i.u.bf16.f32 v6;
	v6 =	vunpack.i.l.bf16.f32 v6  }
0x45: {  	v19 =	vld [tilespmem:s0+$0xFFFFFFA0];
	v18 =	vunpack.i.u.bf16.f32 v7;
	v1 =	vmul.f32 v1, v1;
	v9 =	vmul.f32 v9, v9  }
0x46: {  	v20 =	vld [tilespmem:s26+$0xFFFFFFA0];
	v7 =	vunpack.i.l.bf16.f32 v7;
	v3 =	vmul.f32 v3, v3;
	v11 =	vmul.f32 v11, v11  }
0x47: {  	v22 =	vld [tilespmem:s0+$0xFFFFFFB0];
	v21 =	vunpack.i.u.bf16.f32 v8;
	v5 =	vmul.f32 v5, v5;
	v14 =	vmul.f32 v14, v14  }
0x48: {  	v23 =	vld [tilespmem:s26+$0xFFFFFFB0];
	v8 =	vunpack.i.l.bf16.f32 v8;
	v6 =	vmul.f32 v6, v6;
	v7 =	vmul.f32 v7, v7  }
0x49: {  	v24 =	vld [tilespmem:s0+$0xFFFFFF80];
	v4 =	vunpack.i.l.bf16.f32 v4;
	v18 =	vmul.f32 v18, v18;
	v8 =	vmul.f32 v8, v8  }
0x4a: {  	v13 =	vld [tilespmem:s26+$0xFFFFFF80];
	v15 =	vmul.f32 v15, v15;
	v21 =	vmul.f32 v21, v21;
	v5 =	vadd.f32 v7, v5  }
0x4b: {  	v16 =	vld [tilespmem:s0+$0xFFFFFF90];
	v4 =	vmul.f32 v4, v4;
	v7 =	vadd.f32 v18, v14;
	v6 =	vadd.f32 v8, v6  }
0x4c: {  	v12 =	vmul.f32 v12, v12;
	v14 =	vld [tilespmem:s0+$0xFFFFFFC0];
	v8 =	vadd.f32 v21, v15;
	v3 =	vadd.f32 v3, v5  }
0x4d: {  	v2 =	vmul.f32 v2, v2;
	v15 =	vld [tilespmem:s26+$0xFFFFFFC0];
	v5 =	vadd.f32 v11, v7;
	v4 =	vadd.f32 v4, v6  }
0x4e: {  	v7 =	vld [tilespmem:s0+$0xFFFFFFD0];
	v6 =	vadd.f32 v12, v8;
	v8 =	vmul.f32 v10, v10;
	v12 =	vsub.bf16 v19, v20  }
0x4f: {  	v10 =	vld [tilespmem:s26+$0xFFFFFFD0];
	v1 =	vadd.f32 v1, v3;
	v3 =	vadd.f32 v9, v5  }
0x50: {  	v11 =	vld [tilespmem:s0+$0xFFFFFFF0];
	v2 =	vadd.f32 v2, v4;
	v4 =	vadd.f32 v8, v6  }
0x51: {  	v5 =	vld [tilespmem:s0+$0xFFFFFFE0];
	v8 =	vsub.bf16 v24, v13;
	v9 =	vsub.bf16 v16, v17  }
0x52: {  	v6 =	vld [tilespmem:s26+$0xFFFFFFE0];
	v13 =	vsub.bf16 v22, v23;
	s0 =	simm.s32 $0x18110;
	v18 =	vunpack.i.u.bf16.f32 v12;
	v12 =	vunpack.i.l.bf16.f32 v12  }
0x53: {  	v19 =	vld [tilespmem:s0+$0x60];
	v14 =	vsub.bf16 v14, v15;
	v12 =	vmul.f32 v12, v12;
	v18 =	vmul.f32 v18, v18  }
0x54: {  	v53 =	vld [tilespmem:s0+$0x40];
	v1 =	vadd.f32 v1, v3;
	v2 =	vadd.f32 v2, v4;
	v4 =	vunpack.i.u.bf16.f32 v8  }
0x55: {  	v26 =	vld [tilespmem:s0+$0x10];
	v8 =	vunpack.i.l.bf16.f32 v8;
	v16 =	vunpack.i.u.bf16.f32 v9;
	v9 =	vunpack.i.l.bf16.f32 v9  }
0x56: {  	v3 =	vld [tilespmem:s26+$0xFFFFFFF0];
	s26 =	simm.s32 $0x16110;
	v20 =	vunpack.i.u.bf16.f32 v13;
	v13 =	vunpack.i.l.bf16.f32 v13;
	v8 =	vmul.f32 v8, v8  }
0x57: {  	v17 =	vld [tilespmem:s26+$0x60];
	v4 =	vmul.f32 v4, v4;
	v7 =	vsub.bf16 v7, v10;
	v9 =	vmul.f32 v9, v9  }
0x58: {  	v15 =	vld [tilespmem:s26+$0x70];
	v16 =	vmul.f32 v16, v16;
	v51 =	vunpack.i.u.bf16.f32 v14;
	v14 =	vunpack.i.l.bf16.f32 v14  }
0x59: {  	v10 =	vld [tilespmem:s0+$0x70];
	v13 =	vmul.f32 v13, v13;
	v20 =	vmul.f32 v20, v20;
	v5 =	vsub.bf16 v5, v6  }
0x5a: {  	v52 =	vld [tilespmem:s26+$0x40];
	v54 =	vunpack.i.u.bf16.f32 v7;
	v8 =	vadd.f32 v12, v8;
	v4 =	vadd.f32 v18, v4  }
0x5b: {  	v25 =	vld [tilespmem:s26+$0x50];
	v6 =	vunpack.i.l.bf16.f32 v7;
	v9 =	vadd.f32 v13, v9;
	v13 =	vadd.f32 v20, v16  }
0x5c: {  	v7 =	vld [tilespmem:s0+$0x50];
	v6 =	vmul.f32 v6, v6;
	v18 =	vmul.f32 v54, v54;
	v3 =	vsub.bf16 v11, v3  }
0x5d: {  	v55 =	vld [tilespmem:s26+$0x10];
	v11 =	vmul.f32 v14, v14;
	v20 =	vunpack.i.u.bf16.f32 v5;
	v5 =	vunpack.i.l.bf16.f32 v5  }
0x5e: {  	v12 =	vld [tilespmem:s26+$0x0];
	v14 =	vmul.f32 v51, v51;
	v5 =	vmul.f32 v5, v5;
	v6 =	vadd.f32 v6, v9  }
0x5f: {  	v16 =	vld [tilespmem:s0+$0x0];
	v9 =	vadd.f32 v18, v13;
	v56 =	vunpack.i.u.bf16.f32 v3;
	v8 =	vadd.f32 v11, v8  }
0x60: {  	v13 =	vld [tilespmem:s0+$0x20];
	v3 =	vunpack.i.l.bf16.f32 v3;
	v4 =	vadd.f32 v14, v4;
	v14 =	vmul.f32 v20, v20  }
0x61: {  	v18 =	vld [tilespmem:s26+$0x30];
	v3 =	vmul.f32 v3, v3;
	v7 =	vsub.bf16 v25, v7;
	v5 =	vadd.f32 v5, v8  }
0x62: {  	v11 =	vld [tilespmem:s26+$0x20];
	v8 =	vmul.f32 v56, v56;
	v4 =	vadd.f32 v14, v4;
	v14 =	vadd.f32 v2, v1  }
0x63: {  	v20 =	vld [tilespmem:s0+$0x30];
	v2 =	vadd.f32 v3, v6;
	v6 =	vsub.bf16 v52, v53  }
0x64: {  	v3 =	vadd.f32 v8, v9;
	v1 =	vadd.f32 v5, v4  }
0x65: {  	v4 =	vsub.bf16 v17, v19;
	v5 =	vsub.bf16 v15, v10  }
0x66: {  	v8 =	vsub.bf16 v12, v16;
	v9 =	vsub.bf16 v55, v26  }
0x67: {  	v16 =	vunpack.i.u.bf16.f32 v7;
	v7 =	vunpack.i.l.bf16.f32 v7;
	v10 =	vsub.bf16 v11, v13  }
0x68: {  	v11 =	vsub.bf16 v18, v20;
	v63 =	vmul.f32 v7, v7;
	v16 =	vmul.f32 v16, v16  }
0x69: {  	v12 =	vunpack.i.u.bf16.f32 v4;
	v4 =	vunpack.i.l.bf16.f32 v4;
	v13 =	vunpack.i.u.bf16.f32 v5  }
0x6a: {  	v15 =	vunpack.i.l.bf16.f32 v5;
	v5 =	vunpack.i.u.bf16.f32 v6;
	v17 =	vunpack.i.u.bf16.f32 v8  }
0x6b: {  	v59 =	vld [tilespmem:s0+$0xFFFFFF90];
	v8 =	vunpack.i.l.bf16.f32 v8;
	v18 =	vunpack.i.u.bf16.f32 v9;
	v9 =	vunpack.i.l.bf16.f32 v9  }
0x6c: {  	v61 =	vld [tilespmem:s0+$0xFFFFFFA0];
	v4 =	vmul.f32 v4, v4;
	v57 =	vunpack.i.u.bf16.f32 v10;
	v58 =	vmul.f32 v5, v5  }
0x6d: {  	v27 =	vld [tilespmem:s0+$0xFFFFFFB0];
	v5 =	vmul.f32 v8, v8;
	v8 =	vmul.f32 v17, v17;
	v10 =	vunpack.i.l.bf16.f32 v10  }
0x6e: {  	v62 =	vld [tilespmem:s26+$0xFFFFFFB0];
	v9 =	vmul.f32 v9, v9;
	v18 =	vmul.f32 v18, v18;
	v60 =	vunpack.i.u.bf16.f32 v11  }
0x6f: {  	v28 =	vld [tilespmem:s26+$0xFFFFFF80];
	v11 =	vunpack.i.l.bf16.f32 v11;
	v10 =	vmul.f32 v10, v10;
	v21 =	vmul.f32 v57, v57  }
0x70: {  	v19 =	vld [tilespmem:s0+$0xFFFFFF80];
	v6 =	vunpack.i.l.bf16.f32 v6;
	v11 =	vmul.f32 v11, v11;
	v24 =	vmul.f32 v60, v60  }
0x71: {  	v20 =	vld [tilespmem:s26+$0xFFFFFF90];
	v6 =	vmul.f32 v6, v6;
	v10 =	vadd.f32 v10, v5;
	v8 =	vadd.f32 v21, v8  }
0x72: {  	v7 =	vld [tilespmem:s0+$0xFFFFFFC0];
	v12 =	vmul.f32 v12, v12;
	v9 =	vadd.f32 v11, v9;
	v11 =	vadd.f32 v24, v18  }
0x73: {  	v17 =	vld [tilespmem:s26+$0xFFFFFFA0];
	v15 =	vmul.f32 v15, v15;
	v6 =	vadd.f32 v6, v10;
	v10 =	vadd.f32 v58, v8  }
0x74: {  	v13 =	vmul.f32 v13, v13;
	v5 =	vld [tilespmem:s26+$0xFFFFFFC0];
	v9 =	vadd.f32 v63, v9;
	v11 =	vadd.f32 v16, v11  }
0x75: {  	v8 =	vld [tilespmem:s26+$0xFFFFFFD0];
	v16 =	vadd.f32 v4, v6;
	v12 =	vadd.f32 v12, v10  }
0x76: {  	v10 =	vld [tilespmem:s0+$0xFFFFFFD0];
	v9 =	vadd.f32 v15, v9;
	v11 =	vadd.f32 v13, v11  }
0x77: {  	v19 =	vsub.bf16 v28, v19;
	v4 =	vld [tilespmem:s26+$0xFFFFFFE0];
	v15 =	vsub.bf16 v20, v59  }
0x78: {  	v6 =	vld [tilespmem:s0+$0xFFFFFFE0];
	v12 =	vadd.f32 v16, v12;
	v20 =	vadd.f32 v9, v11  }
0x79: {  	s1 =	simm.s32 $0x1DF90;
	v18 =	vsub.bf16 v17, v61;
	v17 =	vsub.bf16 v62, v27;
	v13 =	vunpack.i.u.bf16.f32 v19;
	v9 =	vld [tilespmem:s26+$0xFFFFFFF0]  }
0x7a: {  	s28 =	simm.s32 $0x2;
	s29 =	simm.s32 $0x16210;
	[tilespmem:s1+$0x18] =	vst v14;
	v11 =	vld [tilespmem:s0+$0xFFFFFFF0];
	v16 =	vunpack.i.l.bf16.f32 v19;
	v14 =	vunpack.i.u.bf16.f32 v15;
	s26 =	simm.s32 $0x1DF90;
	v12 =	vadd.f32 v20, v12  }
.LBB2_3:
0x7b: {  	v19 =	vld [tilespmem:s29+$0x60];
	v15 =	vunpack.i.l.bf16.f32 v15;
	v20 =	vunpack.i.u.bf16.f32 v18;
	v18 =	vunpack.i.l.bf16.f32 v18;
	s0 =	sadd.s32 $0x100, s0;
	s1 =	sadd.s32 $0x30, s1  }
0x7c: {  	v22 =	vunpack.i.u.bf16.f32 v17;
	v17 =	vunpack.i.l.bf16.f32 v17;
	v5 =	vsub.bf16 v5, v7;
	v21 =	vld [tilespmem:s0+$0x60];
	[tilespmem:s1+$0x18] =	vst v12  }
0x7d: {  	v13 =	vmul.f32 v13, v13;
	v8 =	vsub.bf16 v8, v10;
	v12 =	vmul.f32 v16, v16;
	v7 =	vld [tilespmem:s29+$0x70]  }
0x7e: {  	v14 =	vmul.f32 v14, v14;
	v15 =	vmul.f32 v15, v15;
	v16 =	vunpack.i.u.bf16.f32 v5;
	v10 =	vld [tilespmem:s0+$0x70]  }
0x7f: {  	v18 =	vmul.f32 v18, v18;
	v20 =	vmul.f32 v20, v20;
	v5 =	vunpack.i.l.bf16.f32 v5;
	v23 =	vld [tilespmem:s29+$0x40]  }
0x80: {  	v17 =	vmul.f32 v17, v17;
	v22 =	vmul.f32 v22, v22;
	v25 =	vunpack.i.u.bf16.f32 v8;
	v24 =	vld [tilespmem:s0+$0x40]  }
0x81: {  	v4 =	vsub.bf16 v4, v6;
	v6 =	vsub.bf16 v9, v11;
	v8 =	vunpack.i.l.bf16.f32 v8;
	v26 =	vld [tilespmem:s29+$0x50]  }
0x82: {  	v11 =	vadd.f32 v18, v12;
	v12 =	vadd.f32 v20, v13;
	v5 =	vmul.f32 v5, v5;
	v9 =	vld [tilespmem:s0+$0x50]  }
0x83: {  	v15 =	vadd.f32 v17, v15;
	v14 =	vadd.f32 v22, v14;
	v16 =	vmul.f32 v16, v16;
	v13 =	vld [tilespmem:s29+$0x0]  }
0x84: {  	v8 =	vmul.f32 v8, v8;
	v18 =	vmul.f32 v25, v25;
	v20 =	vunpack.i.u.bf16.f32 v4;
	v17 =	vld [tilespmem:s0+$0x0]  }
0x85: {  	v4 =	vunpack.i.l.bf16.f32 v4;
	v25 =	vunpack.i.u.bf16.f32 v6;
	v6 =	vunpack.i.l.bf16.f32 v6;
	v22 =	vld [tilespmem:s29+$0x10]  }
0x86: {  	v4 =	vmul.f32 v4, v4;
	v5 =	vadd.f32 v5, v11;
	v11 =	vadd.f32 v16, v12;
	v27 =	vld [tilespmem:s0+$0x10]  }
0x87: {  	v8 =	vadd.f32 v8, v15;
	v14 =	vadd.f32 v18, v14;
	v15 =	vmul.f32 v20, v20;
	v12 =	vld [tilespmem:s29+$0x20]  }
0x88: {  	v4 =	vadd.f32 v4, v5;
	v5 =	vmul.f32 v6, v6;
	v6 =	vmul.f32 v25, v25;
	v16 =	vld [tilespmem:s0+$0x20]  }
0x89: {  	v11 =	vadd.f32 v15, v11;
	v15 =	vadd.f32 v2, v3;
	v18 =	vld [tilespmem:s29+$0x30]  }
0x8a: {  	v2 =	vadd.f32 v5, v8;
	v3 =	vadd.f32 v6, v14;
	v20 =	vld [tilespmem:s0+$0x30]  }
0x8b: {  	v5 =	vadd.f32 v15, v1;
	v1 =	vadd.f32 v4, v11;
	v14 =	vld [tilespmem:s0+$0xFFFFFF80]  }
0x8c: {  	v4 =	vsub.bf16 v19, v21;
	v6 =	vsub.bf16 v7, v10;
	v15 =	vld [tilespmem:s29+$0xFFFFFF90]  }
0x8d: {  	v7 =	vsub.bf16 v23, v24;
	v9 =	vsub.bf16 v26, v9;
	v19 =	vld [tilespmem:s0+$0xFFFFFF90];
	[tilespmem:s26+$0x0] =	vst v5;
	s26 =	smov.u32 s1  }
0x8e: {  	v8 =	vsub.bf16 v22, v27;
	v5 =	vsub.bf16 v13, v17;
	v21 =	vld [tilespmem:s29+$0xFFFFFFA0]  }
0x8f: {  	v10 =	vsub.bf16 v12, v16;
	v12 =	vunpack.i.u.bf16.f32 v4;
	v17 =	vld [tilespmem:s0+$0xFFFFFFA0];
	v11 =	vsub.bf16 v18, v20  }
0x90: {  	s28 =	sadd.s32 $0x2, s28;
	v4 =	vunpack.i.l.bf16.f32 v4;
	v13 =	vunpack.i.u.bf16.f32 v6;
	v18 =	vunpack.i.l.bf16.f32 v6;
	v16 =	vld [tilespmem:s29+$0xFFFFFFB0]  }
0x91: {  	p0 =	slt.u32 s28, $0x3E;
	v23 =	vunpack.i.u.bf16.f32 v9;
	v22 =	vunpack.i.l.bf16.f32 v7;
	v6 =	vunpack.i.u.bf16.f32 v7;
	v20 =	vld [tilespmem:s0+$0xFFFFFFB0]  }
0x92: {  	v27 =	vunpack.i.u.bf16.f32 v8;
	v25 =	vunpack.i.u.bf16.f32 v5;
	v26 =	vunpack.i.l.bf16.f32 v5;
	v24 =	vld [tilespmem:s29+$0xFFFFFF80]  }
0x93: {  	v28 =	vunpack.i.l.bf16.f32 v8;
	v29 =	vmul.f32 v4, v4;
	v12 =	vmul.f32 v12, v12;
	v5 =	vld [tilespmem:s29+$0xFFFFFFC0]  }
0x94: {  	v22 =	vmul.f32 v22, v22;
	v30 =	vunpack.i.u.bf16.f32 v10;
	v31 =	vmul.f32 v6, v6;
	v7 =	vld [tilespmem:s0+$0xFFFFFFC0]  }
0x95: {  	v26 =	vmul.f32 v26, v26;
	v25 =	vmul.f32 v25, v25;
	v6 =	vunpack.i.l.bf16.f32 v10;
	v8 =	vld [tilespmem:s29+$0xFFFFFFD0]  }
0x96: {  	v28 =	vmul.f32 v28, v28;
	v27 =	vmul.f32 v27, v27;
	v32 =	vunpack.i.u.bf16.f32 v11;
	v10 =	vld [tilespmem:s0+$0xFFFFFFD0]  }
0x97: {  	v30 =	vmul.f32 v30, v30;
	v33 =	vmul.f32 v6, v6;
	v11 =	vunpack.i.l.bf16.f32 v11;
	v4 =	vld [tilespmem:s29+$0xFFFFFFE0]  }
0x98: {  	v34 =	vmul.f32 v11, v11;
	v32 =	vmul.f32 v32, v32;
	v11 =	vunpack.i.l.bf16.f32 v9;
	v6 =	vld [tilespmem:s0+$0xFFFFFFE0]  }
0x99: {  	v25 =	vadd.f32 v30, v25;
	v26 =	vadd.f32 v33, v26;
	v30 =	vmul.f32 v11, v11;
	v9 =	vld [tilespmem:s29+$0xFFFFFFF0]  }
0x9a: {  	v23 =	vmul.f32 v23, v23;
	v28 =	vadd.f32 v34, v28;
	v27 =	vadd.f32 v32, v27;
	v11 =	vld [tilespmem:s0+$0xFFFFFFF0]  }
0x9b: {  	v18 =	vmul.f32 v18, v18;
	v25 =	vadd.f32 v31, v25;
	v22 =	vadd.f32 v22, v26  }
0x9c: {  	v13 =	vmul.f32 v13, v13;
	v26 =	vadd.f32 v30, v28;
	v23 =	vadd.f32 v23, v27  }
0x9d: {  	v12 =	vadd.f32 v12, v25;
	v22 =	vadd.f32 v29, v22  }
.Ltmp0:
0x9e: {  	v18 =	vadd.f32 v18, v26;
	v13 =	vadd.f32 v13, v23;
	(pc) =	sbr.rel @p0 .LBB2_3-.Ltmp0, $4  }
0x9f: {  	v15 =	vsub.bf16 v15, v19;
	v14 =	vsub.bf16 v24, v14  }
0xa0: {  	v12 =	vadd.f32 v22, v12;
	v19 =	vadd.f32 v18, v13  }
0xa1: {  	v13 =	vunpack.i.u.bf16.f32 v14;
	v18 =	vsub.bf16 v21, v17;
	v17 =	vsub.bf16 v16, v20  }
0xa2: {  	s29 =	sadd.s32 $0x100, s29;
	v16 =	vunpack.i.l.bf16.f32 v14;
	v14 =	vunpack.i.u.bf16.f32 v15;
	v12 =	vadd.f32 v19, v12  }
0xa3: {  	v15 =	vunpack.i.l.bf16.f32 v15;
	v19 =	vunpack.i.u.bf16.f32 v18  }
0xa4: {  	v18 =	vunpack.i.l.bf16.f32 v18;
	v20 =	vunpack.i.u.bf16.f32 v17;
	v17 =	vunpack.i.l.bf16.f32 v17  }
0xa5: {  	v5 =	vsub.bf16 v5, v7;
	v7 =	vmul.f32 v16, v16;
	v13 =	vmul.f32 v13, v13  }
0xa6: {  	v8 =	vsub.bf16 v8, v10;
	v14 =	vmul.f32 v14, v14;
	v10 =	vmul.f32 v15, v15  }
0xa7: {  	v4 =	vsub.bf16 v4, v6;
	v16 =	vmul.f32 v18, v18;
	v18 =	vmul.f32 v19, v19  }
0xa8: {  	v6 =	vsub.bf16 v9, v11;
	v17 =	vmul.f32 v17, v17;
	v19 =	vmul.f32 v20, v20  }
0xa9: {  	v15 =	vunpack.i.u.bf16.f32 v5;
	v5 =	vunpack.i.l.bf16.f32 v5;
	v20 =	vunpack.i.u.bf16.f32 v8  }
0xaa: {  	v8 =	vunpack.i.l.bf16.f32 v8;
	v7 =	vadd.f32 v16, v7;
	v9 =	vadd.f32 v18, v13  }
0xab: {  	v5 =	vmul.f32 v5, v5;
	v11 =	vmul.f32 v15, v15;
	v13 =	vadd.f32 v19, v14  }
0xac: {  	v8 =	vmul.f32 v8, v8;
	v14 =	vmul.f32 v20, v20;
	v15 =	vunpack.i.u.bf16.f32 v4  }
0xad: {  	v4 =	vunpack.i.l.bf16.f32 v4;
	v16 =	vunpack.i.u.bf16.f32 v6;
	v6 =	vunpack.i.l.bf16.f32 v6  }
0xae: {  	v10 =	vadd.f32 v17, v10;
	v4 =	vmul.f32 v4, v4;
	v6 =	vmul.f32 v6, v6  }
0xaf: {  	v5 =	vadd.f32 v5, v7;
	v7 =	vadd.f32 v11, v9;
	v9 =	vmul.f32 v15, v15  }
0xb0: {  	v8 =	vadd.f32 v8, v10;
	v10 =	vadd.f32 v14, v13;
	v11 =	vmul.f32 v16, v16  }
0xb1: {  	v4 =	vadd.f32 v4, v5;
	v5 =	vadd.f32 v9, v7  }
0xb2: {  	v6 =	vadd.f32 v6, v8;
	v7 =	vadd.f32 v11, v10  }
0xb3: {  	v2 =	vadd.f32 v2, v3  }
0xb4: {  	v3 =	vadd.f32 v4, v5;
	v4 =	vadd.f32 v6, v7  }
0xb5: {  	s0 =	sadd.s32 $0x30, s1;
	v1 =	vadd.f32 v2, v1  }
0xb6: {  	[tilespmem:s0+$0x18] =	vst v12;
	v2 =	vadd.f32 v4, v3  }
0xb7: {  	[tilespmem:s26+$0x0] =	vst v1  }
0xb8: {  	s1 =	simm.s32 $0x1DF90;
	[tilespmem:s0+$0x0] =	vst v2  }
0xb9: {  	v1 =	vld.idx.msk [tilespmem:v0+s1+$0x0], $0xffff;
	_ =	sdelay $0x4  }
0xba: {  	[tilespmem:$0x1F9D0] =	vst v1;
	v1 =	vld.idx.msk [tilespmem:v35+s1+$0x0], $0xffff;
	_ =	sdelay $0x4  }
0xbb: {  	[tilespmem:$0x1F9E0] =	vst v1;
	v1 =	vld [tilespmem:$0x1FF30];
	_ =	sdelay $0x7  }
0xbc: {  	v1 =	vld.idx.msk [tilespmem:v1+s1+$0x0], $0xffff;
	_ =	sdelay $0x4  }
0xbd: {  	[tilespmem:$0x1F9F0] =	vst v1;
	v1 =	vld [tilespmem:$0x1FF40];
	_ =	sdelay $0x7  }
0xbe: {  	v1 =	vld.idx.msk [tilespmem:v1+s1+$0x0], $0xffff;
	_ =	sdelay $0x4  }
0xbf: {  	[tilespmem:$0x1FA00] =	vst v1;
	v1 =	vld [tilespmem:$0x1FF50];
	_ =	sdelay $0x7  }
0xc0: {  	v1 =	vld.idx.msk [tilespmem:v1+s1+$0x0], $0xffff;
	_ =	sdelay $0x4  }
0xc1: {  	[tilespmem:$0x1FA10] =	vst v1;
	v1 =	vld [tilespmem:$0x1FF60];
	_ =	sdelay $0x7  }
0xc2: {  	v1 =	vld.idx.msk [tilespmem:v1+s1+$0x0], $0xffff;
	_ =	sdelay $0x4  }
0xc3: {  	[tilespmem:$0x1FA20] =	vst v1;
	v1 =	vld [tilespmem:$0x1FF70];
	_ =	sdelay $0x7  }
0xc4: {  	v1 =	vld.idx.msk [tilespmem:v1+s1+$0x0], $0xffff;
	_ =	sdelay $0x4  }
0xc5: {  	[tilespmem:$0x1FA30] =	vst v1;
	v1 =	vld [tilespmem:$0x1FF80];
	_ =	sdelay $0x7  }
0xc6: {  	v1 =	vld.idx.msk [tilespmem:v1+s1+$0x0], $0xffff;
	_ =	sdelay $0x4  }
0xc7: {  	[tilespmem:$0x1FA40] =	vst v1;
	v1 =	vld [tilespmem:$0x1FF90];
	_ =	sdelay $0x7  }
0xc8: {  	v1 =	vld.idx.msk [tilespmem:v1+s1+$0x0], $0xffff;
	_ =	sdelay $0x4  }
0xc9: {  	[tilespmem:$0x1FA50] =	vst v1;
	v1 =	vld [tilespmem:$0x1FFA0];
	_ =	sdelay $0x6  }
0xca: {  	v2 =	vld [tilespmem:$0x1FFD0]  }
0xcb: {  	v1 =	vld.idx.msk [tilespmem:v1+s1+$0x0], $0xffff;
	_ =	sdelay $0x4  }
0xcc: {  	[tilespmem:$0x1FA60] =	vst v1;
	v1 =	vld [tilespmem:$0x1FFB0];
	_ =	sdelay $0x1  }
0xcd: {  	v2 =	vld.idx.msk [tilespmem:v2+s1+$0x0], $0xffff;
	_ =	sdelay $0x4  }
0xce: {  	[tilespmem:$0x1FA90] =	vst v2;
	v2 =	vld [tilespmem:$0x1FFE0]  }
0xcf: {  	v1 =	vld.idx.msk [tilespmem:v1+s1+$0x0], $0xffff;
	_ =	sdelay $0x4  }
0xd0: {  	[tilespmem:$0x1FA70] =	vst v1;
	v1 =	vld [tilespmem:$0x1FFC0];
	_ =	sdelay $0x1  }
0xd1: {  	v3 =	vadd.s32 $0xE, v0;
	v2 =	vld.idx.msk [tilespmem:v2+s1+$0x0], $0xffff;
	_ =	sdelay $0x4  }
0xd2: {  	[tilespmem:$0x1FAA0] =	vst v2;
	v2 =	vld.idx.msk [tilespmem:v3+s1+$0x0], $0xffff  }
0xd3: {  	v4 =	vadd.s32 $0xF, v0;
	v1 =	vld.idx.msk [tilespmem:v1+s1+$0x0], $0xffff;
	_ =	sdelay $0x3  }
0xd4: {  	[tilespmem:$0x1FAC0] =	vst v2  }
0xd5: {  	v2 =	vld.idx.msk [tilespmem:v4+s1+$0x0], $0xffff;
	[tilespmem:$0x1FA80] =	vst v1;
	v1 =	vadd.s32 $0x180, v0;
	_ =	sdelay $0x4  }
0xd6: {  	v63 =	vadd.s32 $0x181, v0;
	[tilespmem:$0x1FAE0] =	vst v2;
	v2 =	vld.idx.msk [tilespmem:v1+s1+$0x0], $0xffff;
	_ =	sdelay $0x4  }
0xd7: {  	v62 =	vadd.s32 $0x182, v0;
	[tilespmem:$0x1FAF0] =	vst v2;
	v2 =	vld.idx.msk [tilespmem:v63+s1+$0x0], $0xffff;
	_ =	sdelay $0x4  }
0xd8: {  	v58 =	vadd.s32 $0x183, v0;
	[tilespmem:$0x1FB00] =	vst v2;
	v2 =	vld.idx.msk [tilespmem:v62+s1+$0x0], $0xffff;
	_ =	sdelay $0x4  }
0xd9: {  	v59 =	vadd.s32 $0x184, v0;
	[tilespmem:$0x1FB10] =	vst v2;
	v2 =	vld.idx.msk [tilespmem:v58+s1+$0x0], $0xffff;
	_ =	sdelay $0x4  }
0xda: {  	v60 =	vadd.s32 $0x185, v0;
	[tilespmem:$0x1FB20] =	vst v2;
	v2 =	vld.idx.msk [tilespmem:v59+s1+$0x0], $0xffff;
	_ =	sdelay $0x4  }
0xdb: {  	v61 =	vadd.s32 $0x186, v0;
	[tilespmem:$0x1FB30] =	vst v2;
	v2 =	vld.idx.msk [tilespmem:v60+s1+$0x0], $0xffff;
	_ =	sdelay $0x4  }
0xdc: {  	v57 =	vadd.s32 $0x187, v0;
	[tilespmem:$0x1FB40] =	vst v2;
	v2 =	vld.idx.msk [tilespmem:v61+s1+$0x0], $0xffff;
	_ =	sdelay $0x4  }
0xdd: {  	v56 =	vadd.s32 $0x188, v0;
	[tilespmem:$0x1FB50] =	vst v2;
	v2 =	vld.idx.msk [tilespmem:v57+s1+$0x0], $0xffff;
	_ =	sdelay $0x4  }
0xde: {  	v55 =	vadd.s32 $0x189, v0;
	[tilespmem:$0x1FB60] =	vst v2;
	v2 =	vld.idx.msk [tilespmem:v56+s1+$0x0], $0xffff;
	_ =	sdelay $0x4  }
0xdf: {  	v54 =	vadd.s32 $0x18A, v0;
	[tilespmem:$0x1FB70] =	vst v2;
	v2 =	vld.idx.msk [tilespmem:v55+s1+$0x0], $0xffff;
	_ =	sdelay $0x4  }
0xe0: {  	v49 =	vadd.s32 $0x18B, v0;
	[tilespmem:$0x1FB80] =	vst v2;
	v2 =	vld.idx.msk [tilespmem:v54+s1+$0x0], $0xffff;
	_ =	sdelay $0x4  }
0xe1: {  	v50 =	vadd.s32 $0x18C, v0;
	[tilespmem:$0x1FB90] =	vst v2;
	v2 =	vld.idx.msk [tilespmem:v49+s1+$0x0], $0xffff;
	_ =	sdelay $0x4  }
0xe2: {  	v51 =	vadd.s32 $0x18D, v0;
	[tilespmem:$0x1FBA0] =	vst v2;
	v2 =	vld.idx.msk [tilespmem:v50+s1+$0x0], $0xffff;
	_ =	sdelay $0x4  }
0xe3: {  	v52 =	vadd.s32 $0x18E, v0;
	[tilespmem:$0x1FBB0] =	vst v2;
	v2 =	vld.idx.msk [tilespmem:v51+s1+$0x0], $0xffff;
	_ =	sdelay $0x4  }
0xe4: {  	v53 =	vadd.s32 $0x18F, v0;
	[tilespmem:$0x1FBC0] =	vst v2;
	v2 =	vld.idx.msk [tilespmem:v52+s1+$0x0], $0xffff;
	_ =	sdelay $0x4  }
0xe5: {  	v48 =	vadd.s32 $0x300, v0;
	[tilespmem:$0x1FBD0] =	vst v2;
	v2 =	vld.idx.msk [tilespmem:v53+s1+$0x0], $0xffff;
	_ =	sdelay $0x4  }
0xe6: {  	v47 =	vadd.s32 $0x301, v0;
	[tilespmem:$0x1FBE0] =	vst v2;
	v2 =	vld.idx.msk [tilespmem:v48+s1+$0x0], $0xffff;
	_ =	sdelay $0x4  }
0xe7: {  	v46 =	vadd.s32 $0x302, v0;
	[tilespmem:$0x1FBF0] =	vst v2;
	v2 =	vld.idx.msk [tilespmem:v47+s1+$0x0], $0xffff;
	_ =	sdelay $0x4  }
0xe8: {  	v42 =	vadd.s32 $0x303, v0;
	[tilespmem:$0x1FC00] =	vst v2;
	v2 =	vld.idx.msk [tilespmem:v46+s1+$0x0], $0xffff;
	_ =	sdelay $0x4  }
0xe9: {  	v43 =	vadd.s32 $0x304, v0;
	[tilespmem:$0x1FC10] =	vst v2;
	v2 =	vld.idx.msk [tilespmem:v42+s1+$0x0], $0xffff;
	_ =	sdelay $0x4  }
0xea: {  	v44 =	vadd.s32 $0x305, v0;
	[tilespmem:$0x1FC20] =	vst v2;
	v2 =	vld.idx.msk [tilespmem:v43+s1+$0x0], $0xffff;
	_ =	sdelay $0x4  }
0xeb: {  	v45 =	vadd.s32 $0x306, v0;
	[tilespmem:$0x1FC30] =	vst v2;
	v2 =	vld.idx.msk [tilespmem:v44+s1+$0x0], $0xffff;
	_ =	sdelay $0x3  }
0xec: {  	v41 =	vadd.s32 $0x307, v0  }
0xed: {  	[tilespmem:$0x1FC40] =	vst v2;
	v2 =	vld.idx.msk [tilespmem:v45+s1+$0x0], $0xffff;
	_ =	sdelay $0x3  }
0xee: {  	[tilespmem:$0x1FAB0] =	vst v3;
	v3 =	vld.idx.msk [tilespmem:v41+s1+$0x0], $0xffff  }
0xef: {  	[tilespmem:$0x1FC50] =	vst v2;
	v2 =	vadd.s32 $0x30B, v0;
	_ =	sdelay $0x3  }
0xf0: {  	[tilespmem:$0x1FC60] =	vst v3  }
0xf1: {  	v3 =	vadd.s32 $0x30C, v0;
	[tilespmem:$0x1FCA0] =	vst v2;
	v2 =	vld.idx.msk [tilespmem:v2+s1+$0x0], $0xffff;
	_ =	sdelay $0x4  }
0xf2: {  	v5 =	vadd.s32 $0x30D, v0;
	[tilespmem:$0x1FCB0] =	vst v2;
	v2 =	vld.idx.msk [tilespmem:v3+s1+$0x0], $0xffff;
	_ =	sdelay $0x4  }
0xf3: {  	v36 =	vadd.s32 $0x30E, v0;
	[tilespmem:$0x1FCD0] =	vst v2;
	v2 =	vld.idx.msk [tilespmem:v5+s1+$0x0], $0xffff;
	_ =	sdelay $0x2  }
0xf4: {  	v40 =	vadd.s32 $0x308, v0  }
0xf5: {  	v37 =	vadd.s32 $0x30F, v0  }
0xf6: {  	[tilespmem:$0x1FCF0] =	vst v2;
	v2 =	vld.idx.msk [tilespmem:v36+s1+$0x0], $0xffff;
	_ =	sdelay $0x1  }
0xf7: {  	v6 =	vadd.s32 $0x480, v0  }
0xf8: {  	v39 =	vadd.s32 $0x309, v0;
	[tilespmem:$0x1FAD0] =	vst v4;
	v4 =	vld.idx.msk [tilespmem:v40+s1+$0x0], $0xffff  }
0xf9: {  	[tilespmem:$0x1FCE0] =	vst v5;
	v5 =	vld.idx.msk [tilespmem:v37+s1+$0x0], $0xffff  }
0xfa: {  	[tilespmem:$0x1FD00] =	vst v2;
	v2 =	vadd.s32 $0x483, v0;
	_ =	sdelay $0x1  }
0xfb: {  	[tilespmem:$0x1FD20] =	vst v6;
	v6 =	vld.idx.msk [tilespmem:v6+s1+$0x0], $0xffff  }
0xfc: {  	v38 =	vadd.s32 $0x30A, v0;
	[tilespmem:$0x1FC70] =	vst v4;
	v4 =	vld.idx.msk [tilespmem:v39+s1+$0x0], $0xffff  }
0xfd: {  	[tilespmem:$0x1FD10] =	vst v5  }
0xfe: {  	v5 =	vadd.s32 $0x484, v0;
	[tilespmem:$0x1FD80] =	vst v2;
	v2 =	vld.idx.msk [tilespmem:v2+s1+$0x0], $0xffff;
	_ =	sdelay $0x1  }
0xff: {  	[tilespmem:$0x1FD30] =	vst v6  }
0x100: {  	[tilespmem:$0x1FC80] =	vst v4;
	v4 =	vld.idx.msk [tilespmem:v38+s1+$0x0], $0xffff  }
0x101: {  	[tilespmem:$0x1FCC0] =	vst v3;
	v3 =	vadd.s32 $0x482, v0  }
0x102: {  	v6 =	vadd.s32 $0x485, v0;
	[tilespmem:$0x1FD90] =	vst v2;
	v2 =	vld.idx.msk [tilespmem:v5+s1+$0x0], $0xffff;
	_ =	sdelay $0x2  }
0x103: {  	[tilespmem:$0x1FC90] =	vst v4;
	v4 =	vadd.s32 $0x481, v0  }
0x104: {  	[tilespmem:$0x1FD60] =	vst v3;
	v3 =	vld.idx.msk [tilespmem:v3+s1+$0x0], $0xffff  }
0x105: {  	v7 =	vadd.s32 $0x486, v0;
	[tilespmem:$0x1FDB0] =	vst v2;
	v2 =	vld.idx.msk [tilespmem:v6+s1+$0x0], $0xffff;
	_ =	sdelay $0x2  }
0x106: {  	[tilespmem:$0x1FD40] =	vst v4;
	v4 =	vld.idx.msk [tilespmem:v4+s1+$0x0], $0xffff  }
0x107: {  	[tilespmem:$0x1FD70] =	vst v3;
	v3 =	vadd.s32 $0x487, v0  }
0x108: {  	[tilespmem:$0x1FDD0] =	vst v2;
	v2 =	vld.idx.msk [tilespmem:v7+s1+$0x0], $0xffff;
	_ =	sdelay $0x2  }
0x109: {  	[tilespmem:$0x1FD50] =	vst v4;
	v4 =	vadd.s32 $0x488, v0  }
0x10a: {  	[tilespmem:$0x1FE00] =	vst v3;
	v3 =	vld.idx.msk [tilespmem:v3+s1+$0x0], $0xffff  }
0x10b: {  	[tilespmem:$0x1FDF0] =	vst v2;
	v2 =	vadd.s32 $0x48B, v0;
	_ =	sdelay $0x1  }
0x10c: {  	[tilespmem:$0x1FE20] =	vst v4  }
0x10d: {  	v4 =	vld.idx.msk [tilespmem:v4+s1+$0x0], $0xffff;
	[tilespmem:$0x1FDA0] =	vst v5  }
0x10e: {  	[tilespmem:$0x1FE10] =	vst v3;
	v5 =	vadd.s32 $0x489, v0  }
0x10f: {  	v3 =	vadd.s32 $0x48C, v0;
	[tilespmem:$0x1FE80] =	vst v2;
	v2 =	vld.idx.msk [tilespmem:v2+s1+$0x0], $0xffff;
	_ =	sdelay $0x1  }
0x110: {  	[tilespmem:$0x1FDC0] =	vst v6  }
0x111: {  	[tilespmem:$0x1FE30] =	vst v4  }
0x112: {  	[tilespmem:$0x1FE40] =	vst v5;
	v6 =	vadd.s32 $0x48A, v0;
	v5 =	vld.idx.msk [tilespmem:v5+s1+$0x0], $0xffff  }
0x113: {  	v4 =	vadd.s32 $0x48D, v0;
	[tilespmem:$0x1FE90] =	vst v2;
	v2 =	vld.idx.msk [tilespmem:v3+s1+$0x0], $0xffff;
	_ =	sdelay $0x2  }
0x114: {  	[tilespmem:$0x1FE60] =	vst v6  }
0x115: {  	[tilespmem:$0x1FE50] =	vst v5;
	v6 =	vld.idx.msk [tilespmem:v6+s1+$0x0], $0xffff  }
0x116: {  	v5 =	vadd.s32 $0x48E, v0;
	[tilespmem:$0x1FEB0] =	vst v2;
	v2 =	vld.idx.msk [tilespmem:v4+s1+$0x0], $0xffff;
	_ =	sdelay $0x3  }
0x117: {  	[tilespmem:$0x1FE70] =	vst v6  }
0x118: {  	v6 =	vadd.s32 $0x48F, v0;
	[tilespmem:$0x1FED0] =	vst v2;
	v2 =	vld.idx.msk [tilespmem:v5+s1+$0x0], $0xffff;
	_ =	sdelay $0x1  }
0x119: {  	[tilespmem:$0x1FDE0] =	vst v7  }
0x11a: {  	s26 =	sshll.u32 s31, $0x1;
	[tilespmem:$0x1FEC0] =	vst v4  }
0x11b: {  	s0 =	smin.u32 s26, $0x4B;
	[tilespmem:$0x1FEA0] =	vst v3  }
0x11c: {  	s0 =	sshll.u32 s0, $0x6;
	[tilespmem:$0x1FEF0] =	vst v2;
	v2 =	vld.idx.msk [tilespmem:v6+s1+$0x0], $0xffff  }
0x11d: {  	s26 =	sadd.s32 $0x13900, s0;
	[tilespmem:$0x1FEE0] =	vst v5  }
0x11e: {  	[tilespmem:s16], [sflag:$0x1] =	stream.indirect.gather [hbm4b:s4+s15], $0x80, s26, s15, $0xb8;
	[tilespmem:$0x1E5A0] =	vst v63  }
0x11f: {  	s0 =	sadd.s32 $0x14C88, s0;
	[tilespmem:$0x1FF00] =	vst v6  }
0x120: {  	[tilespmem:s17], [sflag:$0x2] =	stream.indirect.gather [spmem:s2], $0x80, s0, s15, $0xb8;
	[tilespmem:$0x1E5A0] =	vst v63  }
0x121: {  	[tilespmem:$0x1FF10] =	vst v2  }
0x122: {  	_ =	swait.ge [sflag:s22], $0x2000  }
0x123: {  	[sflag:s22] =	ssyncset.done $0x0  }
0x124: {  	[sflag:s22] =	ssyncadd.s32 $0xFFFFE000  }
0x125: {  	_ =	swait.ge [sflag:s23], $0x2000  }
0x126: {  	[sflag:s23] =	ssyncset.done $0x0  }
0x127: {  	s26 =	simm.s32 $0x1A010;
	[sflag:s23] =	ssyncadd.s32 $0xFFFFE000  }
0x128: {  	s0 =	simm.s32 $0x1C010;
	v3 =	vld [tilespmem:s26+$0x60]  }
0x129: {  	v5 =	vld [tilespmem:s0+$0x60]  }
0x12a: {  	v6 =	vld [tilespmem:s26+$0x70]  }
0x12b: {  	v7 =	vld [tilespmem:s0+$0x70]  }
0x12c: {  	v8 =	vld [tilespmem:s26+$0x40]  }
0x12d: {  	v9 =	vld [tilespmem:s0+$0x40]  }
0x12e: {  	v11 =	vld [tilespmem:s26+$0x50]  }
0x12f: {  	v12 =	vld [tilespmem:s0+$0x50]  }
0x130: {  	v13 =	vld [tilespmem:s26+$0x0]  }
0x131: {  	v14 =	vld [tilespmem:s0+$0x0]  }
0x132: {  	v15 =	vld [tilespmem:s26+$0x10]  }
0x133: {  	v16 =	vld [tilespmem:s26+$0x20]  }
0x134: {  	v17 =	vld [tilespmem:s0+$0x20]  }
0x135: {  	v18 =	vld [tilespmem:s0+$0x10];
	_ =	sdelay $0x1  }
0x136: {  	v3 =	vsub.bf16 v3, v5  }
0x137: {  	v5 =	vld [tilespmem:s26+$0x30];
	v6 =	vsub.bf16 v6, v7;
	v7 =	vsub.bf16 v8, v9  }
0x138: {  	v8 =	vld [tilespmem:s0+$0x30];
	v9 =	vsub.bf16 v13, v14;
	v13 =	vsub.bf16 v16, v17  }
0x139: {  	v11 =	vsub.bf16 v11, v12;
	v12 =	vsub.bf16 v15, v18  }
0x13a: {  	v14 =	vunpack.i.u.bf16.f32 v9;
	v9 =	vunpack.i.l.bf16.f32 v9;
	v15 =	vunpack.i.l.bf16.f32 v13  }
0x13b: {  	v13 =	vunpack.i.u.bf16.f32 v13;
	v18 =	vunpack.i.u.bf16.f32 v7;
	v7 =	vunpack.i.l.bf16.f32 v7  }
0x13c: {  	v21 =	vunpack.i.l.bf16.f32 v11;
	v9 =	vmul.f32 v9, v9;
	v15 =	vmul.f32 v15, v15  }
0x13d: {  	v19 =	vld [tilespmem:s26+$0xFFFFFFA0];
	v13 =	vmul.f32 v13, v13;
	v5 =	vsub.bf16 v5, v8;
	v8 =	vmul.f32 v14, v14  }
0x13e: {  	v20 =	vld [tilespmem:s0+$0xFFFFFFA0];
	v7 =	vmul.f32 v7, v7;
	v14 =	vunpack.i.u.bf16.f32 v12;
	v12 =	vunpack.i.l.bf16.f32 v12  }
0x13f: {  	v22 =	vld [tilespmem:s26+$0xFFFFFFC0];
	v9 =	vadd.f32 v15, v9;
	v12 =	vmul.f32 v12, v12;
	v8 =	vadd.f32 v13, v8  }
0x140: {  	v23 =	vld [tilespmem:s0+$0xFFFFFFC0];
	v13 =	vmul.f32 v14, v14;
	v16 =	vunpack.i.u.bf16.f32 v5;
	v5 =	vunpack.i.l.bf16.f32 v5  }
0x141: {  	v17 =	vld [tilespmem:s0+$0xFFFFFF90];
	v11 =	vunpack.i.u.bf16.f32 v11;
	v5 =	vmul.f32 v5, v5;
	v16 =	vmul.f32 v16, v16  }
0x142: {  	v18 =	vmul.f32 v18, v18;
	v11 =	vmul.f32 v11, v11;
	v15 =	vld [tilespmem:s0+$0xFFFFFF80];
	v7 =	vadd.f32 v7, v9  }
0x143: {  	v14 =	vld [tilespmem:s26+$0xFFFFFF90];
	v5 =	vadd.f32 v5, v12;
	v12 =	vadd.f32 v16, v13;
	v13 =	vmul.f32 v21, v21  }
0x144: {  	v8 =	vadd.f32 v18, v8;
	v18 =	vld [tilespmem:s26+$0xFFFFFF80];
	v21 =	vunpack.i.u.bf16.f32 v6;
	v6 =	vunpack.i.l.bf16.f32 v6  }
0x145: {  	v9 =	vld [tilespmem:s0+$0xFFFFFFB0];
	v6 =	vmul.f32 v6, v6;
	v5 =	vadd.f32 v13, v5;
	v13 =	vunpack.i.u.bf16.f32 v3  }
0x146: {  	v16 =	vld [tilespmem:s26+$0xFFFFFFB0];
	v3 =	vunpack.i.l.bf16.f32 v3;
	v11 =	vadd.f32 v11, v12;
	v12 =	vmul.f32 v21, v21  }
0x147: {  	v21 =	vld [tilespmem:s26+$0xFFFFFFD0];
	v3 =	vmul.f32 v3, v3  }
0x148: {  	v13 =	vmul.f32 v13, v13;
	v5 =	vadd.f32 v6, v5;
	v6 =	vadd.f32 v12, v11;
	v11 =	vld [tilespmem:s26+$0xFFFFFFE0]  }
0x149: {  	v12 =	vsub.bf16 v18, v15;
	v15 =	vld [tilespmem:s0+$0xFFFFFFF0]  }
0x14a: {  	v3 =	vadd.f32 v3, v7;
	v7 =	vadd.f32 v13, v8;
	v8 =	vld [tilespmem:s0+$0xFFFFFFD0]  }
0x14b: {  	v13 =	vsub.bf16 v14, v17;
	v14 =	vld [tilespmem:s0+$0xFFFFFFE0];
	v9 =	vsub.bf16 v16, v9  }
0x14c: {  	v5 =	vadd.f32 v5, v6;
	v6 =	vld [tilespmem:s26+$0xFFFFFFF0];
	v3 =	vadd.f32 v3, v7  }
0x14d: {  	v16 =	vunpack.i.u.bf16.f32 v12;
	v12 =	vunpack.i.l.bf16.f32 v12;
	v7 =	vsub.bf16 v19, v20  }
0x14e: {  	v12 =	vmul.f32 v12, v12;
	v16 =	vmul.f32 v16, v16;
	v3 =	vadd.f32 v5, v3  }
0x14f: {  	s0 =	simm.s32 $0x1A110;
	v5 =	vsub.bf16 v22, v23;
	v17 =	vunpack.i.u.bf16.f32 v7;
	v7 =	vunpack.i.l.bf16.f32 v7  }
0x150: {  	s26 =	simm.s32 $0x1C110;
	v10 =	vld [tilespmem:s0+$0x20];
	v8 =	vsub.bf16 v21, v8;
	v7 =	vmul.f32 v7, v7;
	v17 =	vmul.f32 v17, v17  }
0x151: {  	v2 =	vld [tilespmem:s26+$0x20];
	v11 =	vsub.bf16 v11, v14;
	v6 =	vsub.bf16 v6, v15;
	v15 =	vunpack.i.u.bf16.f32 v13  }
0x152: {  	v18 =	vld [tilespmem:s0+$0x60];
	v13 =	vunpack.i.l.bf16.f32 v13;
	v21 =	vunpack.i.u.bf16.f32 v5;
	v5 =	vunpack.i.l.bf16.f32 v5  }
0x153: {  	v19 =	vld [tilespmem:s26+$0x60];
	v7 =	vadd.f32 v7, v12;
	v12 =	vadd.f32 v17, v16;
	v17 =	vunpack.i.u.bf16.f32 v9  }
0x154: {  	v20 =	vld [tilespmem:s0+$0x40];
	v9 =	vunpack.i.l.bf16.f32 v9;
	v13 =	vmul.f32 v13, v13;
	v15 =	vmul.f32 v15, v15  }
0x155: {  	v25 =	vld [tilespmem:s26+$0x50];
	v5 =	vmul.f32 v5, v5;
	v21 =	vmul.f32 v21, v21;
	v24 =	vunpack.i.l.bf16.f32 v8  }
0x156: {  	v22 =	vld [tilespmem:s26+$0x40];
	v8 =	vunpack.i.u.bf16.f32 v8;
	v2 =	vsub.bf16 v10, v2;
	v9 =	vmul.f32 v9, v9  }
0x157: {  	v23 =	vld [tilespmem:s0+$0x50];
	v17 =	vmul.f32 v17, v17;
	v8 =	vmul.f32 v8, v8;
	v5 =	vadd.f32 v5, v7  }
0x158: {  	v14 =	vld [tilespmem:s0+$0x70];
	v7 =	vadd.f32 v21, v12;
	v12 =	vunpack.i.l.bf16.f32 v11;
	v11 =	vunpack.i.u.bf16.f32 v11  }
0x159: {  	v16 =	vld [tilespmem:s26+$0x70];
	v9 =	vadd.f32 v9, v13;
	v13 =	vadd.f32 v17, v15;
	v15 =	vmul.f32 v24, v24  }
0x15a: {  	v21 =	vld [tilespmem:s26+$0x0];
	v12 =	vmul.f32 v12, v12;
	v24 =	vunpack.i.l.bf16.f32 v6;
	v6 =	vunpack.i.u.bf16.f32 v6  }
0x15b: {  	v17 =	vld [tilespmem:s0+$0x0];
	v11 =	vmul.f32 v11, v11;
	v24 =	vmul.f32 v24, v24;
	v9 =	vadd.f32 v15, v9  }
0x15c: {  	v15 =	vld [tilespmem:s0+$0x10];
	v8 =	vadd.f32 v8, v13;
	v4 =	vadd.f32 v12, v5;
	v5 =	vmul.f32 v6, v6  }
0x15d: {  	v10 =	vsub.bf16 v23, v25;
	v6 =	vld [tilespmem:s26+$0x10];
	v11 =	vadd.f32 v11, v7  }
0x15e: {  	v7 =	vld [tilespmem:s0+$0x30];
	v12 =	vadd.f32 v24, v9;
	v13 =	vadd.f32 v5, v8  }
0x15f: {  	v5 =	vsub.bf16 v18, v19;
	v8 =	vsub.bf16 v14, v16;
	v14 =	vld [tilespmem:s26+$0x30]  }
0x160: {  	v9 =	vsub.bf16 v20, v22;
	v16 =	vsub.bf16 v17, v21;
	v17 =	vunpack.i.l.bf16.f32 v2  }
0x161: {  	v2 =	vunpack.i.u.bf16.f32 v2;
	v21 =	vunpack.i.l.bf16.f32 v10;
	v17 =	vmul.f32 v17, v17  }
0x162: {  	v6 =	vsub.bf16 v15, v6;
	v15 =	vunpack.i.u.bf16.f32 v16;
	v16 =	vunpack.i.l.bf16.f32 v16  }
0x163: {  	v2 =	vmul.f32 v2, v2;
	v18 =	vunpack.i.u.bf16.f32 v9;
	v16 =	vmul.f32 v16, v16  }
0x164: {  	v9 =	vunpack.i.l.bf16.f32 v9;
	v7 =	vsub.bf16 v7, v14;
	v14 =	vmul.f32 v15, v15  }
0x165: {  	v15 =	vadd.f32 v17, v16;
	v16 =	vunpack.i.u.bf16.f32 v6;
	v6 =	vunpack.i.l.bf16.f32 v6  }
0x166: {  	v19 =	vld [tilespmem:s0+$0xFFFFFF90];
	v9 =	vmul.f32 v9, v9;
	v2 =	vadd.f32 v2, v14;
	v6 =	vmul.f32 v6, v6  }
0x167: {  	v20 =	vld [tilespmem:s26+$0xFFFFFF90];
	v14 =	vmul.f32 v16, v16;
	v16 =	vunpack.i.u.bf16.f32 v7;
	v7 =	vunpack.i.l.bf16.f32 v7  }
0x168: {  	v22 =	vld [tilespmem:s0+$0xFFFFFF80];
	v10 =	vunpack.i.u.bf16.f32 v10;
	v7 =	vmul.f32 v7, v7;
	v16 =	vmul.f32 v16, v16  }
0x169: {  	v24 =	vld [tilespmem:s26+$0xFFFFFFB0];
	v10 =	vmul.f32 v10, v10;
	v18 =	vmul.f32 v18, v18;
	v9 =	vadd.f32 v9, v15  }
0x16a: {  	v17 =	vld [tilespmem:s26+$0xFFFFFF80];
	v6 =	vadd.f32 v7, v6;
	v7 =	vadd.f32 v16, v14;
	v14 =	vmul.f32 v21, v21  }
0x16b: {  	v15 =	vld [tilespmem:s26+$0xFFFFFFA0];
	v2 =	vadd.f32 v18, v2;
	v21 =	vunpack.i.u.bf16.f32 v8;
	v8 =	vunpack.i.l.bf16.f32 v8  }
0x16c: {  	v18 =	vld [tilespmem:s0+$0xFFFFFFB0];
	v8 =	vmul.f32 v8, v8;
	v21 =	vmul.f32 v21, v21;
	v6 =	vadd.f32 v14, v6  }
0x16d: {  	v16 =	vld [tilespmem:s0+$0xFFFFFFA0];
	v14 =	vunpack.i.u.bf16.f32 v5;
	v5 =	vunpack.i.l.bf16.f32 v5;
	v10 =	vadd.f32 v10, v7  }
0x16e: {  	v7 =	vld [tilespmem:s26+$0xFFFFFFC0];
	v23 =	vmul.f32 v5, v5;
	v14 =	vmul.f32 v14, v14  }
0x16f: {  	v5 =	vld [tilespmem:s0+$0xFFFFFFC0];
	v6 =	vadd.f32 v8, v6;
	v10 =	vadd.f32 v21, v10  }
0x170: {  	v8 =	vld [tilespmem:s0+$0xFFFFFFD0];
	v9 =	vadd.f32 v23, v9;
	v2 =	vadd.f32 v14, v2  }
0x171: {  	v14 =	vadd.f32 v4, v11;
	v4 =	vsub.bf16 v22, v17;
	v17 =	vld [tilespmem:s26+$0xFFFFFFD0]  }
0x172: {  	v23 =	vsub.bf16 v19, v20;
	v11 =	vld [tilespmem:s26+$0xFFFFFFE0];
	v20 =	vsub.bf16 v18, v24  }
0x173: {  	v18 =	vld [tilespmem:s0+$0xFFFFFFF0];
	v2 =	vadd.f32 v9, v2;
	v9 =	vadd.f32 v6, v10  }
0x174: {  	v25 =	vsub.bf16 v16, v15;
	v19 =	vld [tilespmem:s26+$0xFFFFFFF0];
	v21 =	vunpack.i.u.bf16.f32 v4  }
0x175: {  	s28 =	simm.s32 $0x2;
	s29 =	simm.s32 $0x1A210;
	[tilespmem:s1+$0x18] =	vst v3;
	v6 =	vld [tilespmem:s0+$0xFFFFFFE0];
	v24 =	vunpack.i.l.bf16.f32 v4;
	s0 =	simm.s32 $0x1DF90;
	v22 =	vunpack.i.u.bf16.f32 v23;
	v9 =	vadd.f32 v9, v2  }
.LBB2_5:
0x176: {  	v2 =	vld [tilespmem:s29+$0x60];
	v3 =	vunpack.i.l.bf16.f32 v23;
	v4 =	vunpack.i.u.bf16.f32 v25;
	v10 =	vunpack.i.l.bf16.f32 v25;
	s26 =	sadd.s32 $0x100, s26;
	s1 =	sadd.s32 $0x30, s1  }
0x177: {  	v16 =	vunpack.i.u.bf16.f32 v20;
	v20 =	vunpack.i.l.bf16.f32 v20;
	v5 =	vsub.bf16 v5, v7;
	v15 =	vld [tilespmem:s26+$0x60];
	[tilespmem:s1+$0x18] =	vst v9  }
0x178: {  	v21 =	vmul.f32 v21, v21;
	v8 =	vsub.bf16 v8, v17;
	v9 =	vmul.f32 v24, v24;
	v7 =	vld [tilespmem:s29+$0x70]  }
0x179: {  	v22 =	vmul.f32 v22, v22;
	v3 =	vmul.f32 v3, v3;
	v23 =	vunpack.i.u.bf16.f32 v5;
	v17 =	vld [tilespmem:s26+$0x70]  }
0x17a: {  	v10 =	vmul.f32 v10, v10;
	v4 =	vmul.f32 v4, v4;
	v5 =	vunpack.i.l.bf16.f32 v5;
	v24 =	vld [tilespmem:s29+$0x40]  }
0x17b: {  	v20 =	vmul.f32 v20, v20;
	v16 =	vmul.f32 v16, v16;
	v26 =	vunpack.i.u.bf16.f32 v8;
	v25 =	vld [tilespmem:s26+$0x40]  }
0x17c: {  	v6 =	vsub.bf16 v6, v11;
	v11 =	vsub.bf16 v18, v19;
	v8 =	vunpack.i.l.bf16.f32 v8;
	v27 =	vld [tilespmem:s29+$0x50]  }
0x17d: {  	v9 =	vadd.f32 v10, v9;
	v4 =	vadd.f32 v4, v21;
	v5 =	vmul.f32 v5, v5;
	v18 =	vld [tilespmem:s26+$0x50]  }
0x17e: {  	v3 =	vadd.f32 v20, v3;
	v16 =	vadd.f32 v16, v22;
	v19 =	vmul.f32 v23, v23;
	v10 =	vld [tilespmem:s29+$0x0]  }
0x17f: {  	v8 =	vmul.f32 v8, v8;
	v21 =	vmul.f32 v26, v26;
	v22 =	vunpack.i.u.bf16.f32 v6;
	v20 =	vld [tilespmem:s26+$0x0]  }
0x180: {  	v6 =	vunpack.i.l.bf16.f32 v6;
	v26 =	vunpack.i.u.bf16.f32 v11;
	v11 =	vunpack.i.l.bf16.f32 v11;
	v23 =	vld [tilespmem:s29+$0x10]  }
0x181: {  	v6 =	vmul.f32 v6, v6;
	v5 =	vadd.f32 v5, v9;
	v4 =	vadd.f32 v19, v4;
	v28 =	vld [tilespmem:s26+$0x10]  }
0x182: {  	v3 =	vadd.f32 v8, v3;
	v8 =	vadd.f32 v21, v16;
	v16 =	vmul.f32 v22, v22;
	v9 =	vld [tilespmem:s29+$0x20]  }
0x183: {  	v5 =	vadd.f32 v6, v5;
	v6 =	vmul.f32 v11, v11;
	v11 =	vmul.f32 v26, v26;
	v19 =	vld [tilespmem:s26+$0x20]  }
0x184: {  	v4 =	vadd.f32 v16, v4;
	v16 =	vadd.f32 v12, v13;
	v21 =	vld [tilespmem:s29+$0x30]  }
0x185: {  	v12 =	vadd.f32 v6, v3;
	v13 =	vadd.f32 v11, v8;
	v22 =	vld [tilespmem:s26+$0x30]  }
0x186: {  	v6 =	vadd.f32 v16, v14;
	v14 =	vadd.f32 v5, v4;
	v3 =	vld [tilespmem:s26+$0xFFFFFF80]  }
0x187: {  	v2 =	vsub.bf16 v2, v15;
	v5 =	vsub.bf16 v7, v17;
	v4 =	vld [tilespmem:s29+$0xFFFFFF90]  }
0x188: {  	v7 =	vsub.bf16 v24, v25;
	v16 =	vsub.bf16 v27, v18;
	v15 =	vld [tilespmem:s26+$0xFFFFFF90];
	[tilespmem:s0+$0x0] =	vst v6;
	s0 =	smov.u32 s1  }
0x189: {  	v8 =	vsub.bf16 v23, v28;
	v6 =	vsub.bf16 v10, v20;
	v24 =	vld [tilespmem:s29+$0xFFFFFFA0]  }
0x18a: {  	v17 =	vunpack.i.u.bf16.f32 v2;
	v9 =	vsub.bf16 v9, v19;
	v10 =	vld [tilespmem:s26+$0xFFFFFFA0];
	v11 =	vsub.bf16 v21, v22  }
0x18b: {  	s28 =	sadd.s32 $0x2, s28;
	v2 =	vunpack.i.l.bf16.f32 v2;
	v21 =	vunpack.i.u.bf16.f32 v5;
	v22 =	vunpack.i.l.bf16.f32 v5;
	v20 =	vld [tilespmem:s29+$0xFFFFFFB0]  }
0x18c: {  	p0 =	slt.u32 s28, $0x3E;
	v18 =	vunpack.i.u.bf16.f32 v7;
	v23 =	vunpack.i.u.bf16.f32 v16;
	v19 =	vunpack.i.l.bf16.f32 v7;
	v26 =	vld [tilespmem:s26+$0xFFFFFFB0]  }
0x18d: {  	v28 =	vunpack.i.u.bf16.f32 v8;
	v27 =	vunpack.i.u.bf16.f32 v6;
	v6 =	vunpack.i.l.bf16.f32 v6;
	v25 =	vld [tilespmem:s29+$0xFFFFFF80]  }
0x18e: {  	v2 =	vmul.f32 v2, v2;
	v30 =	vmul.f32 v17, v17;
	v29 =	vunpack.i.l.bf16.f32 v8;
	v5 =	vld [tilespmem:s29+$0xFFFFFFC0]  }
0x18f: {  	v33 =	vmul.f32 v18, v18;
	v32 =	vmul.f32 v19, v19;
	v31 =	vunpack.i.u.bf16.f32 v9;
	v7 =	vld [tilespmem:s26+$0xFFFFFFC0]  }
0x190: {  	v9 =	vunpack.i.l.bf16.f32 v9;
	v19 =	vmul.f32 v6, v6;
	v27 =	vmul.f32 v27, v27;
	v8 =	vld [tilespmem:s29+$0xFFFFFFD0]  }
0x191: {  	v29 =	vmul.f32 v29, v29;
	v28 =	vmul.f32 v28, v28;
	v18 =	vunpack.i.u.bf16.f32 v11;
	v17 =	vld [tilespmem:s26+$0xFFFFFFD0]  }
0x192: {  	v9 =	vmul.f32 v9, v9;
	v31 =	vmul.f32 v31, v31;
	v34 =	vunpack.i.l.bf16.f32 v11;
	v6 =	vld [tilespmem:s29+$0xFFFFFFE0]  }
0x193: {  	v16 =	vunpack.i.l.bf16.f32 v16;
	v34 =	vmul.f32 v34, v34;
	v35 =	vmul.f32 v18, v18;
	v11 =	vld [tilespmem:s26+$0xFFFFFFE0]  }
0x194: {  	v16 =	vmul.f32 v16, v16;
	v9 =	vadd.f32 v9, v19;
	v27 =	vadd.f32 v31, v27;
	v18 =	vld [tilespmem:s29+$0xFFFFFFF0]  }
0x195: {  	v23 =	vmul.f32 v23, v23;
	v29 =	vadd.f32 v34, v29;
	v28 =	vadd.f32 v35, v28;
	v19 =	vld [tilespmem:s26+$0xFFFFFFF0]  }
0x196: {  	v22 =	vmul.f32 v22, v22;
	v9 =	vadd.f32 v32, v9;
	v27 =	vadd.f32 v33, v27  }
0x197: {  	v21 =	vmul.f32 v21, v21;
	v16 =	vadd.f32 v16, v29;
	v23 =	vadd.f32 v23, v28  }
0x198: {  	v2 =	vadd.f32 v2, v9;
	v9 =	vadd.f32 v30, v27  }
.Ltmp1:
0x199: {  	v16 =	vadd.f32 v22, v16;
	v21 =	vadd.f32 v21, v23;
	(pc) =	sbr.rel @p0 .LBB2_5-.Ltmp1, $4  }
0x19a: {  	v3 =	vsub.bf16 v25, v3;
	v23 =	vsub.bf16 v4, v15  }
0x19b: {  	v2 =	vadd.f32 v2, v9;
	v4 =	vadd.f32 v16, v21  }
0x19c: {  	v20 =	vsub.bf16 v20, v26;
	v25 =	vsub.bf16 v24, v10;
	v21 =	vunpack.i.u.bf16.f32 v3  }
0x19d: {  	v24 =	vunpack.i.l.bf16.f32 v3;
	s29 =	sadd.s32 $0x100, s29;
	v22 =	vunpack.i.u.bf16.f32 v23;
	v9 =	vadd.f32 v4, v2  }
0x19e: {  	v2 =	vld [tilespmem:$0x1F9D0];
	_ =	sdelay $0x1  }
0x19f: {  	v3 =	vld [tilespmem:$0x1F9E0];
	_ =	sdelay $0x2  }
0x1a0: {  	v2 =	vadd.f32 $0.0e+00, v2;
	_ =	sdelay $0x1  }
0x1a1: {  	v2 =	vadd.f32 v3, v2;
	v3 =	vld [tilespmem:$0x1F9F0];
	_ =	sdelay $0x4  }
0x1a2: {  	v2 =	vadd.f32 v3, v2;
	v3 =	vld [tilespmem:$0x1FA00];
	_ =	sdelay $0x4  }
0x1a3: {  	v2 =	vadd.f32 v3, v2;
	v3 =	vld [tilespmem:$0x1FA10];
	_ =	sdelay $0x4  }
0x1a4: {  	v2 =	vadd.f32 v3, v2;
	v3 =	vld [tilespmem:$0x1FA20];
	_ =	sdelay $0x4  }
0x1a5: {  	v2 =	vadd.f32 v3, v2;
	v3 =	vld [tilespmem:$0x1FA30];
	_ =	sdelay $0x4  }
0x1a6: {  	v2 =	vadd.f32 v3, v2;
	v3 =	vld [tilespmem:$0x1FA40];
	_ =	sdelay $0x4  }
0x1a7: {  	v2 =	vadd.f32 v3, v2;
	v3 =	vld [tilespmem:$0x1FA50];
	_ =	sdelay $0x4  }
0x1a8: {  	v2 =	vadd.f32 v3, v2;
	v3 =	vld [tilespmem:$0x1FA60];
	_ =	sdelay $0x4  }
0x1a9: {  	v2 =	vadd.f32 v3, v2;
	v3 =	vld [tilespmem:$0x1FA70];
	_ =	sdelay $0x4  }
0x1aa: {  	v2 =	vadd.f32 v3, v2;
	v3 =	vld [tilespmem:$0x1FA80];
	_ =	sdelay $0x4  }
0x1ab: {  	v2 =	vadd.f32 v3, v2;
	v3 =	vld [tilespmem:$0x1FA90];
	_ =	sdelay $0x4  }
0x1ac: {  	v2 =	vadd.f32 v3, v2;
	v3 =	vld [tilespmem:$0x1FAA0];
	_ =	sdelay $0x4  }
0x1ad: {  	v2 =	vadd.f32 v3, v2;
	v3 =	vld [tilespmem:$0x1FAC0];
	_ =	sdelay $0x4  }
0x1ae: {  	v2 =	vadd.f32 v3, v2;
	v3 =	vld [tilespmem:$0x1FAE0];
	_ =	sdelay $0x4  }
0x1af: {  	v15 =	vadd.f32 v3, v2;
	v3 =	vld [tilespmem:$0x1FAF0];
	_ =	sdelay $0x1  }
0x1b0: {  	v4 =	vld [tilespmem:$0x1FB00];
	_ =	sdelay $0x1  }
0x1b1: {  	v34 =	vld [tilespmem:$0x1FB10]  }
0x1b2: {  	v3 =	vadd.f32 $0.0e+00, v3  }
0x1b3: {  	v35 =	vld [tilespmem:$0x1FB20]  }
0x1b4: {  	v3 =	vadd.f32 v4, v3  }
0x1b5: {  	v10 =	vld [tilespmem:$0x1FB30];
	v2 =	vshra.s32 v15, $0x1  }
0x1b6: {  	v2 =	vadd.s32 $0x1FBD1DF5, v2;
	v3 =	vadd.f32 v34, v3  }
0x1b7: {  	(erf) = vrcp.f32 v2  }
0x1b8: {  	v16 =	vld [tilespmem:$0x1FB40];
	v3 =	vadd.f32 v35, v3;
	_ =	sdelay $0x1  }
0x1b9: {  	v3 =	vadd.f32 v10, v3;
	v10 =	vld [tilespmem:$0x1FB50];
	_ =	sdelay $0x1  }
0x1ba: {  	v27 =	vld [tilespmem:$0x1FB60]  }
0x1bb: {  	v3 =	vadd.f32 v16, v3  }
0x1bc: {  	v28 =	vld [tilespmem:$0x1FB70]  }
0x1bd: {  	v3 =	vadd.f32 v10, v3  }
0x1be: {  	v29 =	vld [tilespmem:$0x1FB80];
	v26 =	vpop (erf)  }
0x1bf: {  	v4 =	vmul.f32 v26, v15;
	v3 =	vadd.f32 v27, v3  }
0x1c0: {  	v30 =	vld [tilespmem:$0x1FB90]  }
0x1c1: {  	v2 =	vadd.f32 v2, v4;
	v3 =	vadd.f32 v28, v3  }
0x1c2: {  	v31 =	vld [tilespmem:$0x1FBA0]  }
0x1c3: {  	v2 =	vmul.f32 $5.000000000e-01, v2;
	v3 =	vadd.f32 v29, v3  }
0x1c4: {  	v32 =	vld [tilespmem:$0x1FBB0]  }
0x1c5: {  	(erf) = vrcp.f32 v2;
	v3 =	vadd.f32 v30, v3  }
0x1c6: {  	v33 =	vld [tilespmem:$0x1FBC0]  }
0x1c7: {  	v3 =	vadd.f32 v31, v3  }
0x1c8: {  	v35 =	vld [tilespmem:$0x1FBD0]  }
0x1c9: {  	v3 =	vadd.f32 v32, v3  }
0x1ca: {  	v16 =	vld [tilespmem:$0x1FBE0]  }
0x1cb: {  	v3 =	vadd.f32 v33, v3;
	_ =	sdelay $0x1  }
0x1cc: {  	v3 =	vadd.f32 v35, v3  }
0x1cd: {  	v34 =	vpop (erf)  }
0x1ce: {  	v4 =	vmul.f32 v34, v15;
	v16 =	vadd.f32 v16, v3;
	v3 =	vld [tilespmem:$0x1FBF0];
	_ =	sdelay $0x1  }
0x1cf: {  	v26 =	vld [tilespmem:$0x1FC00];
	v2 =	vadd.f32 v4, v2;
	_ =	sdelay $0x1  }
0x1d0: {  	v27 =	vld [tilespmem:$0x1FC10];
	v10 =	vmul.f32 $5.000000000e-01, v2  }
0x1d1: {  	v2 =	vshra.s32 v16, $0x1;
	v3 =	vadd.f32 $0.0e+00, v3  }
0x1d2: {  	v28 =	vld [tilespmem:$0x1FC20];
	(erf) = vrcp.f32 v10;
	v2 =	vadd.s32 $0x1FBD1DF5, v2  }
0x1d3: {  	(erf) = vrcp.f32 v2;
	v3 =	vadd.f32 v26, v3;
	_ =	sdelay $0x1  }
0x1d4: {  	v3 =	vadd.f32 v27, v3  }
0x1d5: {  	v29 =	vld [tilespmem:$0x1FC30]  }
0x1d6: {  	v3 =	vadd.f32 v28, v3  }
0x1d7: {  	v26 =	vld [tilespmem:$0x1FC40];
	_ =	sdelay $0x2  }
0x1d8: {  	v4 =	vadd.f32 v29, v3;
	v3 =	vpop (erf)  }
0x1d9: {  	v30 =	vpop (erf)  }
0x1da: {  	v4 =	vadd.f32 v26, v4;
	v26 =	vmul.f32 v30, v16;
	_ =	sdelay $0x1  }
0x1db: {  	v2 =	vadd.f32 v2, v26;
	_ =	sdelay $0x1  }
0x1dc: {  	v2 =	vmul.f32 $5.000000000e-01, v2  }
0x1dd: {  	v27 =	vld [tilespmem:$0x1FC50]  }
0x1de: {  	(erf) = vrcp.f32 v2  }
0x1df: {  	v31 =	vld [tilespmem:$0x1FC60];
	_ =	sdelay $0x1  }
0x1e0: {  	v32 =	vld [tilespmem:$0x1FC70]  }
0x1e1: {  	v4 =	vadd.f32 v27, v4  }
0x1e2: {  	v33 =	vld [tilespmem:$0x1FC80]  }
0x1e3: {  	v4 =	vadd.f32 v31, v4  }
0x1e4: {  	v34 =	vld [tilespmem:$0x1FC90]  }
0x1e5: {  	v4 =	vadd.f32 v32, v4  }
0x1e6: {  	v35 =	vld [tilespmem:$0x1FCB0];
	v30 =	vpop (erf)  }
0x1e7: {  	v4 =	vadd.f32 v33, v4;
	v26 =	vmul.f32 v30, v16  }
0x1e8: {  	v28 =	vld [tilespmem:$0x1FCD0]  }
0x1e9: {  	v4 =	vadd.f32 v34, v4;
	v26 =	vadd.f32 v26, v2;
	v2 =	vld [tilespmem:$0x1FD30]  }
0x1ea: {  	v29 =	vld [tilespmem:$0x1FCF0]  }
0x1eb: {  	v4 =	vadd.f32 v35, v4  }
0x1ec: {  	v31 =	vld [tilespmem:$0x1FD00]  }
0x1ed: {  	v33 =	vld [tilespmem:$0x1FD50];
	v4 =	vadd.f32 v28, v4  }
0x1ee: {  	v32 =	vadd.f32 $0.0e+00, v2;
	v2 =	vld [tilespmem:$0x1FD10]  }
0x1ef: {  	v4 =	vadd.f32 v29, v4  }
0x1f0: {  	v28 =	vld [tilespmem:$0x1FD70]  }
0x1f1: {  	v4 =	vadd.f32 v31, v4  }
0x1f2: {  	v7 =	vsub.bf16 v5, v7;
	v8 =	vsub.bf16 v8, v17  }
0x1f3: {  	v35 =	vld [tilespmem:$0x1FD90];
	v27 =	vadd.f32 v33, v32;
	v2 =	vadd.f32 v2, v4  }
0x1f4: {  	v6 =	vsub.bf16 v6, v11;
	v11 =	vsub.bf16 v18, v19;
	v4 =	vmul.f32 $5.000000000e-01, v26  }
0x1f5: {  	v21 =	vmul.f32 v21, v21;
	v27 =	vadd.f32 v28, v27;
	v28 =	vld [tilespmem:$0x1FDB0];
	v34 =	vshra.s32 v2, $0x1  }
0x1f6: {  	v31 =	vunpack.i.u.bf16.f32 v25;
	(erf) = vrcp.f32 v4;
	v26 =	vadd.s32 $0x1FBD1DF5, v34  }
0x1f7: {  	v29 =	vld [tilespmem:$0x1FDD0];
	v18 =	vmul.f32 v31, v31;
	v32 =	vunpack.i.l.bf16.f32 v25;
	(erf) = vrcp.f32 v26  }
0x1f8: {  	v33 =	vmul.f32 v24, v24;
	v19 =	vmul.f32 v32, v32;
	v27 =	vadd.f32 v35, v27  }
0x1f9: {  	v22 =	vmul.f32 v22, v22;
	v30 =	vunpack.i.l.bf16.f32 v23;
	v18 =	vadd.f32 v18, v21  }
0x1fa: {  	v31 =	vld [tilespmem:$0x1FDF0];
	v19 =	vadd.f32 v19, v33;
	v5 =	vadd.f32 v28, v27;
	v28 =	vunpack.i.l.bf16.f32 v20  }
0x1fb: {  	v35 =	vunpack.i.u.bf16.f32 v20;
	v34 =	vmul.f32 v30, v30;
	v20 =	vmul.f32 v28, v28  }
0x1fc: {  	v33 =	vld [tilespmem:$0x1FE10];
	v17 =	vadd.f32 v29, v5;
	v29 =	vmul.f32 v35, v35;
	v35 =	vunpack.i.l.bf16.f32 v8  }
0x1fd: {  	v8 =	vunpack.i.u.bf16.f32 v8;
	v20 =	vadd.f32 v20, v34;
	v34 =	vunpack.i.l.bf16.f32 v7  }
0x1fe: {  	v7 =	vunpack.i.u.bf16.f32 v7;
	v24 =	vmul.f32 v35, v35;
	v8 =	vmul.f32 v8, v8  }
0x1ff: {  	v25 =	vld [tilespmem:$0x1FE30];
	v17 =	vadd.f32 v31, v17;
	v22 =	vadd.f32 v29, v22;
	v23 =	vmul.f32 v34, v34;
	v5 =	vpop (erf)  }
0x200: {  	v7 =	vmul.f32 v7, v7;
	v29 =	vunpack.i.l.bf16.f32 v6;
	v6 =	vunpack.i.u.bf16.f32 v6;
	v30 =	vpop (erf)  }
0x201: {  	v17 =	vadd.f32 v33, v17;
	v19 =	vadd.f32 v23, v19;
	v32 =	vmul.f32 v30, v2  }
0x202: {  	v6 =	vmul.f32 v6, v6;
	v7 =	vadd.f32 v7, v18;
	v8 =	vadd.f32 v8, v22  }
0x203: {  	v28 =	vld [tilespmem:$0x1FE50];
	v30 =	vunpack.i.u.bf16.f32 v11;
	v11 =	vunpack.i.l.bf16.f32 v11;
	v21 =	vadd.f32 v26, v32  }
0x204: {  	v17 =	vadd.f32 v25, v17;
	v11 =	vmul.f32 v11, v11;
	v31 =	vmul.f32 v30, v30  }
0x205: {  	v26 =	vadd.f32 v24, v20;
	v32 =	vld [tilespmem:$0x1FE70];
	v27 =	vmul.f32 $5.000000000e-01, v21;
	v21 =	vmul.f32 v29, v29  }
0x206: {  	v6 =	vadd.f32 v6, v7;
	v8 =	vadd.f32 v31, v8  }
0x207: {  	v33 =	vld [tilespmem:$0x1FE90];
	v11 =	vadd.f32 v11, v26;
	v19 =	vadd.f32 v21, v19  }
0x208: {  	v12 =	vadd.f32 v12, v13;
	v17 =	vadd.f32 v28, v17  }
0x209: {  	v35 =	vld [tilespmem:$0x1FEB0];
	v8 =	vadd.f32 v11, v8;
	v6 =	vadd.f32 v19, v6  }
0x20a: {  	s1 =	sadd.s32 $0x30, s1;
	v34 =	vadd.f32 v12, v14;
	(erf) = vrcp.f32 v27;
	v7 =	vadd.f32 v32, v17  }
0x20b: {  	[tilespmem:s1+$0x18] =	vst v9;
	v6 =	vadd.f32 v8, v6  }
0x20c: {  	[tilespmem:s0+$0x0] =	vst v34;
	v7 =	vadd.f32 v33, v7  }
0x20d: {  	v9 =	vld [tilespmem:$0x1FED0];
	[tilespmem:s1+$0x0] =	vst v6  }
0x20e: {  	v7 =	vadd.f32 v35, v7;
	v35 =	vld [tilespmem:$0x1FFF0]  }
0x20f: {  	v17 =	vld [tilespmem:$0x1FEF0]  }
0x210: {  	v22 =	vld [tilespmem:$0x1FF30]  }
0x211: {  	v20 =	vld [tilespmem:$0x1FF10]  }
0x212: {  	v23 =	vld [tilespmem:$0x1FF40]  }
0x213: {  	v7 =	vadd.f32 v9, v7;
	v18 =	vld.idx.msk [tilespmem:v0+s24+$0x0], $0xffff;
	v13 =	vpop (erf)  }
0x214: {  	v24 =	vld [tilespmem:$0x1FF50];
	v14 =	vmul.f32 v13, v2  }
0x215: {  	v25 =	vld [tilespmem:$0x1FF60];
	v7 =	vadd.f32 v17, v7  }
0x216: {  	v19 =	vadd.f32 v14, v27;
	v11 =	vld.idx.msk [tilespmem:v35+s24+$0x0], $0xffff  }
0x217: {  	v26 =	vld [tilespmem:$0x1FF70];
	v6 =	vadd.f32 v20, v7  }
0x218: {  	v7 =	vmul.f32 $5.000000000e-01, v19;
	v12 =	vld.idx.msk [tilespmem:v22+s24+$0x0], $0xffff  }
0x219: {  	v8 =	vadd.f32 $0.0e+00, v18;
	v27 =	vld [tilespmem:$0x1FF80];
	v21 =	vshra.s32 v6, $0x1  }
0x21a: {  	v13 =	vld.idx.msk [tilespmem:v23+s24+$0x0], $0xffff;
	(erf) = vrcp.f32 v7;
	v9 =	vadd.s32 $0x1FBD1DF5, v21  }
0x21b: {  	v29 =	vld [tilespmem:$0x1FF90];
	(erf) = vrcp.f32 v9;
	v8 =	vadd.f32 v11, v8  }
0x21c: {  	v11 =	vld.idx.msk [tilespmem:v24+s24+$0x0], $0xffff  }
0x21d: {  	v30 =	vld [tilespmem:$0x1FFA0];
	v8 =	vadd.f32 v12, v8  }
0x21e: {  	v12 =	vld.idx.msk [tilespmem:v25+s24+$0x0], $0xffff  }
0x21f: {  	v31 =	vld [tilespmem:$0x1FFB0];
	v8 =	vadd.f32 v13, v8  }
0x220: {  	v13 =	vld.idx.msk [tilespmem:v26+s24+$0x0], $0xffff  }
0x221: {  	v11 =	vadd.f32 v11, v8  }
0x222: {  	v14 =	vld.idx.msk [tilespmem:v27+s24+$0x0], $0xffff  }
0x223: {  	v32 =	vld [tilespmem:$0x1FFC0];
	v8 =	vpop (erf);
	v11 =	vadd.f32 v12, v11  }
0x224: {  	v17 =	vld.idx.msk [tilespmem:v29+s24+$0x0], $0xffff;
	v28 =	vpop (erf)  }
0x225: {  	v33 =	vld [tilespmem:$0x1FFD0];
	v12 =	vmul.f32 v28, v6;
	v11 =	vadd.f32 v13, v11  }
0x226: {  	v34 =	vld [tilespmem:$0x1FFE0]  }
0x227: {  	v9 =	vadd.f32 v9, v12;
	v12 =	vld.idx.msk [tilespmem:v30+s24+$0x0], $0xffff;
	v11 =	vadd.f32 v14, v11  }
0x228: {  	v13 =	vld.idx.msk [tilespmem:v31+s24+$0x0], $0xffff  }
0x229: {  	v9 =	vmul.f32 $5.000000000e-01, v9;
	v11 =	vadd.f32 v17, v11;
	v17 =	vld [tilespmem:$0x1FAB0]  }
0x22a: {  	v18 =	vld [tilespmem:$0x1FAD0]  }
0x22b: {  	v14 =	vld.idx.msk [tilespmem:v32+s24+$0x0], $0xffff;
	(erf) = vrcp.f32 v9  }
0x22c: {  	v11 =	vadd.f32 v12, v11  }
0x22d: {  	v12 =	vld.idx.msk [tilespmem:v33+s24+$0x0], $0xffff  }
0x22e: {  	v11 =	vadd.f32 v13, v11  }
0x22f: {  	v13 =	vld.idx.msk [tilespmem:v34+s24+$0x0], $0xffff  }
0x230: {  	v11 =	vadd.f32 v14, v11  }
0x231: {  	v14 =	vld.idx.msk [tilespmem:v17+s24+$0x0], $0xffff  }
0x232: {  	v11 =	vadd.f32 v12, v11  }
0x233: {  	v12 =	vld.idx.msk [tilespmem:v18+s24+$0x0], $0xffff  }
0x234: {  	v11 =	vadd.f32 v13, v11;
	v19 =	vpop (erf)  }
0x235: {  	v20 =	vld.idx.msk [tilespmem:v1+s24+$0x0], $0xffff;
	v13 =	vmul.f32 v19, v6  }
0x236: {  	v11 =	vadd.f32 v14, v11  }
0x237: {  	v21 =	vld.idx.msk [tilespmem:v63+s24+$0x0], $0xffff;
	v1 =	vadd.f32 v13, v9  }
0x238: {  	v9 =	vadd.f32 v12, v11  }
0x239: {  	v22 =	vld.idx.msk [tilespmem:v62+s24+$0x0], $0xffff;
	v1 =	vmul.f32 $5.000000000e-01, v1  }
0x23a: {  	v14 =	vadd.f32 $0.0e+00, v20;
	v12 =	vshra.s32 v9, $0x1  }
0x23b: {  	v23 =	vld.idx.msk [tilespmem:v58+s24+$0x0], $0xffff;
	(erf) = vrcp.f32 v1;
	v12 =	vadd.s32 $0x1FBD1DF5, v12  }
0x23c: {  	v11 =	vadd.f32 v21, v14;
	(erf) = vrcp.f32 v12;
	_ =	sdelay $0x1  }
0x23d: {  	v24 =	vld.idx.msk [tilespmem:v59+s24+$0x0], $0xffff;
	v11 =	vadd.f32 v22, v11;
	_ =	sdelay $0x1  }
0x23e: {  	v25 =	vld.idx.msk [tilespmem:v60+s24+$0x0], $0xffff;
	v11 =	vadd.f32 v23, v11;
	_ =	sdelay $0x1  }
0x23f: {  	v26 =	vld.idx.msk [tilespmem:v61+s24+$0x0], $0xffff  }
0x240: {  	v14 =	vadd.f32 v24, v11  }
0x241: {  	v27 =	vld.idx.msk [tilespmem:v57+s24+$0x0], $0xffff;
	v11 =	vpop (erf)  }
0x242: {  	v13 =	vadd.f32 v25, v14;
	v28 =	vpop (erf)  }
0x243: {  	v29 =	vld.idx.msk [tilespmem:v56+s24+$0x0], $0xffff;
	v14 =	vmul.f32 v28, v9  }
0x244: {  	v13 =	vadd.f32 v26, v13  }
0x245: {  	v30 =	vld.idx.msk [tilespmem:v55+s24+$0x0], $0xffff;
	v12 =	vadd.f32 v12, v14  }
0x246: {  	v13 =	vadd.f32 v27, v13  }
0x247: {  	v31 =	vld.idx.msk [tilespmem:v54+s24+$0x0], $0xffff;
	v12 =	vmul.f32 $5.000000000e-01, v12  }
0x248: {  	v13 =	vadd.f32 v29, v13  }
0x249: {  	v32 =	vld.idx.msk [tilespmem:v49+s24+$0x0], $0xffff;
	(erf) = vrcp.f32 v12  }
0x24a: {  	v13 =	vadd.f32 v30, v13  }
0x24b: {  	v33 =	vld.idx.msk [tilespmem:v50+s24+$0x0], $0xffff  }
0x24c: {  	v13 =	vadd.f32 v31, v13  }
0x24d: {  	v34 =	vld.idx.msk [tilespmem:v51+s24+$0x0], $0xffff  }
0x24e: {  	v13 =	vadd.f32 v32, v13  }
0x24f: {  	v49 =	vld.idx.msk [tilespmem:v52+s24+$0x0], $0xffff  }
0x250: {  	v13 =	vadd.f32 v33, v13  }
0x251: {  	v50 =	vld.idx.msk [tilespmem:v53+s24+$0x0], $0xffff  }
0x252: {  	v13 =	vadd.f32 v34, v13;
	v51 =	vpop (erf)  }
0x253: {  	v17 =	vmul.f32 v51, v9  }
0x254: {  	v52 =	vld.idx.msk [tilespmem:v48+s24+$0x0], $0xffff;
	v13 =	vadd.f32 v49, v13  }
0x255: {  	v12 =	vadd.f32 v17, v12  }
0x256: {  	v53 =	vld.idx.msk [tilespmem:v47+s24+$0x0], $0xffff;
	v13 =	vadd.f32 v50, v13  }
0x257: {  	v12 =	vmul.f32 $5.000000000e-01, v12  }
0x258: {  	v55 =	vld.idx.msk [tilespmem:v46+s24+$0x0], $0xffff;
	v54 =	vshra.s32 v13, $0x1  }
0x259: {  	v18 =	vadd.f32 $0.0e+00, v52;
	v17 =	vadd.s32 $0x1FBD1DF5, v54;
	(erf) = vrcp.f32 v12  }
0x25a: {  	v56 =	vld.idx.msk [tilespmem:v42+s24+$0x0], $0xffff;
	(erf) = vrcp.f32 v17  }
0x25b: {  	v14 =	vadd.f32 v53, v18  }
0x25c: {  	v57 =	vld.idx.msk [tilespmem:v43+s24+$0x0], $0xffff  }
0x25d: {  	v14 =	vadd.f32 v55, v14  }
0x25e: {  	v58 =	vld.idx.msk [tilespmem:v44+s24+$0x0], $0xffff  }
0x25f: {  	v14 =	vadd.f32 v56, v14  }
0x260: {  	v59 =	vld.idx.msk [tilespmem:v45+s24+$0x0], $0xffff  }
0x261: {  	v61 =	vld.idx.msk [tilespmem:v41+s24+$0x0], $0xffff;
	v14 =	vadd.f32 v57, v14  }
0x262: {  	v26 =	vld [tilespmem:$0x1FCA0];
	v60 =	vpop (erf)  }
0x263: {  	v63 =	vld.idx.msk [tilespmem:v40+s24+$0x0], $0xffff;
	v14 =	vadd.f32 v58, v14;
	v62 =	vpop (erf)  }
0x264: {  	v27 =	vld [tilespmem:$0x1FCC0];
	v19 =	vmul.f32 v62, v13  }
0x265: {  	v24 =	vld.idx.msk [tilespmem:v39+s24+$0x0], $0xffff;
	v14 =	vadd.f32 v59, v14  }
0x266: {  	v28 =	vld [tilespmem:$0x1FCE0];
	v17 =	vadd.f32 v17, v19  }
0x267: {  	v14 =	vadd.f32 v61, v14  }
0x268: {  	v25 =	vld.idx.msk [tilespmem:v38+s24+$0x0], $0xffff;
	v17 =	vmul.f32 $5.000000000e-01, v17  }
0x269: {  	v14 =	vadd.f32 v63, v14  }
0x26a: {  	v21 =	vld.idx.msk [tilespmem:v26+s24+$0x0], $0xffff;
	(erf) = vrcp.f32 v17  }
0x26b: {  	v14 =	vadd.f32 v24, v14  }
0x26c: {  	v19 =	vld.idx.msk [tilespmem:v27+s24+$0x0], $0xffff  }
0x26d: {  	v32 =	vld [tilespmem:$0x1FD20];
	v14 =	vadd.f32 v25, v14  }
0x26e: {  	v20 =	vld.idx.msk [tilespmem:v28+s24+$0x0], $0xffff  }
0x26f: {  	v33 =	vld [tilespmem:$0x1FD40];
	v14 =	vadd.f32 v21, v14  }
0x270: {  	v29 =	vld.idx.msk [tilespmem:v36+s24+$0x0], $0xffff  }
0x271: {  	v36 =	vld [tilespmem:$0x1FD60];
	v14 =	vadd.f32 v19, v14  }
0x272: {  	v30 =	vld.idx.msk [tilespmem:v37+s24+$0x0], $0xffff  }
0x273: {  	v37 =	vld [tilespmem:$0x1FD80];
	v14 =	vadd.f32 v20, v14;
	v31 =	vpop (erf)  }
0x274: {  	v38 =	vld [tilespmem:$0x1FDA0];
	v20 =	vmul.f32 v31, v13  }
0x275: {  	v21 =	vld.idx.msk [tilespmem:v32+s24+$0x0], $0xffff;
	v14 =	vadd.f32 v29, v14  }
0x276: {  	v39 =	vld [tilespmem:$0x1FDC0];
	v17 =	vadd.f32 v20, v17  }
0x277: {  	v19 =	vld.idx.msk [tilespmem:v33+s24+$0x0], $0xffff;
	v14 =	vadd.f32 v30, v14  }
0x278: {  	v40 =	vld [tilespmem:$0x1FDE0];
	v17 =	vmul.f32 $5.000000000e-01, v17  }
0x279: {  	v22 =	vld.idx.msk [tilespmem:v36+s24+$0x0], $0xffff;
	v34 =	vshra.s32 v14, $0x1  }
0x27a: {  	v42 =	vld [tilespmem:$0x1FE00];
	v21 =	vadd.f32 $0.0e+00, v21;
	v20 =	vadd.s32 $0x1FBD1DF5, v34;
	(erf) = vrcp.f32 v17  }
0x27b: {  	v23 =	vld.idx.msk [tilespmem:v37+s24+$0x0], $0xffff;
	(erf) = vrcp.f32 v20  }
0x27c: {  	v44 =	vld [tilespmem:$0x1FE20];
	v19 =	vadd.f32 v19, v21  }
0x27d: {  	v21 =	vld.idx.msk [tilespmem:v38+s24+$0x0], $0xffff  }
0x27e: {  	v45 =	vld [tilespmem:$0x1FE40];
	v19 =	vadd.f32 v22, v19  }
0x27f: {  	v22 =	vld.idx.msk [tilespmem:v39+s24+$0x0], $0xffff  }
0x280: {  	v46 =	vld [tilespmem:$0x1FE60];
	v19 =	vadd.f32 v23, v19  }
0x281: {  	v23 =	vld.idx.msk [tilespmem:v40+s24+$0x0], $0xffff  }
0x282: {  	v47 =	vld [tilespmem:$0x1FE80];
	v19 =	vadd.f32 v21, v19  }
0x283: {  	v24 =	vld.idx.msk [tilespmem:v42+s24+$0x0], $0xffff;
	v41 =	vpop (erf)  }
0x284: {  	v48 =	vld [tilespmem:$0x1FEA0];
	v19 =	vadd.f32 v22, v19;
	v43 =	vpop (erf)  }
0x285: {  	v25 =	vld.idx.msk [tilespmem:v44+s24+$0x0], $0xffff;
	v22 =	vmul.f32 v43, v14  }
0x286: {  	v49 =	vld [tilespmem:$0x1FEC0];
	v19 =	vadd.f32 v23, v19  }
0x287: {  	v20 =	vadd.f32 v20, v22;
	v22 =	vld.idx.msk [tilespmem:v45+s24+$0x0], $0xffff  }
0x288: {  	v50 =	vld [tilespmem:$0x1FEE0];
	v19 =	vadd.f32 v24, v19  }
0x289: {  	v23 =	vld.idx.msk [tilespmem:v46+s24+$0x0], $0xffff;
	v20 =	vmul.f32 $5.000000000e-01, v20  }
0x28a: {  	v51 =	vld [tilespmem:$0x1FF00];
	v19 =	vadd.f32 v25, v19  }
0x28b: {  	v24 =	vld.idx.msk [tilespmem:v47+s24+$0x0], $0xffff;
	(erf) = vrcp.f32 v20  }
0x28c: {  	v19 =	vadd.f32 v22, v19  }
0x28d: {  	v22 =	vld.idx.msk [tilespmem:v48+s24+$0x0], $0xffff  }
0x28e: {  	v19 =	vadd.f32 v23, v19  }
0x28f: {  	v23 =	vld.idx.msk [tilespmem:v49+s24+$0x0], $0xffff  }
0x290: {  	v19 =	vadd.f32 v24, v19  }
0x291: {  	v24 =	vld.idx.msk [tilespmem:v50+s24+$0x0], $0xffff  }
0x292: {  	v19 =	vadd.f32 v22, v19  }
0x293: {  	v22 =	vld.idx.msk [tilespmem:v51+s24+$0x0], $0xffff  }
0x294: {  	v19 =	vadd.f32 v23, v19;
	v52 =	vpop (erf)  }
0x295: {  	v23 =	vmul.f32 v52, v14  }
0x296: {  	v19 =	vadd.f32 v24, v19  }
0x297: {  	v20 =	vadd.f32 v23, v20  }
0x298: {  	v19 =	vadd.f32 v22, v19  }
0x299: {  	v20 =	vmul.f32 $5.000000000e-01, v20  }
0x29a: {  	v22 =	vshra.s32 v19, $0x1  }
0x29b: {  	(erf) = vrcp.f32 v20;
	v22 =	vadd.s32 $0x1FBD1DF5, v22  }
0x29c: {  	(erf) = vrcp.f32 v22;
	_ =	sdelay $0x7  }
0x29d: {  	v53 =	vpop (erf)  }
0x29e: {  	v54 =	vpop (erf)  }
0x29f: {  	v24 =	vmul.f32 v54, v19;
	_ =	sdelay $0x1  }
0x2a0: {  	v22 =	vadd.f32 v22, v24;
	_ =	sdelay $0x1  }
0x2a1: {  	v22 =	vmul.f32 $5.000000000e-01, v22;
	_ =	sdelay $0x1  }
0x2a2: {  	(erf) = vrcp.f32 v22;
	_ =	sdelay $0x8  }
0x2a3: {  	v55 =	vpop (erf)  }
0x2a4: {  	v24 =	vmul.f32 v55, v19;
	_ =	sdelay $0x1  }
0x2a5: {  	v22 =	vadd.f32 v24, v22  }
0x2a6: {  	v3 =	vmul.f32 v3, v15  }
0x2a7: {  	v5 =	vmul.f32 v5, v16;
	v22 =	vmul.f32 $5.000000000e-01, v22;
	_ =	sdelay $0x1  }
0x2a8: {  	v3 =	vadd.f32 v3, v10;
	v4 =	vadd.f32 v5, v4;
	(erf) = vrcp.f32 v22;
	_ =	sdelay $0x1  }
0x2a9: {  	v3 =	vmul.f32 $5.000000000e-01, v3;
	v4 =	vmul.f32 $5.000000000e-01, v4;
	_ =	sdelay $0x1  }
0x2aa: {  	v3 =	vsub.f32 $1.000000000e+01, v3;
	v4 =	vsub.f32 $1.000000000e+01, v4  }
0x2ab: {  	v2 =	vmul.f32 v8, v2;
	v56 =	vmul.f32 v60, v9  }
0x2ac: {  	v3 =	vmax.f32 v3, $0.0e+00;
	v4 =	vmax.f32 v4, $0.0e+00;
	v57 =	vmul.f32 v41, v13  }
0x2ad: {  	v2 =	vadd.f32 v2, v7;
	v6 =	vmul.f32 v11, v6;
	v5 =	vadd.f32 v56, v12  }
0x2ae: {  	v3 =	vadd.f32 v4, v3;
	v58 =	vadd.f32 v57, v17;
	v59 =	vmul.f32 v53, v14  }
0x2af: {  	v2 =	vmul.f32 $5.000000000e-01, v2;
	v1 =	vadd.f32 v6, v1;
	v5 =	vmul.f32 $5.000000000e-01, v5;
	v60 =	vpop (erf)  }
0x2b0: {  	v4 =	vmul.f32 $5.000000000e-01, v58;
	v7 =	vadd.f32 v59, v20;
	v6 =	vmul.f32 v60, v19  }
0x2b1: {  	v2 =	vsub.f32 $1.000000000e+01, v2;
	v1 =	vmul.f32 $5.000000000e-01, v1;
	v5 =	vsub.f32 $1.000000000e+01, v5  }
0x2b2: {  	v4 =	vsub.f32 $1.000000000e+01, v4;
	v7 =	vmul.f32 $5.000000000e-01, v7;
	v6 =	vadd.f32 v6, v22  }
0x2b3: {  	v2 =	vmax.f32 v2, $0.0e+00;
	v1 =	vsub.f32 $1.000000000e+01, v1;
	v5 =	vmax.f32 v5, $0.0e+00  }
0x2b4: {  	v63 =	vld [tilespmem:$0x1FF20];
	v4 =	vmax.f32 v4, $0.0e+00;
	v7 =	vsub.f32 $1.000000000e+01, v7;
	v6 =	vmul.f32 $5.000000000e-01, v6  }
0x2b5: {  	s31 =	sadd.s32 $0x1, s31;
	v2 =	vadd.f32 v2, v3;
	v3 =	vadd.f32 v4, v5  }
0x2b6: {  	p0 =	sne.s32 s31, $0x27;
	v1 =	vmax.f32 v1, $0.0e+00;
	v61 =	vmax.f32 v7, $0.0e+00;
	v62 =	vsub.f32 $1.000000000e+01, v6  }
.Ltmp2:
0x2b7: {  	v1 =	vadd.f32 v1, v2;
	v2 =	vadd.f32 v61, v3;
	(pc) =	sbr.rel @p0 .LBB2_2-.Ltmp2, $3  }
0x2b8: {  	v3 =	vmax.f32 v62, $0.0e+00  }
0x2b9: {  	v1 =	vadd.f32 v1, v63;
	v2 =	vadd.f32 v3, v2;
	_ =	sdelay $0x1  }
0x2ba: {  	v36 =	vadd.f32 v2, v1  }
0x2bb: {  	_ =	swait.ge [sflag:s20], $0x2000  }
0x2bc: {  	[sflag:s20] =	ssyncset.done $0x0  }
0x2bd: {  	[sflag:s20] =	ssyncadd.s32 $0xFFFFE000  }
0x2be: {  	_ =	swait.ge [sflag:s21], $0x2000  }
0x2bf: {  	[sflag:s21] =	ssyncset.done $0x0  }
0x2c0: {  	s0 =	simm.s32 $0x14C00;
	[sflag:s21] =	ssyncadd.s32 $0xFFFFE000  }
0x2c1: {  	[tilespmem:s16], [sflag:$0x1] =	stream.indirect.gather [hbm4b:s4+s25], $0x80, s0, s25, $0xb8;
	[tilespmem:$0x1E5A0] =	vst v63  }
0x2c2: {  	s26 =	simm.s32 $0x15F88  }
0x2c3: {  	[tilespmem:s17], [sflag:$0x2] =	stream.indirect.gather [spmem:s2], $0x80, s26, s25, $0xb8;
	[tilespmem:$0x1E5A0] =	vst v63  }
0x2c4: {  	_ =	swait.ge [sflag:s20], $0x400  }
0x2c5: {  	[sflag:s20] =	ssyncset.done $0x0  }
0x2c6: {  	[sflag:s20] =	ssyncadd.s32 $0xFFFFFC00  }
0x2c7: {  	_ =	swait.ge [sflag:s21], $0x400  }
0x2c8: {  	[sflag:s21] =	ssyncset.done $0x0  }
0x2c9: {  	s1 =	simm.s32 $0x16010;
	[sflag:s21] =	ssyncadd.s32 $0xFFFFFC00  }
0x2ca: {  	s31 =	simm.s32 $0x18010;
	v1 =	vld [tilespmem:s1+$0x60]  }
0x2cb: {  	v2 =	vld [tilespmem:s31+$0x60]  }
0x2cc: {  	v3 =	vld [tilespmem:s1+$0x70]  }
0x2cd: {  	v4 =	vld [tilespmem:s31+$0x70]  }
0x2ce: {  	v5 =	vld [tilespmem:s1+$0x40]  }
0x2cf: {  	v6 =	vld [tilespmem:s31+$0x40]  }
0x2d0: {  	v7 =	vld [tilespmem:s1+$0x50]  }
0x2d1: {  	v8 =	vld [tilespmem:s31+$0x50]  }
0x2d2: {  	v9 =	vld [tilespmem:s1+$0x0]  }
0x2d3: {  	v10 =	vld [tilespmem:s31+$0x0]  }
0x2d4: {  	v11 =	vld [tilespmem:s1+$0x10]  }
0x2d5: {  	v12 =	vld [tilespmem:s31+$0x10]  }
0x2d6: {  	v13 =	vld [tilespmem:s1+$0x20]  }
0x2d7: {  	v14 =	vld [tilespmem:s31+$0x20]  }
0x2d8: {  	v15 =	vld [tilespmem:s1+$0x30]  }
0x2d9: {  	v16 =	vld [tilespmem:s31+$0x30]  }
0x2da: {  	v1 =	vsub.bf16 v1, v2  }
0x2db: {  	v2 =	vsub.bf16 v3, v4;
	v3 =	vsub.bf16 v5, v6  }
0x2dc: {  	v4 =	vsub.bf16 v7, v8;
	v5 =	vsub.bf16 v9, v10  }
0x2dd: {  	v6 =	vsub.bf16 v11, v12;
	v7 =	vsub.bf16 v13, v14  }
0x2de: {  	v8 =	vsub.bf16 v15, v16;
	v9 =	vunpack.i.u.bf16.f32 v1;
	v1 =	vunpack.i.l.bf16.f32 v1  }
0x2df: {  	v10 =	vunpack.i.u.bf16.f32 v2;
	v2 =	vunpack.i.l.bf16.f32 v2;
	v11 =	vunpack.i.u.bf16.f32 v3  }
0x2e0: {  	v3 =	vunpack.i.l.bf16.f32 v3;
	v12 =	vunpack.i.u.bf16.f32 v4;
	v14 =	vunpack.i.u.bf16.f32 v5  }
0x2e1: {  	v17 =	vld [tilespmem:s31+$0xFFFFFF90];
	v5 =	vunpack.i.l.bf16.f32 v5;
	v15 =	vunpack.i.u.bf16.f32 v6;
	v6 =	vunpack.i.l.bf16.f32 v6  }
0x2e2: {  	v19 =	vld [tilespmem:s1+$0xFFFFFFA0];
	v18 =	vunpack.i.u.bf16.f32 v7;
	v1 =	vmul.f32 v1, v1;
	v9 =	vmul.f32 v9, v9  }
0x2e3: {  	v20 =	vld [tilespmem:s31+$0xFFFFFFA0];
	v7 =	vunpack.i.l.bf16.f32 v7;
	v3 =	vmul.f32 v3, v3;
	v11 =	vmul.f32 v11, v11  }
0x2e4: {  	v22 =	vld [tilespmem:s1+$0xFFFFFFB0];
	v21 =	vunpack.i.u.bf16.f32 v8;
	v5 =	vmul.f32 v5, v5;
	v14 =	vmul.f32 v14, v14  }
0x2e5: {  	v23 =	vld [tilespmem:s31+$0xFFFFFFB0];
	v8 =	vunpack.i.l.bf16.f32 v8;
	v6 =	vmul.f32 v6, v6;
	v7 =	vmul.f32 v7, v7  }
0x2e6: {  	s26 =	simm.s32 $0x16110;
	v24 =	vld [tilespmem:s1+$0xFFFFFF80];
	v4 =	vunpack.i.l.bf16.f32 v4;
	v18 =	vmul.f32 v18, v18;
	v8 =	vmul.f32 v8, v8  }
0x2e7: {  	v52 =	vld [tilespmem:s26+$0x40];
	v15 =	vmul.f32 v15, v15;
	v21 =	vmul.f32 v21, v21;
	v5 =	vadd.f32 v7, v5  }
0x2e8: {  	v13 =	vld [tilespmem:s31+$0xFFFFFF80];
	v4 =	vmul.f32 v4, v4;
	v7 =	vadd.f32 v18, v14;
	v6 =	vadd.f32 v8, v6  }
0x2e9: {  	v16 =	vld [tilespmem:s1+$0xFFFFFF90];
	v12 =	vmul.f32 v12, v12;
	v8 =	vadd.f32 v21, v15;
	v3 =	vadd.f32 v3, v5  }
0x2ea: {  	v2 =	vmul.f32 v2, v2;
	v14 =	vld [tilespmem:s1+$0xFFFFFFC0];
	v5 =	vadd.f32 v11, v7;
	v4 =	vadd.f32 v4, v6  }
0x2eb: {  	s0 =	simm.s32 $0x18110;
	v15 =	vld [tilespmem:s31+$0xFFFFFFC0];
	v6 =	vadd.f32 v12, v8;
	v8 =	vmul.f32 v10, v10;
	v12 =	vsub.bf16 v19, v20  }
0x2ec: {  	v53 =	vld [tilespmem:s0+$0x40];
	v1 =	vadd.f32 v1, v3;
	v3 =	vadd.f32 v9, v5  }
0x2ed: {  	v25 =	vld [tilespmem:s26+$0x50];
	v2 =	vadd.f32 v2, v4;
	v4 =	vadd.f32 v8, v6  }
0x2ee: {  	v7 =	vld [tilespmem:s1+$0xFFFFFFD0];
	v8 =	vsub.bf16 v24, v13;
	v9 =	vsub.bf16 v16, v17  }
0x2ef: {  	v10 =	vld [tilespmem:s31+$0xFFFFFFD0];
	v13 =	vsub.bf16 v22, v23;
	v18 =	vunpack.i.u.bf16.f32 v12;
	v12 =	vunpack.i.l.bf16.f32 v12  }
0x2f0: {  	v5 =	vld [tilespmem:s1+$0xFFFFFFE0];
	v14 =	vsub.bf16 v14, v15;
	v12 =	vmul.f32 v12, v12;
	v18 =	vmul.f32 v18, v18  }
0x2f1: {  	v6 =	vld [tilespmem:s31+$0xFFFFFFE0];
	v1 =	vadd.f32 v1, v3;
	v2 =	vadd.f32 v2, v4;
	v4 =	vunpack.i.u.bf16.f32 v8  }
0x2f2: {  	v55 =	vld [tilespmem:s26+$0x10];
	v8 =	vunpack.i.l.bf16.f32 v8;
	v16 =	vunpack.i.u.bf16.f32 v9;
	v9 =	vunpack.i.l.bf16.f32 v9  }
0x2f3: {  	v11 =	vld [tilespmem:s1+$0xFFFFFFF0];
	v20 =	vunpack.i.u.bf16.f32 v13;
	v13 =	vunpack.i.l.bf16.f32 v13;
	v8 =	vmul.f32 v8, v8  }
0x2f4: {  	v3 =	vld [tilespmem:s31+$0xFFFFFFF0];
	v4 =	vmul.f32 v4, v4;
	v7 =	vsub.bf16 v7, v10;
	v9 =	vmul.f32 v9, v9  }
0x2f5: {  	v26 =	vld [tilespmem:s0+$0x10];
	v16 =	vmul.f32 v16, v16;
	v51 =	vunpack.i.u.bf16.f32 v14;
	v14 =	vunpack.i.l.bf16.f32 v14  }
0x2f6: {  	v19 =	vld [tilespmem:s0+$0x60];
	v13 =	vmul.f32 v13, v13;
	v20 =	vmul.f32 v20, v20;
	v5 =	vsub.bf16 v5, v6  }
0x2f7: {  	v17 =	vld [tilespmem:s26+$0x60];
	v54 =	vunpack.i.u.bf16.f32 v7;
	v8 =	vadd.f32 v12, v8;
	v4 =	vadd.f32 v18, v4  }
0x2f8: {  	v15 =	vld [tilespmem:s26+$0x70];
	v6 =	vunpack.i.l.bf16.f32 v7;
	v9 =	vadd.f32 v13, v9;
	v13 =	vadd.f32 v20, v16  }
0x2f9: {  	v7 =	vld [tilespmem:s0+$0x50];
	v6 =	vmul.f32 v6, v6;
	v18 =	vmul.f32 v54, v54;
	v3 =	vsub.bf16 v11, v3  }
0x2fa: {  	v10 =	vld [tilespmem:s0+$0x70];
	v11 =	vmul.f32 v14, v14;
	v20 =	vunpack.i.u.bf16.f32 v5;
	v5 =	vunpack.i.l.bf16.f32 v5  }
0x2fb: {  	v12 =	vld [tilespmem:s26+$0x0];
	v14 =	vmul.f32 v51, v51;
	v5 =	vmul.f32 v5, v5;
	v6 =	vadd.f32 v6, v9  }
0x2fc: {  	v16 =	vld [tilespmem:s0+$0x0];
	v9 =	vadd.f32 v18, v13;
	v56 =	vunpack.i.u.bf16.f32 v3;
	v8 =	vadd.f32 v11, v8  }
0x2fd: {  	v13 =	vld [tilespmem:s0+$0x20];
	v3 =	vunpack.i.l.bf16.f32 v3;
	v4 =	vadd.f32 v14, v4;
	v14 =	vmul.f32 v20, v20  }
0x2fe: {  	v18 =	vld [tilespmem:s26+$0x30];
	v3 =	vmul.f32 v3, v3;
	v7 =	vsub.bf16 v25, v7;
	v5 =	vadd.f32 v5, v8  }
0x2ff: {  	v11 =	vld [tilespmem:s26+$0x20];
	v8 =	vmul.f32 v56, v56;
	v4 =	vadd.f32 v14, v4;
	v14 =	vadd.f32 v2, v1  }
0x300: {  	v20 =	vld [tilespmem:s0+$0x30];
	v2 =	vadd.f32 v3, v6;
	v6 =	vsub.bf16 v52, v53  }
0x301: {  	v3 =	vadd.f32 v8, v9;
	v1 =	vadd.f32 v5, v4  }
0x302: {  	v4 =	vsub.bf16 v17, v19;
	v5 =	vsub.bf16 v15, v10  }
0x303: {  	v8 =	vsub.bf16 v12, v16;
	v9 =	vsub.bf16 v55, v26  }
0x304: {  	v16 =	vunpack.i.u.bf16.f32 v7;
	v7 =	vunpack.i.l.bf16.f32 v7;
	v10 =	vsub.bf16 v11, v13  }
0x305: {  	v11 =	vsub.bf16 v18, v20;
	v63 =	vmul.f32 v7, v7;
	v16 =	vmul.f32 v16, v16  }
0x306: {  	v12 =	vunpack.i.u.bf16.f32 v4;
	v4 =	vunpack.i.l.bf16.f32 v4;
	v13 =	vunpack.i.u.bf16.f32 v5  }
0x307: {  	v15 =	vunpack.i.l.bf16.f32 v5;
	v5 =	vunpack.i.u.bf16.f32 v6;
	v17 =	vunpack.i.u.bf16.f32 v8  }
0x308: {  	v59 =	vld [tilespmem:s0+$0xFFFFFF90];
	v8 =	vunpack.i.l.bf16.f32 v8;
	v18 =	vunpack.i.u.bf16.f32 v9;
	v9 =	vunpack.i.l.bf16.f32 v9  }
0x309: {  	v61 =	vld [tilespmem:s0+$0xFFFFFFA0];
	v4 =	vmul.f32 v4, v4;
	v57 =	vunpack.i.u.bf16.f32 v10;
	v58 =	vmul.f32 v5, v5  }
0x30a: {  	v62 =	vld [tilespmem:s26+$0xFFFFFFB0];
	v5 =	vmul.f32 v8, v8;
	v8 =	vmul.f32 v17, v17;
	v10 =	vunpack.i.l.bf16.f32 v10  }
0x30b: {  	v27 =	vld [tilespmem:s0+$0xFFFFFFB0];
	v9 =	vmul.f32 v9, v9;
	v18 =	vmul.f32 v18, v18;
	v60 =	vunpack.i.u.bf16.f32 v11  }
0x30c: {  	v28 =	vld [tilespmem:s26+$0xFFFFFF80];
	v11 =	vunpack.i.l.bf16.f32 v11;
	v10 =	vmul.f32 v10, v10;
	v21 =	vmul.f32 v57, v57  }
0x30d: {  	v19 =	vld [tilespmem:s0+$0xFFFFFF80];
	v6 =	vunpack.i.l.bf16.f32 v6;
	v11 =	vmul.f32 v11, v11;
	v24 =	vmul.f32 v60, v60  }
0x30e: {  	v20 =	vld [tilespmem:s26+$0xFFFFFF90];
	v6 =	vmul.f32 v6, v6;
	v10 =	vadd.f32 v10, v5;
	v8 =	vadd.f32 v21, v8  }
0x30f: {  	v7 =	vld [tilespmem:s0+$0xFFFFFFC0];
	v12 =	vmul.f32 v12, v12;
	v9 =	vadd.f32 v11, v9;
	v11 =	vadd.f32 v24, v18  }
0x310: {  	v17 =	vld [tilespmem:s26+$0xFFFFFFA0];
	v15 =	vmul.f32 v15, v15;
	v6 =	vadd.f32 v6, v10;
	v10 =	vadd.f32 v58, v8  }
0x311: {  	v13 =	vmul.f32 v13, v13;
	v5 =	vld [tilespmem:s26+$0xFFFFFFC0];
	v9 =	vadd.f32 v63, v9;
	v11 =	vadd.f32 v16, v11  }
0x312: {  	v8 =	vld [tilespmem:s26+$0xFFFFFFD0];
	v16 =	vadd.f32 v4, v6;
	v12 =	vadd.f32 v12, v10  }
0x313: {  	v10 =	vld [tilespmem:s0+$0xFFFFFFD0];
	v9 =	vadd.f32 v15, v9;
	v11 =	vadd.f32 v13, v11  }
0x314: {  	v19 =	vsub.bf16 v28, v19;
	v4 =	vld [tilespmem:s26+$0xFFFFFFE0];
	v15 =	vsub.bf16 v20, v59  }
0x315: {  	v6 =	vld [tilespmem:s0+$0xFFFFFFE0];
	v12 =	vadd.f32 v16, v12;
	v20 =	vadd.f32 v9, v11  }
0x316: {  	s1 =	simm.s32 $0x1DF90;
	v18 =	vsub.bf16 v17, v61;
	v17 =	vsub.bf16 v62, v27;
	v13 =	vunpack.i.u.bf16.f32 v19;
	v9 =	vld [tilespmem:s26+$0xFFFFFFF0]  }
0x317: {  	s28 =	simm.s32 $0x2;
	s29 =	simm.s32 $0x16210;
	[tilespmem:s1+$0x18] =	vst v14;
	v11 =	vld [tilespmem:s0+$0xFFFFFFF0];
	v16 =	vunpack.i.l.bf16.f32 v19;
	v14 =	vunpack.i.u.bf16.f32 v15;
	s26 =	simm.s32 $0x1DF90;
	v12 =	vadd.f32 v20, v12  }
.LBB2_8:
0x318: {  	v19 =	vld [tilespmem:s29+$0x60];
	v15 =	vunpack.i.l.bf16.f32 v15;
	v20 =	vunpack.i.u.bf16.f32 v18;
	v18 =	vunpack.i.l.bf16.f32 v18;
	s0 =	sadd.s32 $0x100, s0;
	s1 =	sadd.s32 $0x30, s1  }
0x319: {  	v22 =	vunpack.i.u.bf16.f32 v17;
	v17 =	vunpack.i.l.bf16.f32 v17;
	v5 =	vsub.bf16 v5, v7;
	v21 =	vld [tilespmem:s0+$0x60];
	[tilespmem:s1+$0x18] =	vst v12  }
0x31a: {  	v13 =	vmul.f32 v13, v13;
	v8 =	vsub.bf16 v8, v10;
	v12 =	vmul.f32 v16, v16;
	v7 =	vld [tilespmem:s29+$0x70]  }
0x31b: {  	v14 =	vmul.f32 v14, v14;
	v15 =	vmul.f32 v15, v15;
	v16 =	vunpack.i.u.bf16.f32 v5;
	v10 =	vld [tilespmem:s0+$0x70]  }
0x31c: {  	v18 =	vmul.f32 v18, v18;
	v20 =	vmul.f32 v20, v20;
	v5 =	vunpack.i.l.bf16.f32 v5;
	v23 =	vld [tilespmem:s29+$0x40]  }
0x31d: {  	v17 =	vmul.f32 v17, v17;
	v22 =	vmul.f32 v22, v22;
	v25 =	vunpack.i.u.bf16.f32 v8;
	v24 =	vld [tilespmem:s0+$0x40]  }
0x31e: {  	v4 =	vsub.bf16 v4, v6;
	v6 =	vsub.bf16 v9, v11;
	v8 =	vunpack.i.l.bf16.f32 v8;
	v26 =	vld [tilespmem:s29+$0x50]  }
0x31f: {  	v11 =	vadd.f32 v18, v12;
	v12 =	vadd.f32 v20, v13;
	v5 =	vmul.f32 v5, v5;
	v9 =	vld [tilespmem:s0+$0x50]  }
0x320: {  	v15 =	vadd.f32 v17, v15;
	v14 =	vadd.f32 v22, v14;
	v16 =	vmul.f32 v16, v16;
	v13 =	vld [tilespmem:s29+$0x0]  }
0x321: {  	v8 =	vmul.f32 v8, v8;
	v18 =	vmul.f32 v25, v25;
	v20 =	vunpack.i.u.bf16.f32 v4;
	v17 =	vld [tilespmem:s0+$0x0]  }
0x322: {  	v4 =	vunpack.i.l.bf16.f32 v4;
	v25 =	vunpack.i.u.bf16.f32 v6;
	v6 =	vunpack.i.l.bf16.f32 v6;
	v22 =	vld [tilespmem:s29+$0x10]  }
0x323: {  	v4 =	vmul.f32 v4, v4;
	v5 =	vadd.f32 v5, v11;
	v11 =	vadd.f32 v16, v12;
	v27 =	vld [tilespmem:s0+$0x10]  }
0x324: {  	v8 =	vadd.f32 v8, v15;
	v14 =	vadd.f32 v18, v14;
	v15 =	vmul.f32 v20, v20;
	v12 =	vld [tilespmem:s29+$0x20]  }
0x325: {  	v4 =	vadd.f32 v4, v5;
	v5 =	vmul.f32 v6, v6;
	v6 =	vmul.f32 v25, v25;
	v16 =	vld [tilespmem:s0+$0x20]  }
0x326: {  	v11 =	vadd.f32 v15, v11;
	v15 =	vadd.f32 v2, v3;
	v18 =	vld [tilespmem:s29+$0x30]  }
0x327: {  	v2 =	vadd.f32 v5, v8;
	v3 =	vadd.f32 v6, v14;
	v20 =	vld [tilespmem:s0+$0x30]  }
0x328: {  	v5 =	vadd.f32 v15, v1;
	v1 =	vadd.f32 v4, v11;
	v14 =	vld [tilespmem:s0+$0xFFFFFF80]  }
0x329: {  	v4 =	vsub.bf16 v19, v21;
	v6 =	vsub.bf16 v7, v10;
	v15 =	vld [tilespmem:s29+$0xFFFFFF90]  }
0x32a: {  	v7 =	vsub.bf16 v23, v24;
	v9 =	vsub.bf16 v26, v9;
	v19 =	vld [tilespmem:s0+$0xFFFFFF90];
	[tilespmem:s26+$0x0] =	vst v5;
	s26 =	smov.u32 s1  }
0x32b: {  	v8 =	vsub.bf16 v22, v27;
	v5 =	vsub.bf16 v13, v17;
	v21 =	vld [tilespmem:s29+$0xFFFFFFA0]  }
0x32c: {  	v10 =	vsub.bf16 v12, v16;
	v12 =	vunpack.i.u.bf16.f32 v4;
	v17 =	vld [tilespmem:s0+$0xFFFFFFA0];
	v11 =	vsub.bf16 v18, v20  }
0x32d: {  	s28 =	sadd.s32 $0x2, s28;
	v4 =	vunpack.i.l.bf16.f32 v4;
	v13 =	vunpack.i.u.bf16.f32 v6;
	v18 =	vunpack.i.l.bf16.f32 v6;
	v16 =	vld [tilespmem:s29+$0xFFFFFFB0]  }
0x32e: {  	p0 =	slt.u32 s28, $0x6;
	v23 =	vunpack.i.u.bf16.f32 v9;
	v22 =	vunpack.i.l.bf16.f32 v7;
	v6 =	vunpack.i.u.bf16.f32 v7;
	v20 =	vld [tilespmem:s0+$0xFFFFFFB0]  }
0x32f: {  	v27 =	vunpack.i.u.bf16.f32 v8;
	v25 =	vunpack.i.u.bf16.f32 v5;
	v26 =	vunpack.i.l.bf16.f32 v5;
	v24 =	vld [tilespmem:s29+$0xFFFFFF80]  }
0x330: {  	v28 =	vunpack.i.l.bf16.f32 v8;
	v29 =	vmul.f32 v4, v4;
	v12 =	vmul.f32 v12, v12;
	v5 =	vld [tilespmem:s29+$0xFFFFFFC0]  }
0x331: {  	v22 =	vmul.f32 v22, v22;
	v30 =	vunpack.i.u.bf16.f32 v10;
	v31 =	vmul.f32 v6, v6;
	v7 =	vld [tilespmem:s0+$0xFFFFFFC0]  }
0x332: {  	v26 =	vmul.f32 v26, v26;
	v25 =	vmul.f32 v25, v25;
	v6 =	vunpack.i.l.bf16.f32 v10;
	v8 =	vld [tilespmem:s29+$0xFFFFFFD0]  }
0x333: {  	v28 =	vmul.f32 v28, v28;
	v27 =	vmul.f32 v27, v27;
	v32 =	vunpack.i.u.bf16.f32 v11;
	v10 =	vld [tilespmem:s0+$0xFFFFFFD0]  }
0x334: {  	v30 =	vmul.f32 v30, v30;
	v33 =	vmul.f32 v6, v6;
	v11 =	vunpack.i.l.bf16.f32 v11;
	v4 =	vld [tilespmem:s29+$0xFFFFFFE0]  }
0x335: {  	v34 =	vmul.f32 v11, v11;
	v32 =	vmul.f32 v32, v32;
	v11 =	vunpack.i.l.bf16.f32 v9;
	v6 =	vld [tilespmem:s0+$0xFFFFFFE0]  }
0x336: {  	v25 =	vadd.f32 v30, v25;
	v26 =	vadd.f32 v33, v26;
	v30 =	vmul.f32 v11, v11;
	v9 =	vld [tilespmem:s29+$0xFFFFFFF0]  }
0x337: {  	v23 =	vmul.f32 v23, v23;
	v28 =	vadd.f32 v34, v28;
	v27 =	vadd.f32 v32, v27;
	v11 =	vld [tilespmem:s0+$0xFFFFFFF0]  }
0x338: {  	v18 =	vmul.f32 v18, v18;
	v25 =	vadd.f32 v31, v25;
	v22 =	vadd.f32 v22, v26  }
0x339: {  	v13 =	vmul.f32 v13, v13;
	v26 =	vadd.f32 v30, v28;
	v23 =	vadd.f32 v23, v27  }
0x33a: {  	v12 =	vadd.f32 v12, v25;
	v22 =	vadd.f32 v29, v22  }
.Ltmp3:
0x33b: {  	v18 =	vadd.f32 v18, v26;
	v13 =	vadd.f32 v13, v23;
	(pc) =	sbr.rel @p0 .LBB2_8-.Ltmp3, $4  }
0x33c: {  	v15 =	vsub.bf16 v15, v19;
	v14 =	vsub.bf16 v24, v14  }
0x33d: {  	v12 =	vadd.f32 v22, v12;
	v19 =	vadd.f32 v18, v13  }
0x33e: {  	v13 =	vunpack.i.u.bf16.f32 v14;
	v18 =	vsub.bf16 v21, v17;
	v17 =	vsub.bf16 v16, v20  }
0x33f: {  	s29 =	sadd.s32 $0x100, s29;
	v16 =	vunpack.i.l.bf16.f32 v14;
	v14 =	vunpack.i.u.bf16.f32 v15;
	v12 =	vadd.f32 v19, v12  }
0x340: {  	v15 =	vunpack.i.l.bf16.f32 v15;
	v19 =	vunpack.i.u.bf16.f32 v18  }
0x341: {  	v34 =	vunpack.i.l.bf16.f32 v18;
	v20 =	vunpack.i.u.bf16.f32 v17;
	v37 =	vunpack.i.l.bf16.f32 v17  }
0x342: {  	v5 =	vsub.bf16 v5, v7;
	v38 =	vmul.f32 v16, v16;
	v13 =	vmul.f32 v13, v13  }
0x343: {  	v8 =	vsub.bf16 v8, v10;
	v14 =	vmul.f32 v14, v14;
	v39 =	vmul.f32 v15, v15  }
0x344: {  	v4 =	vsub.bf16 v4, v6;
	v41 =	vmul.f32 v34, v34;
	v42 =	vmul.f32 v19, v19  }
0x345: {  	v45 =	vsub.bf16 v9, v11;
	v17 =	vmul.f32 v37, v37;
	v43 =	vmul.f32 v20, v20  }
0x346: {  	v40 =	vunpack.i.u.bf16.f32 v5;
	v5 =	vunpack.i.l.bf16.f32 v5;
	v44 =	vunpack.i.u.bf16.f32 v8  }
0x347: {  	v8 =	vunpack.i.l.bf16.f32 v8;
	v50 =	vunpack.i.u.bf16.f32 v4;
	v4 =	vunpack.i.l.bf16.f32 v4  }
0x348: {  	v51 =	vunpack.i.u.bf16.f32 v45;
	v6 =	vunpack.i.l.bf16.f32 v45;
	v7 =	vadd.f32 v41, v38  }
0x349: {  	v46 =	vadd.f32 v42, v13;
	v5 =	vmul.f32 v5, v5;
	v47 =	vmul.f32 v40, v40  }
0x34a: {  	v10 =	vadd.f32 v17, v39;
	v8 =	vmul.f32 v8, v8;
	v49 =	vmul.f32 v44, v44  }
0x34b: {  	v48 =	vadd.f32 v43, v14;
	v4 =	vmul.f32 v4, v4;
	v53 =	vmul.f32 v50, v50  }
0x34c: {  	v6 =	vmul.f32 v6, v6;
	v5 =	vadd.f32 v5, v7;
	v52 =	vadd.f32 v47, v46  }
0x34d: {  	v55 =	vmul.f32 v51, v51;
	v8 =	vadd.f32 v8, v10;
	v54 =	vadd.f32 v49, v48  }
0x34e: {  	v4 =	vadd.f32 v4, v5;
	v56 =	vadd.f32 v53, v52  }
0x34f: {  	v6 =	vadd.f32 v6, v8;
	v57 =	vadd.f32 v55, v54  }
0x350: {  	v2 =	vadd.f32 v2, v3  }
0x351: {  	v3 =	vadd.f32 v4, v56;
	v58 =	vadd.f32 v6, v57  }
0x352: {  	s0 =	sadd.s32 $0x30, s1;
	v1 =	vadd.f32 v2, v1  }
0x353: {  	[tilespmem:s0+$0x18] =	vst v12;
	v2 =	vadd.f32 v58, v3  }
0x354: {  	[tilespmem:s26+$0x0] =	vst v1  }
0x355: {  	[tilespmem:s0+$0x0] =	vst v2  }
0x356: {  	v3 =	vld [tilespmem:$0x1FF30];
	_ =	sdelay $0x3  }
0x357: {  	v1 =	vld.idx.msk [tilespmem:v0+s24+$0x0], $0xffff;
	_ =	sdelay $0x1  }
0x358: {  	v2 =	vld.idx.msk [tilespmem:v35+s24+$0x0], $0xffff;
	_ =	sdelay $0x1  }
0x359: {  	v3 =	vld.idx.msk [tilespmem:v3+s24+$0x0], $0xffff  }
0x35a: {  	v59 =	vld [tilespmem:$0x1FF40];
	v1 =	vadd.f32 $0.0e+00, v1;
	_ =	sdelay $0x1  }
0x35b: {  	v1 =	vadd.f32 v2, v1;
	v2 =	vld [tilespmem:$0x1FF50];
	_ =	sdelay $0x1  }
0x35c: {  	v1 =	vadd.f32 v3, v1;
	v3 =	vld [tilespmem:$0x1FF60];
	_ =	sdelay $0x3  }
0x35d: {  	v4 =	vld.idx.msk [tilespmem:v59+s24+$0x0], $0xffff;
	_ =	sdelay $0x1  }
0x35e: {  	v2 =	vld.idx.msk [tilespmem:v2+s24+$0x0], $0xffff;
	_ =	sdelay $0x1  }
0x35f: {  	v3 =	vld.idx.msk [tilespmem:v3+s24+$0x0], $0xffff  }
0x360: {  	v60 =	vld [tilespmem:$0x1FF70];
	v1 =	vadd.f32 v4, v1;
	_ =	sdelay $0x1  }
0x361: {  	v1 =	vadd.f32 v2, v1;
	v2 =	vld [tilespmem:$0x1FF80];
	_ =	sdelay $0x1  }
0x362: {  	v1 =	vadd.f32 v3, v1;
	v3 =	vld [tilespmem:$0x1FF90];
	_ =	sdelay $0x3  }
0x363: {  	v4 =	vld.idx.msk [tilespmem:v60+s24+$0x0], $0xffff;
	_ =	sdelay $0x1  }
0x364: {  	v2 =	vld.idx.msk [tilespmem:v2+s24+$0x0], $0xffff;
	_ =	sdelay $0x1  }
0x365: {  	v3 =	vld.idx.msk [tilespmem:v3+s24+$0x0], $0xffff  }
0x366: {  	v61 =	vld [tilespmem:$0x1FFA0];
	v1 =	vadd.f32 v4, v1;
	_ =	sdelay $0x1  }
0x367: {  	v1 =	vadd.f32 v2, v1;
	v2 =	vld [tilespmem:$0x1FFB0];
	_ =	sdelay $0x1  }
0x368: {  	v1 =	vadd.f32 v3, v1;
	v3 =	vld [tilespmem:$0x1FFC0];
	_ =	sdelay $0x3  }
0x369: {  	v4 =	vld.idx.msk [tilespmem:v61+s24+$0x0], $0xffff;
	_ =	sdelay $0x1  }
0x36a: {  	v2 =	vld.idx.msk [tilespmem:v2+s24+$0x0], $0xffff;
	_ =	sdelay $0x1  }
0x36b: {  	v3 =	vld.idx.msk [tilespmem:v3+s24+$0x0], $0xffff  }
0x36c: {  	v62 =	vld [tilespmem:$0x1FFD0];
	v1 =	vadd.f32 v4, v1;
	_ =	sdelay $0x1  }
0x36d: {  	v1 =	vadd.f32 v2, v1;
	v2 =	vld [tilespmem:$0x1FFE0];
	_ =	sdelay $0x1  }
0x36e: {  	v1 =	vadd.f32 v3, v1;
	v3 =	vld [tilespmem:$0x1FAB0];
	_ =	sdelay $0x1  }
0x36f: {  	v63 =	vld [tilespmem:$0x1FAD0];
	_ =	sdelay $0x1  }
0x370: {  	v4 =	vld.idx.msk [tilespmem:v62+s24+$0x0], $0xffff;
	_ =	sdelay $0x1  }
0x371: {  	v2 =	vld.idx.msk [tilespmem:v2+s24+$0x0], $0xffff;
	_ =	sdelay $0x1  }
0x372: {  	v3 =	vld.idx.msk [tilespmem:v3+s24+$0x0], $0xffff  }
0x373: {  	v1 =	vadd.f32 v4, v1  }
0x374: {  	v4 =	vld.idx.msk [tilespmem:v63+s24+$0x0], $0xffff  }
0x375: {  	v1 =	vadd.f32 v2, v1;
	_ =	sdelay $0x1  }
0x376: {  	v1 =	vadd.f32 v3, v1;
	_ =	sdelay $0x1  }
0x377: {  	v1 =	vadd.f32 v4, v1;
	_ =	sdelay $0x1  }
0x378: {  	v2 =	vshra.s32 v1, $0x1  }
0x379: {  	v2 =	vadd.s32 $0x1FBD1DF5, v2  }
0x37a: {  	(erf) = vrcp.f32 v2;
	_ =	sdelay $0x8  }
0x37b: {  	v3 =	vpop (erf)  }
0x37c: {  	v3 =	vmul.f32 v3, v1;
	_ =	sdelay $0x1  }
0x37d: {  	v2 =	vadd.f32 v2, v3;
	_ =	sdelay $0x1  }
0x37e: {  	v2 =	vmul.f32 $5.000000000e-01, v2;
	_ =	sdelay $0x1  }
0x37f: {  	(erf) = vrcp.f32 v2;
	_ =	sdelay $0x8  }
0x380: {  	v3 =	vpop (erf)  }
0x381: {  	v3 =	vmul.f32 v3, v1;
	_ =	sdelay $0x1  }
0x382: {  	v2 =	vadd.f32 v3, v2;
	_ =	sdelay $0x1  }
0x383: {  	v2 =	vmul.f32 $5.000000000e-01, v2;
	_ =	sdelay $0x1  }
0x384: {  	(erf) = vrcp.f32 v2;
	_ =	sdelay $0x8  }
0x385: {  	v3 =	vpop (erf)  }
0x386: {  	v1 =	vmul.f32 v3, v1;
	_ =	sdelay $0x1  }
0x387: {  	v1 =	vadd.f32 v1, v2;
	_ =	sdelay $0x1  }
0x388: {  	v1 =	vmul.f32 $5.000000000e-01, v1;
	_ =	sdelay $0x1  }
0x389: {  	v1 =	vsub.f32 $1.000000000e+01, v1;
	_ =	sdelay $0x1  }
0x38a: {  	v1 =	vmax.f32 v1, $0.0e+00  }
0x38b: {  	v1 =	vnsel vm0, $0x0, v1  }
0x38c: {  	s30 =	sadd.s32 $0x1, s30;
	v1 =	vadd.f32 v1, v36  }
0x38d: {  	p0 =	sne.s32 s30, s10  }
.Ltmp4:
0x38e: {  	s31 =	simm.s32 $0x1E590;
	[tilespmem:$0x1E590] =	vst v1;
	(pc) =	sbr.rel @p0 .LBB2_1-.Ltmp4, $4  }
0x38f: {  	[hbm4b:s9+s3] =	stream.linear.scatter [tilespmem:s31], [sflag:$0x5], $0x10, $0x38;
	[tilespmem:$0x1E5A0] =	vst v63  }
0x390: {  	_ =	swait.ge [sflag:s12], $0x10  }
0x391: {  	[sflag:s12] =	ssyncset.done $0x0  }
0x392: {  	[sflag:s12] =	ssyncadd.s32 $0xFFFFFFF0  }
0x393: {  	_ =	sfence.sel $0x180000  }
0x394: {  	[bflag:$0x0] =	sbarrier.arrive $0xFFFF  }
0x395: {  	_ =	strace $0x90000047  }
0x396: {  	s0 =	stileid.u32;
	[bflag:$0x2] =	sbarrier.arrive $0xFFFF  }
0x397: {  	p0 =	sne.s32 s0, $0x0;
	s0 =	rddreg [dreg:$0x2]  }
0x398: {  	s0 =	sadd.s32 @!p0 $0x100000, s0  }
0x399: {  	[sflag:s0] =	ssyncadd.tile.s32 @!p0 $0x1;
	_ =	shalt  }
.Lfunc_end2:
_tile_overlayer_lowered:
.L_overlay_start_2:
0x39a: {  	(tag) =	ssettag $0x2  }
0x39b: {  	s0 =	rddreg [dreg:$0x0];
	s2 =	stileid.u32  }
0x39c: {  	s1 =	rddreg [dreg:$0x1];
	p0 =	sne.s32 s2, $0x0  }
0x39d: {  	s3 =	rddreg [dreg:$0x2];
	[bflag:$0x3] =	sbarrier.arrive $0xFFFF;
	s2 =	simm.s32 @!p0 $0x1C05  }
0x39e: {  	[timem:s3], [sflag:s2] =	dma.local @!p0 [hbm:s0], s1  }
0x39f: {  	s0 =	simm.s32 @!p0 $0x5  }
0x3a0: {  	_ =	swait.ge @!p0 [sflag:s0], s1  }
0x3a1: {  	s1 =	ssub.s32 @!p0 $0x0, s1;
	[sflag:s0] =	ssyncset.done @!p0 $0x0  }
0x3a2: {  	[sflag:s0] =	ssyncadd.s32 @!p0 s1  }
0x3a3: {  	[bflag:$0x3] =	sbarrier.arrive $0xFFFF  }
0x3a4: {  	_ =	shalt  }

</sc_bundles>
